<compile_context>
chip_gen: v7x
topology: tpu7x:2x2x1
jax: 0.10.2.dev20260603
libtpu: 0.0.44.dev20260713+nightly
codegen_flags: <defaults>
</compile_context>

<pallas_src>
import functools

import jax
import jax.numpy as jnp
from jax import lax
from jax.experimental import pallas as pl
from jax.experimental.pallas import tpu as pltpu
from jax.experimental.pallas import tpu_sc as plsc

_N = 10000
_D = 128
_H = 256
_C = 10
_G = 64
_E = 320000

_NC = 2
_NS = 16
_NW = _NC * _NS

_CHUNK = 128
_CPT = 80
_CPH = 40
_EPAD = _NW * _CPT * _CHUNK
_RPT = 640
_NP = _NS * _RPT

@functools.cache
def _sc_kernels():
    mesh = plsc.VectorSubcoreMesh(
        core_axis_name="c", subcore_axis_name="s", num_cores=_NC, num_subcores=_NS
    )

    @functools.partial(
        pl.kernel,
        out_type=jax.ShapeDtypeStruct((_NC, _NP, _D), jnp.float32),
        mesh=mesh,
        scratch_types=[
            pltpu.VMEM((_CPT, _CHUNK), jnp.int32),
            pltpu.VMEM((_CHUNK, _D), jnp.float32),
            pltpu.VMEM_SHARED((_NP, _D), jnp.float32),
            pltpu.SemaphoreType.DMA,
        ],
    )
    def _deg(dstp_hbm, onerows_hbm, zblk_hbm, out_hbm, dst_v, ones_v, sh, sem):
        c = lax.axis_index("c")
        s = lax.axis_index("s")
        wid = s * _NC + c
        pltpu.sync_copy(onerows_hbm, ones_v)
        pltpu.sync_copy(dstp_hbm.at[wid], dst_v)

        def zloop(i, carry):
            pltpu.sync_copy(zblk_hbm, sh.at[pl.ds(s * _RPT + i * _CHUNK, _CHUNK), :])
            return carry

        lax.fori_loop(0, _RPT // _CHUNK, zloop, 0)
        plsc.subcore_barrier()

        def eloop(ci, carry):
            pltpu.async_copy(ones_v, sh.at[dst_v.at[ci]], sem, add=True)
            return carry

        lax.fori_loop(0, _CPT, eloop, 0)

        def dloop(ci, carry):
            pltpu.make_async_copy(ones_v, sh.at[dst_v.at[0]], sem).wait()
            return carry

        lax.fori_loop(0, _CPT, dloop, 0)
        plsc.subcore_barrier()

        def oloop(i, carry):
            r0 = s * _RPT + i * _CHUNK
            pltpu.sync_copy(sh.at[pl.ds(r0, _CHUNK), :], out_hbm.at[c, pl.ds(r0, _CHUNK), :])
            return carry

        lax.fori_loop(0, _RPT // _CHUNK, oloop, 0)

    @functools.partial(
        pl.kernel,
        out_type=jax.ShapeDtypeStruct((_NC, _NP, _D), jnp.float32),
        mesh=mesh,
        scratch_types=[
            pltpu.VMEM((_CPH, _CHUNK), jnp.int32),
            pltpu.VMEM((_CPH, _CHUNK), jnp.int32),
            pltpu.VMEM((_CHUNK, _D), jnp.float32),
            pltpu.VMEM((_CHUNK, _D), jnp.float32),
            pltpu.VMEM_SHARED((_NP, _D), jnp.float32),
            pltpu.SemaphoreType.DMA,
            pltpu.SemaphoreType.DMA,
            pltpu.SemaphoreType.DMA,
            pltpu.SemaphoreType.DMA,
        ],
    )
    def _agg(hs_hbm, srcp_hbm, dstp_hbm, zblk_hbm, out_hbm,
             src_v, dst_v, rows0, rows1, acc_sh, g0, g1, s0, s1):
        c = lax.axis_index("c")
        s = lax.axis_index("s")
        wid = s * _NC + c
        rows = (rows0, rows1)

        def zloop(i, carry):
            pltpu.sync_copy(zblk_hbm, acc_sh.at[pl.ds(s * _RPT + i * _CHUNK, _CHUNK), :])
            return carry

        lax.fori_loop(0, _RPT // _CHUNK, zloop, 0)
        plsc.subcore_barrier()

        def drain_scatter(p):
            pltpu.make_async_copy(rows[p], acc_sh.at[dst_v.at[0]], (s0, s1)[p]).wait()

        def pair(g, drain_prev):
            i0 = 2 * g
            i1 = i0 + 1
            if drain_prev:
                drain_scatter(0)
            gd0 = pltpu.async_copy(hs_hbm.at[src_v.at[i0]], rows0, g0)
            if drain_prev:
                drain_scatter(1)
            gd1 = pltpu.async_copy(hs_hbm.at[src_v.at[i1]], rows1, g1)
            gd0.wait()
            pltpu.async_copy(rows0, acc_sh.at[dst_v.at[i0]], s0, add=True)
            gd1.wait()
            pltpu.async_copy(rows1, acc_sh.at[dst_v.at[i1]], s1, add=True)

        for h in range(_CPT // _CPH):
            if h > 0:
                drain_scatter(0)
                drain_scatter(1)
            pltpu.sync_copy(srcp_hbm.at[wid, pl.ds(h * _CPH, _CPH)], src_v)
            pltpu.sync_copy(dstp_hbm.at[wid, pl.ds(h * _CPH, _CPH)], dst_v)
            pair(0, False)

            def eloop(g, carry):
                pair(g, True)
                return carry

            lax.fori_loop(1, _CPH // 2, eloop, 0)

        drain_scatter(0)
        drain_scatter(1)
        plsc.subcore_barrier()

        def oloop(i, carry):
            r0 = s * _RPT + i * _CHUNK
            pltpu.sync_copy(acc_sh.at[pl.ds(r0, _CHUNK), :], out_hbm.at[c, pl.ds(r0, _CHUNK), :])
            return carry

        lax.fori_loop(0, _RPT // _CHUNK, oloop, 0)

    return _deg, _agg


def _tcmm_body(x_ref, w_ref, h_ref):
    h_ref[...] = jnp.dot(x_ref[...], w_ref[...], preferred_element_type=jnp.float32)


def _tcmm(x, w1):
    return pl.pallas_call(
        _tcmm_body,
        out_shape=jax.ShapeDtypeStruct((_N, _D), jnp.float32),
    )(x, w1)


def _tcscale_body(h_ref, dg_ref, hs_ref, dinv_ref):
    deg = dg_ref[0, :, :] + dg_ref[1, :, :] + 1.0
    dinv = lax.rsqrt(deg)
    hs_ref[...] = h_ref[...] * dinv
    dinv_ref[...] = dinv


def _tcscale(h, deg2):
    return pl.pallas_call(
        _tcscale_body,
        out_shape=(
            jax.ShapeDtypeStruct((_N, _D), jnp.float32),
            jax.ShapeDtypeStruct((_N, 1), jnp.float32),
        ),
    )(h, deg2)


def _bn_relu(t, g, be):
    mu = jnp.mean(t, axis=0, keepdims=True)
    var = jnp.mean((t - mu) ** 2, axis=0, keepdims=True)
    return jnp.maximum((t - mu) * lax.rsqrt(var + 1e-5) * g + be, 0.0)


def _tcmid_body(a_ref, hs_ref, dinv_ref, b_ref, g_ref, be_ref, w_ref, hs2_ref):
    p = a_ref[0, : _N, :] + a_ref[1, : _N, :]
    dinv = dinv_ref[...]
    t = (p + hs_ref[...]) * dinv + b_ref[...]
    h = _bn_relu(t, g_ref[...], be_ref[...])
    hs2_ref[...] = jnp.dot(h, w_ref[...], preferred_element_type=jnp.float32) * dinv


def _tcmid(agg, hs, dinv, b, g, be, w):
    return pl.pallas_call(
        _tcmid_body,
        out_shape=jax.ShapeDtypeStruct((_N, _D), jnp.float32),
    )(agg, hs, dinv, b, g, be, w)


def _tcfin_body(a_ref, hs_ref, dinv_ref, b_ref, g_ref, be_ref, batch_ref,
                w3_ref, b3_ref, g3_ref, be3_ref, w4_ref, b4_ref, out_ref):
    p = a_ref[0, : _N, :] + a_ref[1, : _N, :]
    t = (p + hs_ref[...]) * dinv_ref[...] + b_ref[...]
    h = _bn_relu(t, g_ref[...], be_ref[...])
    m = (batch_ref[...] == lax.broadcasted_iota(jnp.int32, (_N, _G), 1)).astype(jnp.float32)
    sums = lax.dot_general(m, h, (((0,), (0,)), ((), ())),
                           preferred_element_type=jnp.float32,
                           precision=lax.Precision.HIGHEST)
    cnts = jnp.sum(m, axis=0)[:, None]
    pooled = sums / jnp.maximum(cnts, 1.0)
    z = jnp.dot(pooled, w3_ref[...], preferred_element_type=jnp.float32) + b3_ref[...]
    z = _bn_relu(z, g3_ref[...], be3_ref[...])
    out_ref[...] = jnp.dot(z, w4_ref[...], preferred_element_type=jnp.float32) + b4_ref[...]


def _tcfin(agg, hs, dinv, b, g, be, batch2d, w3, b3, g3, be3, w4, b4):
    return pl.pallas_call(
        _tcfin_body,
        out_shape=jax.ShapeDtypeStruct((_G, _C), jnp.float32),
    )(agg, hs, dinv, b, g, be, batch2d, w3, b3, g3, be3, w4, b4)


def kernel(x, edge_index, batch, W1, b1, g1, be1, W2, b2, g2, be2,
           W3, b3, g3, be3, W4, b4):
    src = edge_index[0]
    dst = edge_index[1]
    npad = _EPAD - _E
    pad = jnp.arange(npad, dtype=jnp.int32)
    srcp = jnp.concatenate([src, pad % _N]).reshape(_NW, _CPT, _CHUNK)
    dstp = jnp.concatenate([dst, _N + pad % (_NP - _N)]).reshape(_NW, _CPT, _CHUNK)
    zblk = jnp.zeros((_CHUNK, _D), jnp.float32)
    onerows = jnp.ones((_CHUNK, _D), jnp.float32)

    _deg, _agg = _sc_kernels()
    h1 = _tcmm(x, W1)
    deg2 = _deg(dstp, onerows, zblk)[:, : _N, 0:1]
    hs1, dinv = _tcscale(h1, deg2)
    agg1 = _agg(hs1, srcp, dstp, zblk)
    hs2 = _tcmid(agg1, hs1, dinv, b1[None, :], g1[None, :], be1[None, :], W2)
    agg2 = _agg(hs2, srcp, dstp, zblk)
    out = _tcfin(agg2, hs2, dinv, b2[None, :], g2[None, :], be2[None, :],
                 batch[:, None], W3, b3[None, :], g3[None, :], be3[None, :],
                 W4, b4[None, :])
    return out

# --- scband reference (transcript-rebuilt; emitter-appended) ---
"""Pipeline reference for scband-gcnclassifier-63359357551098 (READ-ONLY COPY).

The authoritative reference and input builder live on the scoring server;
editing this copy changes nothing except your own understanding.
"""

import jax, jax.numpy as jnp
import numpy as np

N = 10000
E = 320000
D = 128
H = 256
C = 10
G = 64


def setup_inputs(seed: int = 0) -> dict:
    key = jax.random.key(seed)
    ks = jax.random.split(key, 8)
    inp = {}
    inp["x"] = jax.random.normal(ks[0], (N, D), dtype=jnp.float32)
    inp["edge_index"] = jax.random.randint(ks[1], (2, E), 0, N, dtype=jnp.int32)
    inp["batch"] = jnp.sort(jax.random.randint(ks[2], (N,), 0, G, dtype=jnp.int32))
    inp["W1"] = jax.random.normal(ks[3], (D, D), dtype=jnp.float32) * 0.05
    inp["b1"] = jnp.zeros((D,), jnp.float32)
    inp["g1"] = jnp.ones((D,), jnp.float32)
    inp["be1"] = jnp.zeros((D,), jnp.float32)
    inp["W2"] = jax.random.normal(ks[4], (D, D), dtype=jnp.float32) * 0.05
    inp["b2"] = jnp.zeros((D,), jnp.float32)
    inp["g2"] = jnp.ones((D,), jnp.float32)
    inp["be2"] = jnp.zeros((D,), jnp.float32)
    inp["W3"] = jax.random.normal(ks[5], (D, H), dtype=jnp.float32) * 0.05
    inp["b3"] = jnp.zeros((H,), jnp.float32)
    inp["g3"] = jnp.ones((H,), jnp.float32)
    inp["be3"] = jnp.zeros((H,), jnp.float32)
    inp["W4"] = jax.random.normal(ks[6], (H, C), dtype=jnp.float32) * 0.05
    inp["b4"] = jnp.zeros((C,), jnp.float32)
    return inp


def _bn(h, gamma, beta, eps=1e-5):
    mu = jnp.mean(h, axis=0)
    var = jnp.mean((h - mu) ** 2, axis=0)
    return (h - mu) / jnp.sqrt(var + eps) * gamma + beta


def _gcn_conv(x, W, b, src, dst, n):
    h = x @ W
    deg = jnp.zeros((n,), h.dtype).at[dst].add(1.0)
    dinv = jnp.where(deg > 0, 1.0 / jnp.sqrt(deg), 0.0)
    norm = dinv[src] * dinv[dst]
    msg = h[src] * norm[:, None]
    out = jnp.zeros_like(h).at[dst].add(msg)
    return out + b


def reference(x, edge_index, batch, W1, b1, g1, be1, W2, b2, g2, be2, W3, b3, g3, be3, W4, b4):
    n = x.shape[0]
    loops = jnp.arange(n, dtype=edge_index.dtype)
    src = jnp.concatenate([edge_index[0], loops])
    dst = jnp.concatenate([edge_index[1], loops])
    h = _gcn_conv(x, W1, b1, src, dst, n)
    h = jax.nn.relu(_bn(h, g1, be1))
    h = _gcn_conv(h, W2, b2, src, dst, n)
    h = jax.nn.relu(_bn(h, g2, be2))
    sums = jax.ops.segment_sum(h, batch, num_segments=G)
    cnts = jax.ops.segment_sum(jnp.ones((n, 1), h.dtype), batch, num_segments=G)
    pooled = sums / jnp.maximum(cnts, 1.0)
    z = pooled @ W3 + b3
    z = jax.nn.relu(_bn(z, g3, be3))
    return z @ W4 + b4

if __name__ == "__main__":
    import jax
    _d = setup_inputs()
    print(jax.jit(kernel)(*tuple(_d.values())))

</pallas_src>

<mosaic_0001>
#map = affine_map<(d0, d1) -> (0, 0, 0)>
#map1 = affine_map<(d0, d1) -> (0, 0)>
module attributes {stable_mosaic.version = 14 : i64} {
  func.func @_deg(%arg0: i32, %arg1: i32, %arg2: memref<32x80x128xi32, #tpu.memory_space<hbm>>, %arg3: memref<128x128xf32, #tpu.memory_space<hbm>>, %arg4: memref<128x128xf32, #tpu.memory_space<hbm>>, %arg5: memref<2x10240x128xf32, #tpu.memory_space<hbm>>, %arg6: memref<80x128xi32, #tpu.memory_space<vmem>>, %arg7: memref<128x128xf32, #tpu.memory_space<vmem>>, %arg8: memref<10240x128xf32, #tpu.memory_space<vmem_shared>>, %arg9: memref<!tpu.dma_semaphore, #tpu.memory_space<semaphore_mem>>) attributes {dimension_semantics = [#tpu.dimension_semantics<core_parallel>, #tpu.dimension_semantics<subcore_parallel>], iteration_bounds = array<i64: 2, 16>, scalar_prefetch = 0 : i64, scratch_operands = 4 : i64, tpu.core_type = #tpu.core_type<sc_vector_subcore>, window_params = [{transform_indices = #map}, {transform_indices = #map1}, {transform_indices = #map1}, {transform_indices = #map}]} {
    %mul3A = arith.constant 2 : i32
    %mul3A_0 = arith.muli %arg1, %mul3A : i32
    %add3A = arith.addi %mul3A_0, %arg0 : i32
    "tpu.region"() ({
      %run_scoped3A = tpu.sem_alloc : memref<!tpu.dma_semaphore, #tpu.memory_space<semaphore_mem>>
      tpu.enqueue_dma source(%arg3 : memref<128x128xf32, #tpu.memory_space<hbm>>) target(%arg7 : memref<128x128xf32, #tpu.memory_space<vmem>>) target_semaphore(%run_scoped3A : memref<!tpu.dma_semaphore, #tpu.memory_space<semaphore_mem>>)
      tpu.wait_dma2 semaphore(%run_scoped3A : memref<!tpu.dma_semaphore, #tpu.memory_space<semaphore_mem>>) src(%arg3 : memref<128x128xf32, #tpu.memory_space<hbm>>) dst(%arg7 : memref<128x128xf32, #tpu.memory_space<vmem>>)
      tpu.yield
    }) : () -> ()
    "tpu.region"() ({
      %run_scoped3A = tpu.sem_alloc : memref<!tpu.dma_semaphore, #tpu.memory_space<semaphore_mem>>
      %dma_start3A = arith.constant 0 : i32
      %dma_start3A_25 = arith.constant 0 : i32
      %dma_start3A_26 = tpu.memref_slice %arg2[%add3A, %dma_start3A, %dma_start3A_25] : memref<32x80x128xi32, #tpu.memory_space<hbm>> -> memref<1x80x128xi32, #tpu.memory_space<hbm>>
      %dma_start3A_27 = tpu.memref_squeeze %dma_start3A_26 : memref<1x80x128xi32, #tpu.memory_space<hbm>> -> memref<80x128xi32, #tpu.memory_space<hbm>>
      %dma_start3A_28 = arith.constant 0 : i32
      %dma_start3A_29 = arith.constant 0 : i32
      %dma_start3A_30 = tpu.memref_slice %arg2[%add3A, %dma_start3A_28, %dma_start3A_29] : memref<32x80x128xi32, #tpu.memory_space<hbm>> -> memref<1x80x128xi32, #tpu.memory_space<hbm>>
      %dma_start3A_31 = tpu.memref_squeeze %dma_start3A_30 : memref<1x80x128xi32, #tpu.memory_space<hbm>> -> memref<80x128xi32, #tpu.memory_space<hbm>>
      tpu.enqueue_dma source(%dma_start3A_31 : memref<80x128xi32, #tpu.memory_space<hbm>>) target(%arg6 : memref<80x128xi32, #tpu.memory_space<vmem>>) target_semaphore(%run_scoped3A : memref<!tpu.dma_semaphore, #tpu.memory_space<semaphore_mem>>)
      %dma_wait3A = arith.constant 0 : i32
      %dma_wait3A_32 = arith.constant 0 : i32
      %dma_wait3A_33 = tpu.memref_slice %arg2[%add3A, %dma_wait3A, %dma_wait3A_32] : memref<32x80x128xi32, #tpu.memory_space<hbm>> -> memref<1x80x128xi32, #tpu.memory_space<hbm>>
      %dma_wait3A_34 = tpu.memref_squeeze %dma_wait3A_33 : memref<1x80x128xi32, #tpu.memory_space<hbm>> -> memref<80x128xi32, #tpu.memory_space<hbm>>
      %dma_wait3A_35 = arith.constant 0 : i32
      %dma_wait3A_36 = arith.constant 0 : i32
      %dma_wait3A_37 = tpu.memref_slice %arg2[%add3A, %dma_wait3A_35, %dma_wait3A_36] : memref<32x80x128xi32, #tpu.memory_space<hbm>> -> memref<1x80x128xi32, #tpu.memory_space<hbm>>
      %dma_wait3A_38 = tpu.memref_squeeze %dma_wait3A_37 : memref<1x80x128xi32, #tpu.memory_space<hbm>> -> memref<80x128xi32, #tpu.memory_space<hbm>>
      tpu.wait_dma2 semaphore(%run_scoped3A : memref<!tpu.dma_semaphore, #tpu.memory_space<semaphore_mem>>) src(%dma_wait3A_38 : memref<80x128xi32, #tpu.memory_space<hbm>>) dst(%arg6 : memref<80x128xi32, #tpu.memory_space<vmem>>)
      tpu.yield
    }) : () -> ()
    %scan3A = arith.constant 0 : i32
    %scan3A_1 = arith.constant 0 : i32
    %scan3A_2 = arith.constant 5 : i32
    %scan3A_3 = arith.addi %scan3A_1, %scan3A_2 : i32
    %scan3A_4 = arith.constant 1 : i32
    scf.for %scan3A_25 = %scan3A_1 to %scan3A_3 step %scan3A_4  : i32 {
      %mul3A_26 = arith.constant 640 : i32
      %mul3A_27 = arith.muli %arg1, %mul3A_26 : i32
      %mul3A_28 = arith.constant 128 : i32
      %mul3A_29 = arith.muli %scan3A_25, %mul3A_28 : i32
      %add3A_30 = arith.addi %mul3A_27, %mul3A_29 : i32
      "tpu.region"() ({
        %run_scoped3A = tpu.sem_alloc : memref<!tpu.dma_semaphore, #tpu.memory_space<semaphore_mem>>
        %dma_start3A = arith.constant 0 : i32
        %dma_start3A_31 = tpu.memref_slice %arg8[%add3A_30, %dma_start3A] : memref<10240x128xf32, #tpu.memory_space<vmem_shared>> -> memref<128x128xf32, #tpu.memory_space<vmem_shared>>
        tpu.enqueue_dma source(%arg4 : memref<128x128xf32, #tpu.memory_space<hbm>>) target(%dma_start3A_31 : memref<128x128xf32, #tpu.memory_space<vmem_shared>>) target_semaphore(%run_scoped3A : memref<!tpu.dma_semaphore, #tpu.memory_space<semaphore_mem>>)
        %dma_wait3A = arith.constant 0 : i32
        %dma_wait3A_32 = tpu.memref_slice %arg8[%add3A_30, %dma_wait3A] : memref<10240x128xf32, #tpu.memory_space<vmem_shared>> -> memref<128x128xf32, #tpu.memory_space<vmem_shared>>
        tpu.wait_dma2 semaphore(%run_scoped3A : memref<!tpu.dma_semaphore, #tpu.memory_space<semaphore_mem>>) src(%arg4 : memref<128x128xf32, #tpu.memory_space<hbm>>) dst(%dma_wait3A_32 : memref<128x128xf32, #tpu.memory_space<vmem_shared>>)
        tpu.yield
      }) : () -> ()
    }
    %scan3A_5 = arith.constant 5 : i32
    %barrier3A = arith.constant 0 : index
    tpu.barrier barrier_id(%barrier3A)
    %scan3A_6 = arith.constant 0 : i32
    %scan3A_7 = arith.constant 0 : i32
    %scan3A_8 = arith.constant 80 : i32
    %scan3A_9 = arith.addi %scan3A_7, %scan3A_8 : i32
    %scan3A_10 = arith.constant 1 : i32
    scf.for %scan3A_25 = %scan3A_7 to %scan3A_9 step %scan3A_10  : i32 {
      %dma_start3A = arith.constant 0 : i32
      %dma_start3A_26 = tpu.memref_slice %arg6[%scan3A_25, %dma_start3A] : memref<80x128xi32, #tpu.memory_space<vmem>> -> memref<1x128xi32, #tpu.memory_space<vmem>>
      %dma_start3A_27 = tpu.memref_squeeze %dma_start3A_26 : memref<1x128xi32, #tpu.memory_space<vmem>> -> memref<128xi32, #tpu.memory_space<vmem>>
      %dma_start3A_28 = arith.constant 0 : i32
      %dma_start3A_29 = arith.constant 0 : i32
      %dma_start3A_30 = tpu.memref_slice %arg8[%dma_start3A_28, %dma_start3A_29] : memref<10240x128xf32, #tpu.memory_space<vmem_shared>> -> memref<10240x128xf32, #tpu.memory_space<vmem_shared>>
      tpu.enqueue_indirect_dma source(%arg7 : memref<128x128xf32, #tpu.memory_space<vmem>>) target(%dma_start3A_30 : memref<10240x128xf32, #tpu.memory_space<vmem_shared>>) offsets(%dma_start3A_27 : memref<128xi32, #tpu.memory_space<vmem>>) semaphore(%arg9 : memref<!tpu.dma_semaphore, #tpu.memory_space<semaphore_mem>>) {add = true}
    }
    %scan3A_11 = arith.constant 80 : i32
    %scan3A_12 = arith.constant 0 : i32
    %scan3A_13 = arith.constant 0 : i32
    %scan3A_14 = arith.constant 80 : i32
    %scan3A_15 = arith.addi %scan3A_13, %scan3A_14 : i32
    %scan3A_16 = arith.constant 1 : i32
    scf.for %scan3A_25 = %scan3A_13 to %scan3A_15 step %scan3A_16  : i32 {
      %dma_wait3A = arith.constant 0 : i32
      %dma_wait3A_26 = arith.constant 0 : i32
      %dma_wait3A_27 = tpu.memref_slice %arg6[%dma_wait3A, %dma_wait3A_26] : memref<80x128xi32, #tpu.memory_space<vmem>> -> memref<1x128xi32, #tpu.memory_space<vmem>>
      %dma_wait3A_28 = tpu.memref_squeeze %dma_wait3A_27 : memref<1x128xi32, #tpu.memory_space<vmem>> -> memref<128xi32, #tpu.memory_space<vmem>>
      %dma_wait3A_29 = arith.constant 0 : i32
      %dma_wait3A_30 = arith.constant 0 : i32
      %dma_wait3A_31 = tpu.memref_slice %arg8[%dma_wait3A_29, %dma_wait3A_30] : memref<10240x128xf32, #tpu.memory_space<vmem_shared>> -> memref<10240x128xf32, #tpu.memory_space<vmem_shared>>
      tpu.wait_indirect_dma semaphore(%arg9 : memref<!tpu.dma_semaphore, #tpu.memory_space<semaphore_mem>>) src(%arg7 : memref<128x128xf32, #tpu.memory_space<vmem>>) dst(%dma_wait3A_31 : memref<10240x128xf32, #tpu.memory_space<vmem_shared>>)
    }
    %scan3A_17 = arith.constant 80 : i32
    %barrier3A_18 = arith.constant 0 : index
    tpu.barrier barrier_id(%barrier3A_18)
    %scan3A_19 = arith.constant 0 : i32
    %scan3A_20 = arith.constant 0 : i32
    %scan3A_21 = arith.constant 5 : i32
    %scan3A_22 = arith.addi %scan3A_20, %scan3A_21 : i32
    %scan3A_23 = arith.constant 1 : i32
    scf.for %scan3A_25 = %scan3A_20 to %scan3A_22 step %scan3A_23  : i32 {
      %mul3A_26 = arith.constant 640 : i32
      %mul3A_27 = arith.muli %arg1, %mul3A_26 : i32
      %mul3A_28 = arith.constant 128 : i32
      %mul3A_29 = arith.muli %scan3A_25, %mul3A_28 : i32
      %add3A_30 = arith.addi %mul3A_27, %mul3A_29 : i32
      "tpu.region"() ({
        %run_scoped3A = tpu.sem_alloc : memref<!tpu.dma_semaphore, #tpu.memory_space<semaphore_mem>>
        %dma_start3A = arith.constant 0 : i32
        %dma_start3A_31 = tpu.memref_slice %arg5[%arg0, %add3A_30, %dma_start3A] : memref<2x10240x128xf32, #tpu.memory_space<hbm>> -> memref<1x128x128xf32, #tpu.memory_space<hbm>>
        %dma_start3A_32 = tpu.memref_squeeze %dma_start3A_31 : memref<1x128x128xf32, #tpu.memory_space<hbm>> -> memref<128x128xf32, #tpu.memory_space<hbm>>
        %dma_start3A_33 = arith.constant 0 : i32
        %dma_start3A_34 = tpu.memref_slice %arg8[%add3A_30, %dma_start3A_33] : memref<10240x128xf32, #tpu.memory_space<vmem_shared>> -> memref<128x128xf32, #tpu.memory_space<vmem_shared>>
        tpu.enqueue_dma source(%dma_start3A_34 : memref<128x128xf32, #tpu.memory_space<vmem_shared>>) target(%dma_start3A_32 : memref<128x128xf32, #tpu.memory_space<hbm>>) target_semaphore(%run_scoped3A : memref<!tpu.dma_semaphore, #tpu.memory_space<semaphore_mem>>)
        %dma_wait3A = arith.constant 0 : i32
        %dma_wait3A_35 = tpu.memref_slice %arg5[%arg0, %add3A_30, %dma_wait3A] : memref<2x10240x128xf32, #tpu.memory_space<hbm>> -> memref<1x128x128xf32, #tpu.memory_space<hbm>>
        %dma_wait3A_36 = tpu.memref_squeeze %dma_wait3A_35 : memref<1x128x128xf32, #tpu.memory_space<hbm>> -> memref<128x128xf32, #tpu.memory_space<hbm>>
        %dma_wait3A_37 = arith.constant 0 : i32
        %dma_wait3A_38 = tpu.memref_slice %arg8[%add3A_30, %dma_wait3A_37] : memref<10240x128xf32, #tpu.memory_space<vmem_shared>> -> memref<128x128xf32, #tpu.memory_space<vmem_shared>>
        tpu.wait_dma2 semaphore(%run_scoped3A : memref<!tpu.dma_semaphore, #tpu.memory_space<semaphore_mem>>) src(%dma_wait3A_38 : memref<128x128xf32, #tpu.memory_space<vmem_shared>>) dst(%dma_wait3A_36 : memref<128x128xf32, #tpu.memory_space<hbm>>)
        tpu.yield
      }) : () -> ()
    }
    %scan3A_24 = arith.constant 5 : i32
    return
  }
}

#map = affine_map<(d0, d1) -> (0, 0)>
#map1 = affine_map<(d0, d1) -> (0, 0, 0)>
module attributes {stable_mosaic.version = 14 : i64} {
  func.func @_agg(%arg0: i32, %arg1: i32, %arg2: memref<10000x128xf32, #tpu.memory_space<hbm>>, %arg3: memref<32x80x128xi32, #tpu.memory_space<hbm>>, %arg4: memref<32x80x128xi32, #tpu.memory_space<hbm>>, %arg5: memref<128x128xf32, #tpu.memory_space<hbm>>, %arg6: memref<2x10240x128xf32, #tpu.memory_space<hbm>>, %arg7: memref<40x128xi32, #tpu.memory_space<vmem>>, %arg8: memref<40x128xi32, #tpu.memory_space<vmem>>, %arg9: memref<128x128xf32, #tpu.memory_space<vmem>>, %arg10: memref<128x128xf32, #tpu.memory_space<vmem>>, %arg11: memref<10240x128xf32, #tpu.memory_space<vmem_shared>>, %arg12: memref<!tpu.dma_semaphore, #tpu.memory_space<semaphore_mem>>, %arg13: memref<!tpu.dma_semaphore, #tpu.memory_space<semaphore_mem>>, %arg14: memref<!tpu.dma_semaphore, #tpu.memory_space<semaphore_mem>>, %arg15: memref<!tpu.dma_semaphore, #tpu.memory_space<semaphore_mem>>) attributes {dimension_semantics = [#tpu.dimension_semantics<core_parallel>, #tpu.dimension_semantics<subcore_parallel>], iteration_bounds = array<i64: 2, 16>, scalar_prefetch = 0 : i64, scratch_operands = 9 : i64, tpu.core_type = #tpu.core_type<sc_vector_subcore>, window_params = [{transform_indices = #map}, {transform_indices = #map1}, {transform_indices = #map1}, {transform_indices = #map}, {transform_indices = #map1}]} {
    %mul3A = arith.constant 2 : i32
    %mul3A_0 = arith.muli %arg1, %mul3A : i32
    %add3A = arith.addi %mul3A_0, %arg0 : i32
    %scan3A = arith.constant 0 : i32
    %scan3A_1 = arith.constant 0 : i32
    %scan3A_2 = arith.constant 5 : i32
    %scan3A_3 = arith.addi %scan3A_1, %scan3A_2 : i32
    %scan3A_4 = arith.constant 1 : i32
    scf.for %scan3A_135 = %scan3A_1 to %scan3A_3 step %scan3A_4  : i32 {
      %mul3A_136 = arith.constant 640 : i32
      %mul3A_137 = arith.muli %arg1, %mul3A_136 : i32
      %mul3A_138 = arith.constant 128 : i32
      %mul3A_139 = arith.muli %scan3A_135, %mul3A_138 : i32
      %add3A_140 = arith.addi %mul3A_137, %mul3A_139 : i32
      "tpu.region"() ({
        %run_scoped3A = tpu.sem_alloc : memref<!tpu.dma_semaphore, #tpu.memory_space<semaphore_mem>>
        %dma_start3A_141 = arith.constant 0 : i32
        %dma_start3A_142 = tpu.memref_slice %arg11[%add3A_140, %dma_start3A_141] : memref<10240x128xf32, #tpu.memory_space<vmem_shared>> -> memref<128x128xf32, #tpu.memory_space<vmem_shared>>
        tpu.enqueue_dma source(%arg5 : memref<128x128xf32, #tpu.memory_space<hbm>>) target(%dma_start3A_142 : memref<128x128xf32, #tpu.memory_space<vmem_shared>>) target_semaphore(%run_scoped3A : memref<!tpu.dma_semaphore, #tpu.memory_space<semaphore_mem>>)
        %dma_wait3A_143 = arith.constant 0 : i32
        %dma_wait3A_144 = tpu.memref_slice %arg11[%add3A_140, %dma_wait3A_143] : memref<10240x128xf32, #tpu.memory_space<vmem_shared>> -> memref<128x128xf32, #tpu.memory_space<vmem_shared>>
        tpu.wait_dma2 semaphore(%run_scoped3A : memref<!tpu.dma_semaphore, #tpu.memory_space<semaphore_mem>>) src(%arg5 : memref<128x128xf32, #tpu.memory_space<hbm>>) dst(%dma_wait3A_144 : memref<128x128xf32, #tpu.memory_space<vmem_shared>>)
        tpu.yield
      }) : () -> ()
    }
    %scan3A_5 = arith.constant 5 : i32
    %barrier3A = arith.constant 0 : index
    tpu.barrier barrier_id(%barrier3A)
    "tpu.region"() ({
      %run_scoped3A = tpu.sem_alloc : memref<!tpu.dma_semaphore, #tpu.memory_space<semaphore_mem>>
      %dma_start3A_135 = arith.constant 0 : i32
      %dma_start3A_136 = arith.constant 0 : i32
      %dma_start3A_137 = tpu.memref_slice %arg3[%add3A, %dma_start3A_135, %dma_start3A_136] : memref<32x80x128xi32, #tpu.memory_space<hbm>> -> memref<1x40x128xi32, #tpu.memory_space<hbm>>
      %dma_start3A_138 = tpu.memref_squeeze %dma_start3A_137 : memref<1x40x128xi32, #tpu.memory_space<hbm>> -> memref<40x128xi32, #tpu.memory_space<hbm>>
      %dma_start3A_139 = arith.constant 0 : i32
      %dma_start3A_140 = arith.constant 0 : i32
      %dma_start3A_141 = tpu.memref_slice %arg3[%add3A, %dma_start3A_139, %dma_start3A_140] : memref<32x80x128xi32, #tpu.memory_space<hbm>> -> memref<1x40x128xi32, #tpu.memory_space<hbm>>
      %dma_start3A_142 = tpu.memref_squeeze %dma_start3A_141 : memref<1x40x128xi32, #tpu.memory_space<hbm>> -> memref<40x128xi32, #tpu.memory_space<hbm>>
      tpu.enqueue_dma source(%dma_start3A_142 : memref<40x128xi32, #tpu.memory_space<hbm>>) target(%arg7 : memref<40x128xi32, #tpu.memory_space<vmem>>) target_semaphore(%run_scoped3A : memref<!tpu.dma_semaphore, #tpu.memory_space<semaphore_mem>>)
      %dma_wait3A_143 = arith.constant 0 : i32
      %dma_wait3A_144 = arith.constant 0 : i32
      %dma_wait3A_145 = tpu.memref_slice %arg3[%add3A, %dma_wait3A_143, %dma_wait3A_144] : memref<32x80x128xi32, #tpu.memory_space<hbm>> -> memref<1x40x128xi32, #tpu.memory_space<hbm>>
      %dma_wait3A_146 = tpu.memref_squeeze %dma_wait3A_145 : memref<1x40x128xi32, #tpu.memory_space<hbm>> -> memref<40x128xi32, #tpu.memory_space<hbm>>
      %dma_wait3A_147 = arith.constant 0 : i32
      %dma_wait3A_148 = arith.constant 0 : i32
      %dma_wait3A_149 = tpu.memref_slice %arg3[%add3A, %dma_wait3A_147, %dma_wait3A_148] : memref<32x80x128xi32, #tpu.memory_space<hbm>> -> memref<1x40x128xi32, #tpu.memory_space<hbm>>
      %dma_wait3A_150 = tpu.memref_squeeze %dma_wait3A_149 : memref<1x40x128xi32, #tpu.memory_space<hbm>> -> memref<40x128xi32, #tpu.memory_space<hbm>>
      tpu.wait_dma2 semaphore(%run_scoped3A : memref<!tpu.dma_semaphore, #tpu.memory_space<semaphore_mem>>) src(%dma_wait3A_150 : memref<40x128xi32, #tpu.memory_space<hbm>>) dst(%arg7 : memref<40x128xi32, #tpu.memory_space<vmem>>)
      tpu.yield
    }) : () -> ()
    "tpu.region"() ({
      %run_scoped3A = tpu.sem_alloc : memref<!tpu.dma_semaphore, #tpu.memory_space<semaphore_mem>>
      %dma_start3A_135 = arith.constant 0 : i32
      %dma_start3A_136 = arith.constant 0 : i32
      %dma_start3A_137 = tpu.memref_slice %arg4[%add3A, %dma_start3A_135, %dma_start3A_136] : memref<32x80x128xi32, #tpu.memory_space<hbm>> -> memref<1x40x128xi32, #tpu.memory_space<hbm>>
      %dma_start3A_138 = tpu.memref_squeeze %dma_start3A_137 : memref<1x40x128xi32, #tpu.memory_space<hbm>> -> memref<40x128xi32, #tpu.memory_space<hbm>>
      %dma_start3A_139 = arith.constant 0 : i32
      %dma_start3A_140 = arith.constant 0 : i32
      %dma_start3A_141 = tpu.memref_slice %arg4[%add3A, %dma_start3A_139, %dma_start3A_140] : memref<32x80x128xi32, #tpu.memory_space<hbm>> -> memref<1x40x128xi32, #tpu.memory_space<hbm>>
      %dma_start3A_142 = tpu.memref_squeeze %dma_start3A_141 : memref<1x40x128xi32, #tpu.memory_space<hbm>> -> memref<40x128xi32, #tpu.memory_space<hbm>>
      tpu.enqueue_dma source(%dma_start3A_142 : memref<40x128xi32, #tpu.memory_space<hbm>>) target(%arg8 : memref<40x128xi32, #tpu.memory_space<vmem>>) target_semaphore(%run_scoped3A : memref<!tpu.dma_semaphore, #tpu.memory_space<semaphore_mem>>)
      %dma_wait3A_143 = arith.constant 0 : i32
      %dma_wait3A_144 = arith.constant 0 : i32
      %dma_wait3A_145 = tpu.memref_slice %arg4[%add3A, %dma_wait3A_143, %dma_wait3A_144] : memref<32x80x128xi32, #tpu.memory_space<hbm>> -> memref<1x40x128xi32, #tpu.memory_space<hbm>>
      %dma_wait3A_146 = tpu.memref_squeeze %dma_wait3A_145 : memref<1x40x128xi32, #tpu.memory_space<hbm>> -> memref<40x128xi32, #tpu.memory_space<hbm>>
      %dma_wait3A_147 = arith.constant 0 : i32
      %dma_wait3A_148 = arith.constant 0 : i32
      %dma_wait3A_149 = tpu.memref_slice %arg4[%add3A, %dma_wait3A_147, %dma_wait3A_148] : memref<32x80x128xi32, #tpu.memory_space<hbm>> -> memref<1x40x128xi32, #tpu.memory_space<hbm>>
      %dma_wait3A_150 = tpu.memref_squeeze %dma_wait3A_149 : memref<1x40x128xi32, #tpu.memory_space<hbm>> -> memref<40x128xi32, #tpu.memory_space<hbm>>
      tpu.wait_dma2 semaphore(%run_scoped3A : memref<!tpu.dma_semaphore, #tpu.memory_space<semaphore_mem>>) src(%dma_wait3A_150 : memref<40x128xi32, #tpu.memory_space<hbm>>) dst(%arg8 : memref<40x128xi32, #tpu.memory_space<vmem>>)
      tpu.yield
    }) : () -> ()
    %dma_start3A = arith.constant 0 : i32
    %dma_start3A_6 = arith.constant 0 : i32
    %dma_start3A_7 = tpu.memref_slice %arg7[%dma_start3A, %dma_start3A_6] : memref<40x128xi32, #tpu.memory_space<vmem>> -> memref<1x128xi32, #tpu.memory_space<vmem>>
    %dma_start3A_8 = tpu.memref_squeeze %dma_start3A_7 : memref<1x128xi32, #tpu.memory_space<vmem>> -> memref<128xi32, #tpu.memory_space<vmem>>
    %dma_start3A_9 = arith.constant 0 : i32
    %dma_start3A_10 = arith.constant 0 : i32
    %dma_start3A_11 = tpu.memref_slice %arg2[%dma_start3A_9, %dma_start3A_10] : memref<10000x128xf32, #tpu.memory_space<hbm>> -> memref<10000x128xf32, #tpu.memory_space<hbm>>
    tpu.enqueue_indirect_dma source(%dma_start3A_11 : memref<10000x128xf32, #tpu.memory_space<hbm>>) target(%arg9 : memref<128x128xf32, #tpu.memory_space<vmem>>) offsets(%dma_start3A_8 : memref<128xi32, #tpu.memory_space<vmem>>) semaphore(%arg12 : memref<!tpu.dma_semaphore, #tpu.memory_space<semaphore_mem>>)
    %dma_start3A_12 = arith.constant 1 : i32
    %dma_start3A_13 = arith.constant 0 : i32
    %dma_start3A_14 = tpu.memref_slice %arg7[%dma_start3A_12, %dma_start3A_13] : memref<40x128xi32, #tpu.memory_space<vmem>> -> memref<1x128xi32, #tpu.memory_space<vmem>>
    %dma_start3A_15 = tpu.memref_squeeze %dma_start3A_14 : memref<1x128xi32, #tpu.memory_space<vmem>> -> memref<128xi32, #tpu.memory_space<vmem>>
    %dma_start3A_16 = arith.constant 0 : i32
    %dma_start3A_17 = arith.constant 0 : i32
    %dma_start3A_18 = tpu.memref_slice %arg2[%dma_start3A_16, %dma_start3A_17] : memref<10000x128xf32, #tpu.memory_space<hbm>> -> memref<10000x128xf32, #tpu.memory_space<hbm>>
    tpu.enqueue_indirect_dma source(%dma_start3A_18 : memref<10000x128xf32, #tpu.memory_space<hbm>>) target(%arg10 : memref<128x128xf32, #tpu.memory_space<vmem>>) offsets(%dma_start3A_15 : memref<128xi32, #tpu.memory_space<vmem>>) semaphore(%arg13 : memref<!tpu.dma_semaphore, #tpu.memory_space<semaphore_mem>>)
    %dma_wait3A = arith.constant 0 : i32
    %dma_wait3A_19 = arith.constant 0 : i32
    %dma_wait3A_20 = tpu.memref_slice %arg7[%dma_wait3A, %dma_wait3A_19] : memref<40x128xi32, #tpu.memory_space<vmem>> -> memref<1x128xi32, #tpu.memory_space<vmem>>
    %dma_wait3A_21 = tpu.memref_squeeze %dma_wait3A_20 : memref<1x128xi32, #tpu.memory_space<vmem>> -> memref<128xi32, #tpu.memory_space<vmem>>
    %dma_wait3A_22 = arith.constant 0 : i32
    %dma_wait3A_23 = arith.constant 0 : i32
    %dma_wait3A_24 = tpu.memref_slice %arg2[%dma_wait3A_22, %dma_wait3A_23] : memref<10000x128xf32, #tpu.memory_space<hbm>> -> memref<10000x128xf32, #tpu.memory_space<hbm>>
    tpu.wait_indirect_dma semaphore(%arg12 : memref<!tpu.dma_semaphore, #tpu.memory_space<semaphore_mem>>) src(%dma_wait3A_24 : memref<10000x128xf32, #tpu.memory_space<hbm>>) dst(%arg9 : memref<128x128xf32, #tpu.memory_space<vmem>>)
    %dma_start3A_25 = arith.constant 0 : i32
    %dma_start3A_26 = arith.constant 0 : i32
    %dma_start3A_27 = tpu.memref_slice %arg8[%dma_start3A_25, %dma_start3A_26] : memref<40x128xi32, #tpu.memory_space<vmem>> -> memref<1x128xi32, #tpu.memory_space<vmem>>
    %dma_start3A_28 = tpu.memref_squeeze %dma_start3A_27 : memref<1x128xi32, #tpu.memory_space<vmem>> -> memref<128xi32, #tpu.memory_space<vmem>>
    %dma_start3A_29 = arith.constant 0 : i32
    %dma_start3A_30 = arith.constant 0 : i32
    %dma_start3A_31 = tpu.memref_slice %arg11[%dma_start3A_29, %dma_start3A_30] : memref<10240x128xf32, #tpu.memory_space<vmem_shared>> -> memref<10240x128xf32, #tpu.memory_space<vmem_shared>>
    tpu.enqueue_indirect_dma source(%arg9 : memref<128x128xf32, #tpu.memory_space<vmem>>) target(%dma_start3A_31 : memref<10240x128xf32, #tpu.memory_space<vmem_shared>>) offsets(%dma_start3A_28 : memref<128xi32, #tpu.memory_space<vmem>>) semaphore(%arg14 : memref<!tpu.dma_semaphore, #tpu.memory_space<semaphore_mem>>) {add = true}
    %dma_wait3A_32 = arith.constant 1 : i32
    %dma_wait3A_33 = arith.constant 0 : i32
    %dma_wait3A_34 = tpu.memref_slice %arg7[%dma_wait3A_32, %dma_wait3A_33] : memref<40x128xi32, #tpu.memory_space<vmem>> -> memref<1x128xi32, #tpu.memory_space<vmem>>
    %dma_wait3A_35 = tpu.memref_squeeze %dma_wait3A_34 : memref<1x128xi32, #tpu.memory_space<vmem>> -> memref<128xi32, #tpu.memory_space<vmem>>
    %dma_wait3A_36 = arith.constant 0 : i32
    %dma_wait3A_37 = arith.constant 0 : i32
    %dma_wait3A_38 = tpu.memref_slice %arg2[%dma_wait3A_36, %dma_wait3A_37] : memref<10000x128xf32, #tpu.memory_space<hbm>> -> memref<10000x128xf32, #tpu.memory_space<hbm>>
    tpu.wait_indirect_dma semaphore(%arg13 : memref<!tpu.dma_semaphore, #tpu.memory_space<semaphore_mem>>) src(%dma_wait3A_38 : memref<10000x128xf32, #tpu.memory_space<hbm>>) dst(%arg10 : memref<128x128xf32, #tpu.memory_space<vmem>>)
    %dma_start3A_39 = arith.constant 1 : i32
    %dma_start3A_40 = arith.constant 0 : i32
    %dma_start3A_41 = tpu.memref_slice %arg8[%dma_start3A_39, %dma_start3A_40] : memref<40x128xi32, #tpu.memory_space<vmem>> -> memref<1x128xi32, #tpu.memory_space<vmem>>
    %dma_start3A_42 = tpu.memref_squeeze %dma_start3A_41 : memref<1x128xi32, #tpu.memory_space<vmem>> -> memref<128xi32, #tpu.memory_space<vmem>>
    %dma_start3A_43 = arith.constant 0 : i32
    %dma_start3A_44 = arith.constant 0 : i32
    %dma_start3A_45 = tpu.memref_slice %arg11[%dma_start3A_43, %dma_start3A_44] : memref<10240x128xf32, #tpu.memory_space<vmem_shared>> -> memref<10240x128xf32, #tpu.memory_space<vmem_shared>>
    tpu.enqueue_indirect_dma source(%arg10 : memref<128x128xf32, #tpu.memory_space<vmem>>) target(%dma_start3A_45 : memref<10240x128xf32, #tpu.memory_space<vmem_shared>>) offsets(%dma_start3A_42 : memref<128xi32, #tpu.memory_space<vmem>>) semaphore(%arg15 : memref<!tpu.dma_semaphore, #tpu.memory_space<semaphore_mem>>) {add = true}
    %scan3A_46 = arith.constant 0 : i32
    %scan3A_47 = arith.constant 1 : i32
    %scan3A_48 = arith.constant 19 : i32
    %scan3A_49 = arith.addi %scan3A_47, %scan3A_48 : i32
    %scan3A_50 = arith.constant 1 : i32
    scf.for %scan3A_135 = %scan3A_47 to %scan3A_49 step %scan3A_50  : i32 {
      %mul3A_136 = arith.constant 2 : i32
      %mul3A_137 = arith.muli %mul3A_136, %scan3A_135 : i32
      %add3A_138 = arith.constant 1 : i32
      %add3A_139 = arith.addi %mul3A_137, %add3A_138 : i32
      %dma_wait3A_140 = arith.constant 0 : i32
      %dma_wait3A_141 = arith.constant 0 : i32
      %dma_wait3A_142 = tpu.memref_slice %arg8[%dma_wait3A_140, %dma_wait3A_141] : memref<40x128xi32, #tpu.memory_space<vmem>> -> memref<1x128xi32, #tpu.memory_space<vmem>>
      %dma_wait3A_143 = tpu.memref_squeeze %dma_wait3A_142 : memref<1x128xi32, #tpu.memory_space<vmem>> -> memref<128xi32, #tpu.memory_space<vmem>>
      %dma_wait3A_144 = arith.constant 0 : i32
      %dma_wait3A_145 = arith.constant 0 : i32
      %dma_wait3A_146 = tpu.memref_slice %arg11[%dma_wait3A_144, %dma_wait3A_145] : memref<10240x128xf32, #tpu.memory_space<vmem_shared>> -> memref<10240x128xf32, #tpu.memory_space<vmem_shared>>
      tpu.wait_indirect_dma semaphore(%arg14 : memref<!tpu.dma_semaphore, #tpu.memory_space<semaphore_mem>>) src(%arg9 : memref<128x128xf32, #tpu.memory_space<vmem>>) dst(%dma_wait3A_146 : memref<10240x128xf32, #tpu.memory_space<vmem_shared>>)
      %dma_start3A_147 = arith.constant 0 : i32
      %dma_start3A_148 = tpu.memref_slice %arg7[%mul3A_137, %dma_start3A_147] : memref<40x128xi32, #tpu.memory_space<vmem>> -> memref<1x128xi32, #tpu.memory_space<vmem>>
      %dma_start3A_149 = tpu.memref_squeeze %dma_start3A_148 : memref<1x128xi32, #tpu.memory_space<vmem>> -> memref<128xi32, #tpu.memory_space<vmem>>
      %dma_start3A_150 = arith.constant 0 : i32
      %dma_start3A_151 = arith.constant 0 : i32
      %dma_start3A_152 = tpu.memref_slice %arg2[%dma_start3A_150, %dma_start3A_151] : memref<10000x128xf32, #tpu.memory_space<hbm>> -> memref<10000x128xf32, #tpu.memory_space<hbm>>
      tpu.enqueue_indirect_dma source(%dma_start3A_152 : memref<10000x128xf32, #tpu.memory_space<hbm>>) target(%arg9 : memref<128x128xf32, #tpu.memory_space<vmem>>) offsets(%dma_start3A_149 : memref<128xi32, #tpu.memory_space<vmem>>) semaphore(%arg12 : memref<!tpu.dma_semaphore, #tpu.memory_space<semaphore_mem>>)
      %dma_wait3A_153 = arith.constant 0 : i32
      %dma_wait3A_154 = arith.constant 0 : i32
      %dma_wait3A_155 = tpu.memref_slice %arg8[%dma_wait3A_153, %dma_wait3A_154] : memref<40x128xi32, #tpu.memory_space<vmem>> -> memref<1x128xi32, #tpu.memory_space<vmem>>
      %dma_wait3A_156 = tpu.memref_squeeze %dma_wait3A_155 : memref<1x128xi32, #tpu.memory_space<vmem>> -> memref<128xi32, #tpu.memory_space<vmem>>
      %dma_wait3A_157 = arith.constant 0 : i32
      %dma_wait3A_158 = arith.constant 0 : i32
      %dma_wait3A_159 = tpu.memref_slice %arg11[%dma_wait3A_157, %dma_wait3A_158] : memref<10240x128xf32, #tpu.memory_space<vmem_shared>> -> memref<10240x128xf32, #tpu.memory_space<vmem_shared>>
      tpu.wait_indirect_dma semaphore(%arg15 : memref<!tpu.dma_semaphore, #tpu.memory_space<semaphore_mem>>) src(%arg10 : memref<128x128xf32, #tpu.memory_space<vmem>>) dst(%dma_wait3A_159 : memref<10240x128xf32, #tpu.memory_space<vmem_shared>>)
      %dma_start3A_160 = arith.constant 0 : i32
      %dma_start3A_161 = tpu.memref_slice %arg7[%add3A_139, %dma_start3A_160] : memref<40x128xi32, #tpu.memory_space<vmem>> -> memref<1x128xi32, #tpu.memory_space<vmem>>
      %dma_start3A_162 = tpu.memref_squeeze %dma_start3A_161 : memref<1x128xi32, #tpu.memory_space<vmem>> -> memref<128xi32, #tpu.memory_space<vmem>>
      %dma_start3A_163 = arith.constant 0 : i32
      %dma_start3A_164 = arith.constant 0 : i32
      %dma_start3A_165 = tpu.memref_slice %arg2[%dma_start3A_163, %dma_start3A_164] : memref<10000x128xf32, #tpu.memory_space<hbm>> -> memref<10000x128xf32, #tpu.memory_space<hbm>>
      tpu.enqueue_indirect_dma source(%dma_start3A_165 : memref<10000x128xf32, #tpu.memory_space<hbm>>) target(%arg10 : memref<128x128xf32, #tpu.memory_space<vmem>>) offsets(%dma_start3A_162 : memref<128xi32, #tpu.memory_space<vmem>>) semaphore(%arg13 : memref<!tpu.dma_semaphore, #tpu.memory_space<semaphore_mem>>)
      %dma_wait3A_166 = arith.constant 0 : i32
      %dma_wait3A_167 = tpu.memref_slice %arg7[%mul3A_137, %dma_wait3A_166] : memref<40x128xi32, #tpu.memory_space<vmem>> -> memref<1x128xi32, #tpu.memory_space<vmem>>
      %dma_wait3A_168 = tpu.memref_squeeze %dma_wait3A_167 : memref<1x128xi32, #tpu.memory_space<vmem>> -> memref<128xi32, #tpu.memory_space<vmem>>
      %dma_wait3A_169 = arith.constant 0 : i32
      %dma_wait3A_170 = arith.constant 0 : i32
      %dma_wait3A_171 = tpu.memref_slice %arg2[%dma_wait3A_169, %dma_wait3A_170] : memref<10000x128xf32, #tpu.memory_space<hbm>> -> memref<10000x128xf32, #tpu.memory_space<hbm>>
      tpu.wait_indirect_dma semaphore(%arg12 : memref<!tpu.dma_semaphore, #tpu.memory_space<semaphore_mem>>) src(%dma_wait3A_171 : memref<10000x128xf32, #tpu.memory_space<hbm>>) dst(%arg9 : memref<128x128xf32, #tpu.memory_space<vmem>>)
      %dma_start3A_172 = arith.constant 0 : i32
      %dma_start3A_173 = tpu.memref_slice %arg8[%mul3A_137, %dma_start3A_172] : memref<40x128xi32, #tpu.memory_space<vmem>> -> memref<1x128xi32, #tpu.memory_space<vmem>>
      %dma_start3A_174 = tpu.memref_squeeze %dma_start3A_173 : memref<1x128xi32, #tpu.memory_space<vmem>> -> memref<128xi32, #tpu.memory_space<vmem>>
      %dma_start3A_175 = arith.constant 0 : i32
      %dma_start3A_176 = arith.constant 0 : i32
      %dma_start3A_177 = tpu.memref_slice %arg11[%dma_start3A_175, %dma_start3A_176] : memref<10240x128xf32, #tpu.memory_space<vmem_shared>> -> memref<10240x128xf32, #tpu.memory_space<vmem_shared>>
      tpu.enqueue_indirect_dma source(%arg9 : memref<128x128xf32, #tpu.memory_space<vmem>>) target(%dma_start3A_177 : memref<10240x128xf32, #tpu.memory_space<vmem_shared>>) offsets(%dma_start3A_174 : memref<128xi32, #tpu.memory_space<vmem>>) semaphore(%arg14 : memref<!tpu.dma_semaphore, #tpu.memory_space<semaphore_mem>>) {add = true}
      %dma_wait3A_178 = arith.constant 0 : i32
      %dma_wait3A_179 = tpu.memref_slice %arg7[%add3A_139, %dma_wait3A_178] : memref<40x128xi32, #tpu.memory_space<vmem>> -> memref<1x128xi32, #tpu.memory_space<vmem>>
      %dma_wait3A_180 = tpu.memref_squeeze %dma_wait3A_179 : memref<1x128xi32, #tpu.memory_space<vmem>> -> memref<128xi32, #tpu.memory_space<vmem>>
      %dma_wait3A_181 = arith.constant 0 : i32
      %dma_wait3A_182 = arith.constant 0 : i32
      %dma_wait3A_183 = tpu.memref_slice %arg2[%dma_wait3A_181, %dma_wait3A_182] : memref<10000x128xf32, #tpu.memory_space<hbm>> -> memref<10000x128xf32, #tpu.memory_space<hbm>>
      tpu.wait_indirect_dma semaphore(%arg13 : memref<!tpu.dma_semaphore, #tpu.memory_space<semaphore_mem>>) src(%dma_wait3A_183 : memref<10000x128xf32, #tpu.memory_space<hbm>>) dst(%arg10 : memref<128x128xf32, #tpu.memory_space<vmem>>)
      %dma_start3A_184 = arith.constant 0 : i32
      %dma_start3A_185 = tpu.memref_slice %arg8[%add3A_139, %dma_start3A_184] : memref<40x128xi32, #tpu.memory_space<vmem>> -> memref<1x128xi32, #tpu.memory_space<vmem>>
      %dma_start3A_186 = tpu.memref_squeeze %dma_start3A_185 : memref<1x128xi32, #tpu.memory_space<vmem>> -> memref<128xi32, #tpu.memory_space<vmem>>
      %dma_start3A_187 = arith.constant 0 : i32
      %dma_start3A_188 = arith.constant 0 : i32
      %dma_start3A_189 = tpu.memref_slice %arg11[%dma_start3A_187, %dma_start3A_188] : memref<10240x128xf32, #tpu.memory_space<vmem_shared>> -> memref<10240x128xf32, #tpu.memory_space<vmem_shared>>
      tpu.enqueue_indirect_dma source(%arg10 : memref<128x128xf32, #tpu.memory_space<vmem>>) target(%dma_start3A_189 : memref<10240x128xf32, #tpu.memory_space<vmem_shared>>) offsets(%dma_start3A_186 : memref<128xi32, #tpu.memory_space<vmem>>) semaphore(%arg15 : memref<!tpu.dma_semaphore, #tpu.memory_space<semaphore_mem>>) {add = true}
    }
    %scan3A_51 = arith.constant 19 : i32
    %dma_wait3A_52 = arith.constant 0 : i32
    %dma_wait3A_53 = arith.constant 0 : i32
    %dma_wait3A_54 = tpu.memref_slice %arg8[%dma_wait3A_52, %dma_wait3A_53] : memref<40x128xi32, #tpu.memory_space<vmem>> -> memref<1x128xi32, #tpu.memory_space<vmem>>
    %dma_wait3A_55 = tpu.memref_squeeze %dma_wait3A_54 : memref<1x128xi32, #tpu.memory_space<vmem>> -> memref<128xi32, #tpu.memory_space<vmem>>
    %dma_wait3A_56 = arith.constant 0 : i32
    %dma_wait3A_57 = arith.constant 0 : i32
    %dma_wait3A_58 = tpu.memref_slice %arg11[%dma_wait3A_56, %dma_wait3A_57] : memref<10240x128xf32, #tpu.memory_space<vmem_shared>> -> memref<10240x128xf32, #tpu.memory_space<vmem_shared>>
    tpu.wait_indirect_dma semaphore(%arg14 : memref<!tpu.dma_semaphore, #tpu.memory_space<semaphore_mem>>) src(%arg9 : memref<128x128xf32, #tpu.memory_space<vmem>>) dst(%dma_wait3A_58 : memref<10240x128xf32, #tpu.memory_space<vmem_shared>>)
    %dma_wait3A_59 = arith.constant 0 : i32
    %dma_wait3A_60 = arith.constant 0 : i32
    %dma_wait3A_61 = tpu.memref_slice %arg8[%dma_wait3A_59, %dma_wait3A_60] : memref<40x128xi32, #tpu.memory_space<vmem>> -> memref<1x128xi32, #tpu.memory_space<vmem>>
    %dma_wait3A_62 = tpu.memref_squeeze %dma_wait3A_61 : memref<1x128xi32, #tpu.memory_space<vmem>> -> memref<128xi32, #tpu.memory_space<vmem>>
    %dma_wait3A_63 = arith.constant 0 : i32
    %dma_wait3A_64 = arith.constant 0 : i32
    %dma_wait3A_65 = tpu.memref_slice %arg11[%dma_wait3A_63, %dma_wait3A_64] : memref<10240x128xf32, #tpu.memory_space<vmem_shared>> -> memref<10240x128xf32, #tpu.memory_space<vmem_shared>>
    tpu.wait_indirect_dma semaphore(%arg15 : memref<!tpu.dma_semaphore, #tpu.memory_space<semaphore_mem>>) src(%arg10 : memref<128x128xf32, #tpu.memory_space<vmem>>) dst(%dma_wait3A_65 : memref<10240x128xf32, #tpu.memory_space<vmem_shared>>)
    "tpu.region"() ({
      %run_scoped3A = tpu.sem_alloc : memref<!tpu.dma_semaphore, #tpu.memory_space<semaphore_mem>>
      %dma_start3A_135 = arith.constant 40 : i32
      %dma_start3A_136 = arith.constant 0 : i32
      %dma_start3A_137 = tpu.memref_slice %arg3[%add3A, %dma_start3A_135, %dma_start3A_136] : memref<32x80x128xi32, #tpu.memory_space<hbm>> -> memref<1x40x128xi32, #tpu.memory_space<hbm>>
      %dma_start3A_138 = tpu.memref_squeeze %dma_start3A_137 : memref<1x40x128xi32, #tpu.memory_space<hbm>> -> memref<40x128xi32, #tpu.memory_space<hbm>>
      %dma_start3A_139 = arith.constant 40 : i32
      %dma_start3A_140 = arith.constant 0 : i32
      %dma_start3A_141 = tpu.memref_slice %arg3[%add3A, %dma_start3A_139, %dma_start3A_140] : memref<32x80x128xi32, #tpu.memory_space<hbm>> -> memref<1x40x128xi32, #tpu.memory_space<hbm>>
      %dma_start3A_142 = tpu.memref_squeeze %dma_start3A_141 : memref<1x40x128xi32, #tpu.memory_space<hbm>> -> memref<40x128xi32, #tpu.memory_space<hbm>>
      tpu.enqueue_dma source(%dma_start3A_142 : memref<40x128xi32, #tpu.memory_space<hbm>>) target(%arg7 : memref<40x128xi32, #tpu.memory_space<vmem>>) target_semaphore(%run_scoped3A : memref<!tpu.dma_semaphore, #tpu.memory_space<semaphore_mem>>)
      %dma_wait3A_143 = arith.constant 40 : i32
      %dma_wait3A_144 = arith.constant 0 : i32
      %dma_wait3A_145 = tpu.memref_slice %arg3[%add3A, %dma_wait3A_143, %dma_wait3A_144] : memref<32x80x128xi32, #tpu.memory_space<hbm>> -> memref<1x40x128xi32, #tpu.memory_space<hbm>>
      %dma_wait3A_146 = tpu.memref_squeeze %dma_wait3A_145 : memref<1x40x128xi32, #tpu.memory_space<hbm>> -> memref<40x128xi32, #tpu.memory_space<hbm>>
      %dma_wait3A_147 = arith.constant 40 : i32
      %dma_wait3A_148 = arith.constant 0 : i32
      %dma_wait3A_149 = tpu.memref_slice %arg3[%add3A, %dma_wait3A_147, %dma_wait3A_148] : memref<32x80x128xi32, #tpu.memory_space<hbm>> -> memref<1x40x128xi32, #tpu.memory_space<hbm>>
      %dma_wait3A_150 = tpu.memref_squeeze %dma_wait3A_149 : memref<1x40x128xi32, #tpu.memory_space<hbm>> -> memref<40x128xi32, #tpu.memory_space<hbm>>
      tpu.wait_dma2 semaphore(%run_scoped3A : memref<!tpu.dma_semaphore, #tpu.memory_space<semaphore_mem>>) src(%dma_wait3A_150 : memref<40x128xi32, #tpu.memory_space<hbm>>) dst(%arg7 : memref<40x128xi32, #tpu.memory_space<vmem>>)
      tpu.yield
    }) : () -> ()
    "tpu.region"() ({
      %run_scoped3A = tpu.sem_alloc : memref<!tpu.dma_semaphore, #tpu.memory_space<semaphore_mem>>
      %dma_start3A_135 = arith.constant 40 : i32
      %dma_start3A_136 = arith.constant 0 : i32
      %dma_start3A_137 = tpu.memref_slice %arg4[%add3A, %dma_start3A_135, %dma_start3A_136] : memref<32x80x128xi32, #tpu.memory_space<hbm>> -> memref<1x40x128xi32, #tpu.memory_space<hbm>>
      %dma_start3A_138 = tpu.memref_squeeze %dma_start3A_137 : memref<1x40x128xi32, #tpu.memory_space<hbm>> -> memref<40x128xi32, #tpu.memory_space<hbm>>
      %dma_start3A_139 = arith.constant 40 : i32
      %dma_start3A_140 = arith.constant 0 : i32
      %dma_start3A_141 = tpu.memref_slice %arg4[%add3A, %dma_start3A_139, %dma_start3A_140] : memref<32x80x128xi32, #tpu.memory_space<hbm>> -> memref<1x40x128xi32, #tpu.memory_space<hbm>>
      %dma_start3A_142 = tpu.memref_squeeze %dma_start3A_141 : memref<1x40x128xi32, #tpu.memory_space<hbm>> -> memref<40x128xi32, #tpu.memory_space<hbm>>
      tpu.enqueue_dma source(%dma_start3A_142 : memref<40x128xi32, #tpu.memory_space<hbm>>) target(%arg8 : memref<40x128xi32, #tpu.memory_space<vmem>>) target_semaphore(%run_scoped3A : memref<!tpu.dma_semaphore, #tpu.memory_space<semaphore_mem>>)
      %dma_wait3A_143 = arith.constant 40 : i32
      %dma_wait3A_144 = arith.constant 0 : i32
      %dma_wait3A_145 = tpu.memref_slice %arg4[%add3A, %dma_wait3A_143, %dma_wait3A_144] : memref<32x80x128xi32, #tpu.memory_space<hbm>> -> memref<1x40x128xi32, #tpu.memory_space<hbm>>
      %dma_wait3A_146 = tpu.memref_squeeze %dma_wait3A_145 : memref<1x40x128xi32, #tpu.memory_space<hbm>> -> memref<40x128xi32, #tpu.memory_space<hbm>>
      %dma_wait3A_147 = arith.constant 40 : i32
      %dma_wait3A_148 = arith.constant 0 : i32
      %dma_wait3A_149 = tpu.memref_slice %arg4[%add3A, %dma_wait3A_147, %dma_wait3A_148] : memref<32x80x128xi32, #tpu.memory_space<hbm>> -> memref<1x40x128xi32, #tpu.memory_space<hbm>>
      %dma_wait3A_150 = tpu.memref_squeeze %dma_wait3A_149 : memref<1x40x128xi32, #tpu.memory_space<hbm>> -> memref<40x128xi32, #tpu.memory_space<hbm>>
      tpu.wait_dma2 semaphore(%run_scoped3A : memref<!tpu.dma_semaphore, #tpu.memory_space<semaphore_mem>>) src(%dma_wait3A_150 : memref<40x128xi32, #tpu.memory_space<hbm>>) dst(%arg8 : memref<40x128xi32, #tpu.memory_space<vmem>>)
      tpu.yield
    }) : () -> ()
    %dma_start3A_66 = arith.constant 0 : i32
    %dma_start3A_67 = arith.constant 0 : i32
    %dma_start3A_68 = tpu.memref_slice %arg7[%dma_start3A_66, %dma_start3A_67] : memref<40x128xi32, #tpu.memory_space<vmem>> -> memref<1x128xi32, #tpu.memory_space<vmem>>
    %dma_start3A_69 = tpu.memref_squeeze %dma_start3A_68 : memref<1x128xi32, #tpu.memory_space<vmem>> -> memref<128xi32, #tpu.memory_space<vmem>>
    %dma_start3A_70 = arith.constant 0 : i32
    %dma_start3A_71 = arith.constant 0 : i32
    %dma_start3A_72 = tpu.memref_slice %arg2[%dma_start3A_70, %dma_start3A_71] : memref<10000x128xf32, #tpu.memory_space<hbm>> -> memref<10000x128xf32, #tpu.memory_space<hbm>>
    tpu.enqueue_indirect_dma source(%dma_start3A_72 : memref<10000x128xf32, #tpu.memory_space<hbm>>) target(%arg9 : memref<128x128xf32, #tpu.memory_space<vmem>>) offsets(%dma_start3A_69 : memref<128xi32, #tpu.memory_space<vmem>>) semaphore(%arg12 : memref<!tpu.dma_semaphore, #tpu.memory_space<semaphore_mem>>)
    %dma_start3A_73 = arith.constant 1 : i32
    %dma_start3A_74 = arith.constant 0 : i32
    %dma_start3A_75 = tpu.memref_slice %arg7[%dma_start3A_73, %dma_start3A_74] : memref<40x128xi32, #tpu.memory_space<vmem>> -> memref<1x128xi32, #tpu.memory_space<vmem>>
    %dma_start3A_76 = tpu.memref_squeeze %dma_start3A_75 : memref<1x128xi32, #tpu.memory_space<vmem>> -> memref<128xi32, #tpu.memory_space<vmem>>
    %dma_start3A_77 = arith.constant 0 : i32
    %dma_start3A_78 = arith.constant 0 : i32
    %dma_start3A_79 = tpu.memref_slice %arg2[%dma_start3A_77, %dma_start3A_78] : memref<10000x128xf32, #tpu.memory_space<hbm>> -> memref<10000x128xf32, #tpu.memory_space<hbm>>
    tpu.enqueue_indirect_dma source(%dma_start3A_79 : memref<10000x128xf32, #tpu.memory_space<hbm>>) target(%arg10 : memref<128x128xf32, #tpu.memory_space<vmem>>) offsets(%dma_start3A_76 : memref<128xi32, #tpu.memory_space<vmem>>) semaphore(%arg13 : memref<!tpu.dma_semaphore, #tpu.memory_space<semaphore_mem>>)
    %dma_wait3A_80 = arith.constant 0 : i32
    %dma_wait3A_81 = arith.constant 0 : i32
    %dma_wait3A_82 = tpu.memref_slice %arg7[%dma_wait3A_80, %dma_wait3A_81] : memref<40x128xi32, #tpu.memory_space<vmem>> -> memref<1x128xi32, #tpu.memory_space<vmem>>
    %dma_wait3A_83 = tpu.memref_squeeze %dma_wait3A_82 : memref<1x128xi32, #tpu.memory_space<vmem>> -> memref<128xi32, #tpu.memory_space<vmem>>
    %dma_wait3A_84 = arith.constant 0 : i32
    %dma_wait3A_85 = arith.constant 0 : i32
    %dma_wait3A_86 = tpu.memref_slice %arg2[%dma_wait3A_84, %dma_wait3A_85] : memref<10000x128xf32, #tpu.memory_space<hbm>> -> memref<10000x128xf32, #tpu.memory_space<hbm>>
    tpu.wait_indirect_dma semaphore(%arg12 : memref<!tpu.dma_semaphore, #tpu.memory_space<semaphore_mem>>) src(%dma_wait3A_86 : memref<10000x128xf32, #tpu.memory_space<hbm>>) dst(%arg9 : memref<128x128xf32, #tpu.memory_space<vmem>>)
    %dma_start3A_87 = arith.constant 0 : i32
    %dma_start3A_88 = arith.constant 0 : i32
    %dma_start3A_89 = tpu.memref_slice %arg8[%dma_start3A_87, %dma_start3A_88] : memref<40x128xi32, #tpu.memory_space<vmem>> -> memref<1x128xi32, #tpu.memory_space<vmem>>
    %dma_start3A_90 = tpu.memref_squeeze %dma_start3A_89 : memref<1x128xi32, #tpu.memory_space<vmem>> -> memref<128xi32, #tpu.memory_space<vmem>>
    %dma_start3A_91 = arith.constant 0 : i32
    %dma_start3A_92 = arith.constant 0 : i32
    %dma_start3A_93 = tpu.memref_slice %arg11[%dma_start3A_91, %dma_start3A_92] : memref<10240x128xf32, #tpu.memory_space<vmem_shared>> -> memref<10240x128xf32, #tpu.memory_space<vmem_shared>>
    tpu.enqueue_indirect_dma source(%arg9 : memref<128x128xf32, #tpu.memory_space<vmem>>) target(%dma_start3A_93 : memref<10240x128xf32, #tpu.memory_space<vmem_shared>>) offsets(%dma_start3A_90 : memref<128xi32, #tpu.memory_space<vmem>>) semaphore(%arg14 : memref<!tpu.dma_semaphore, #tpu.memory_space<semaphore_mem>>) {add = true}
    %dma_wait3A_94 = arith.constant 1 : i32
    %dma_wait3A_95 = arith.constant 0 : i32
    %dma_wait3A_96 = tpu.memref_slice %arg7[%dma_wait3A_94, %dma_wait3A_95] : memref<40x128xi32, #tpu.memory_space<vmem>> -> memref<1x128xi32, #tpu.memory_space<vmem>>
    %dma_wait3A_97 = tpu.memref_squeeze %dma_wait3A_96 : memref<1x128xi32, #tpu.memory_space<vmem>> -> memref<128xi32, #tpu.memory_space<vmem>>
    %dma_wait3A_98 = arith.constant 0 : i32
    %dma_wait3A_99 = arith.constant 0 : i32
    %dma_wait3A_100 = tpu.memref_slice %arg2[%dma_wait3A_98, %dma_wait3A_99] : memref<10000x128xf32, #tpu.memory_space<hbm>> -> memref<10000x128xf32, #tpu.memory_space<hbm>>
    tpu.wait_indirect_dma semaphore(%arg13 : memref<!tpu.dma_semaphore, #tpu.memory_space<semaphore_mem>>) src(%dma_wait3A_100 : memref<10000x128xf32, #tpu.memory_space<hbm>>) dst(%arg10 : memref<128x128xf32, #tpu.memory_space<vmem>>)
    %dma_start3A_101 = arith.constant 1 : i32
    %dma_start3A_102 = arith.constant 0 : i32
    %dma_start3A_103 = tpu.memref_slice %arg8[%dma_start3A_101, %dma_start3A_102] : memref<40x128xi32, #tpu.memory_space<vmem>> -> memref<1x128xi32, #tpu.memory_space<vmem>>
    %dma_start3A_104 = tpu.memref_squeeze %dma_start3A_103 : memref<1x128xi32, #tpu.memory_space<vmem>> -> memref<128xi32, #tpu.memory_space<vmem>>
    %dma_start3A_105 = arith.constant 0 : i32
    %dma_start3A_106 = arith.constant 0 : i32
    %dma_start3A_107 = tpu.memref_slice %arg11[%dma_start3A_105, %dma_start3A_106] : memref<10240x128xf32, #tpu.memory_space<vmem_shared>> -> memref<10240x128xf32, #tpu.memory_space<vmem_shared>>
    tpu.enqueue_indirect_dma source(%arg10 : memref<128x128xf32, #tpu.memory_space<vmem>>) target(%dma_start3A_107 : memref<10240x128xf32, #tpu.memory_space<vmem_shared>>) offsets(%dma_start3A_104 : memref<128xi32, #tpu.memory_space<vmem>>) semaphore(%arg15 : memref<!tpu.dma_semaphore, #tpu.memory_space<semaphore_mem>>) {add = true}
    %scan3A_108 = arith.constant 0 : i32
    %scan3A_109 = arith.constant 1 : i32
    %scan3A_110 = arith.constant 19 : i32
    %scan3A_111 = arith.addi %scan3A_109, %scan3A_110 : i32
    %scan3A_112 = arith.constant 1 : i32
    scf.for %scan3A_135 = %scan3A_109 to %scan3A_111 step %scan3A_112  : i32 {
      %mul3A_136 = arith.constant 2 : i32
      %mul3A_137 = arith.muli %mul3A_136, %scan3A_135 : i32
      %add3A_138 = arith.constant 1 : i32
      %add3A_139 = arith.addi %mul3A_137, %add3A_138 : i32
      %dma_wait3A_140 = arith.constant 0 : i32
      %dma_wait3A_141 = arith.constant 0 : i32
      %dma_wait3A_142 = tpu.memref_slice %arg8[%dma_wait3A_140, %dma_wait3A_141] : memref<40x128xi32, #tpu.memory_space<vmem>> -> memref<1x128xi32, #tpu.memory_space<vmem>>
      %dma_wait3A_143 = tpu.memref_squeeze %dma_wait3A_142 : memref<1x128xi32, #tpu.memory_space<vmem>> -> memref<128xi32, #tpu.memory_space<vmem>>
      %dma_wait3A_144 = arith.constant 0 : i32
      %dma_wait3A_145 = arith.constant 0 : i32
      %dma_wait3A_146 = tpu.memref_slice %arg11[%dma_wait3A_144, %dma_wait3A_145] : memref<10240x128xf32, #tpu.memory_space<vmem_shared>> -> memref<10240x128xf32, #tpu.memory_space<vmem_shared>>
      tpu.wait_indirect_dma semaphore(%arg14 : memref<!tpu.dma_semaphore, #tpu.memory_space<semaphore_mem>>) src(%arg9 : memref<128x128xf32, #tpu.memory_space<vmem>>) dst(%dma_wait3A_146 : memref<10240x128xf32, #tpu.memory_space<vmem_shared>>)
      %dma_start3A_147 = arith.constant 0 : i32
      %dma_start3A_148 = tpu.memref_slice %arg7[%mul3A_137, %dma_start3A_147] : memref<40x128xi32, #tpu.memory_space<vmem>> -> memref<1x128xi32, #tpu.memory_space<vmem>>
      %dma_start3A_149 = tpu.memref_squeeze %dma_start3A_148 : memref<1x128xi32, #tpu.memory_space<vmem>> -> memref<128xi32, #tpu.memory_space<vmem>>
      %dma_start3A_150 = arith.constant 0 : i32
      %dma_start3A_151 = arith.constant 0 : i32
      %dma_start3A_152 = tpu.memref_slice %arg2[%dma_start3A_150, %dma_start3A_151] : memref<10000x128xf32, #tpu.memory_space<hbm>> -> memref<10000x128xf32, #tpu.memory_space<hbm>>
      tpu.enqueue_indirect_dma source(%dma_start3A_152 : memref<10000x128xf32, #tpu.memory_space<hbm>>) target(%arg9 : memref<128x128xf32, #tpu.memory_space<vmem>>) offsets(%dma_start3A_149 : memref<128xi32, #tpu.memory_space<vmem>>) semaphore(%arg12 : memref<!tpu.dma_semaphore, #tpu.memory_space<semaphore_mem>>)
      %dma_wait3A_153 = arith.constant 0 : i32
      %dma_wait3A_154 = arith.constant 0 : i32
      %dma_wait3A_155 = tpu.memref_slice %arg8[%dma_wait3A_153, %dma_wait3A_154] : memref<40x128xi32, #tpu.memory_space<vmem>> -> memref<1x128xi32, #tpu.memory_space<vmem>>
      %dma_wait3A_156 = tpu.memref_squeeze %dma_wait3A_155 : memref<1x128xi32, #tpu.memory_space<vmem>> -> memref<128xi32, #tpu.memory_space<vmem>>
      %dma_wait3A_157 = arith.constant 0 : i32
      %dma_wait3A_158 = arith.constant 0 : i32
      %dma_wait3A_159 = tpu.memref_slice %arg11[%dma_wait3A_157, %dma_wait3A_158] : memref<10240x128xf32, #tpu.memory_space<vmem_shared>> -> memref<10240x128xf32, #tpu.memory_space<vmem_shared>>
      tpu.wait_indirect_dma semaphore(%arg15 : memref<!tpu.dma_semaphore, #tpu.memory_space<semaphore_mem>>) src(%arg10 : memref<128x128xf32, #tpu.memory_space<vmem>>) dst(%dma_wait3A_159 : memref<10240x128xf32, #tpu.memory_space<vmem_shared>>)
      %dma_start3A_160 = arith.constant 0 : i32
      %dma_start3A_161 = tpu.memref_slice %arg7[%add3A_139, %dma_start3A_160] : memref<40x128xi32, #tpu.memory_space<vmem>> -> memref<1x128xi32, #tpu.memory_space<vmem>>
      %dma_start3A_162 = tpu.memref_squeeze %dma_start3A_161 : memref<1x128xi32, #tpu.memory_space<vmem>> -> memref<128xi32, #tpu.memory_space<vmem>>
      %dma_start3A_163 = arith.constant 0 : i32
      %dma_start3A_164 = arith.constant 0 : i32
      %dma_start3A_165 = tpu.memref_slice %arg2[%dma_start3A_163, %dma_start3A_164] : memref<10000x128xf32, #tpu.memory_space<hbm>> -> memref<10000x128xf32, #tpu.memory_space<hbm>>
      tpu.enqueue_indirect_dma source(%dma_start3A_165 : memref<10000x128xf32, #tpu.memory_space<hbm>>) target(%arg10 : memref<128x128xf32, #tpu.memory_space<vmem>>) offsets(%dma_start3A_162 : memref<128xi32, #tpu.memory_space<vmem>>) semaphore(%arg13 : memref<!tpu.dma_semaphore, #tpu.memory_space<semaphore_mem>>)
      %dma_wait3A_166 = arith.constant 0 : i32
      %dma_wait3A_167 = tpu.memref_slice %arg7[%mul3A_137, %dma_wait3A_166] : memref<40x128xi32, #tpu.memory_space<vmem>> -> memref<1x128xi32, #tpu.memory_space<vmem>>
      %dma_wait3A_168 = tpu.memref_squeeze %dma_wait3A_167 : memref<1x128xi32, #tpu.memory_space<vmem>> -> memref<128xi32, #tpu.memory_space<vmem>>
      %dma_wait3A_169 = arith.constant 0 : i32
      %dma_wait3A_170 = arith.constant 0 : i32
      %dma_wait3A_171 = tpu.memref_slice %arg2[%dma_wait3A_169, %dma_wait3A_170] : memref<10000x128xf32, #tpu.memory_space<hbm>> -> memref<10000x128xf32, #tpu.memory_space<hbm>>
      tpu.wait_indirect_dma semaphore(%arg12 : memref<!tpu.dma_semaphore, #tpu.memory_space<semaphore_mem>>) src(%dma_wait3A_171 : memref<10000x128xf32, #tpu.memory_space<hbm>>) dst(%arg9 : memref<128x128xf32, #tpu.memory_space<vmem>>)
      %dma_start3A_172 = arith.constant 0 : i32
      %dma_start3A_173 = tpu.memref_slice %arg8[%mul3A_137, %dma_start3A_172] : memref<40x128xi32, #tpu.memory_space<vmem>> -> memref<1x128xi32, #tpu.memory_space<vmem>>
      %dma_start3A_174 = tpu.memref_squeeze %dma_start3A_173 : memref<1x128xi32, #tpu.memory_space<vmem>> -> memref<128xi32, #tpu.memory_space<vmem>>
      %dma_start3A_175 = arith.constant 0 : i32
      %dma_start3A_176 = arith.constant 0 : i32
      %dma_start3A_177 = tpu.memref_slice %arg11[%dma_start3A_175, %dma_start3A_176] : memref<10240x128xf32, #tpu.memory_space<vmem_shared>> -> memref<10240x128xf32, #tpu.memory_space<vmem_shared>>
      tpu.enqueue_indirect_dma source(%arg9 : memref<128x128xf32, #tpu.memory_space<vmem>>) target(%dma_start3A_177 : memref<10240x128xf32, #tpu.memory_space<vmem_shared>>) offsets(%dma_start3A_174 : memref<128xi32, #tpu.memory_space<vmem>>) semaphore(%arg14 : memref<!tpu.dma_semaphore, #tpu.memory_space<semaphore_mem>>) {add = true}
      %dma_wait3A_178 = arith.constant 0 : i32
      %dma_wait3A_179 = tpu.memref_slice %arg7[%add3A_139, %dma_wait3A_178] : memref<40x128xi32, #tpu.memory_space<vmem>> -> memref<1x128xi32, #tpu.memory_space<vmem>>
      %dma_wait3A_180 = tpu.memref_squeeze %dma_wait3A_179 : memref<1x128xi32, #tpu.memory_space<vmem>> -> memref<128xi32, #tpu.memory_space<vmem>>
      %dma_wait3A_181 = arith.constant 0 : i32
      %dma_wait3A_182 = arith.constant 0 : i32
      %dma_wait3A_183 = tpu.memref_slice %arg2[%dma_wait3A_181, %dma_wait3A_182] : memref<10000x128xf32, #tpu.memory_space<hbm>> -> memref<10000x128xf32, #tpu.memory_space<hbm>>
      tpu.wait_indirect_dma semaphore(%arg13 : memref<!tpu.dma_semaphore, #tpu.memory_space<semaphore_mem>>) src(%dma_wait3A_183 : memref<10000x128xf32, #tpu.memory_space<hbm>>) dst(%arg10 : memref<128x128xf32, #tpu.memory_space<vmem>>)
      %dma_start3A_184 = arith.constant 0 : i32
      %dma_start3A_185 = tpu.memref_slice %arg8[%add3A_139, %dma_start3A_184] : memref<40x128xi32, #tpu.memory_space<vmem>> -> memref<1x128xi32, #tpu.memory_space<vmem>>
      %dma_start3A_186 = tpu.memref_squeeze %dma_start3A_185 : memref<1x128xi32, #tpu.memory_space<vmem>> -> memref<128xi32, #tpu.memory_space<vmem>>
      %dma_start3A_187 = arith.constant 0 : i32
      %dma_start3A_188 = arith.constant 0 : i32
      %dma_start3A_189 = tpu.memref_slice %arg11[%dma_start3A_187, %dma_start3A_188] : memref<10240x128xf32, #tpu.memory_space<vmem_shared>> -> memref<10240x128xf32, #tpu.memory_space<vmem_shared>>
      tpu.enqueue_indirect_dma source(%arg10 : memref<128x128xf32, #tpu.memory_space<vmem>>) target(%dma_start3A_189 : memref<10240x128xf32, #tpu.memory_space<vmem_shared>>) offsets(%dma_start3A_186 : memref<128xi32, #tpu.memory_space<vmem>>) semaphore(%arg15 : memref<!tpu.dma_semaphore, #tpu.memory_space<semaphore_mem>>) {add = true}
    }
    %scan3A_113 = arith.constant 19 : i32
    %dma_wait3A_114 = arith.constant 0 : i32
    %dma_wait3A_115 = arith.constant 0 : i32
    %dma_wait3A_116 = tpu.memref_slice %arg8[%dma_wait3A_114, %dma_wait3A_115] : memref<40x128xi32, #tpu.memory_space<vmem>> -> memref<1x128xi32, #tpu.memory_space<vmem>>
    %dma_wait3A_117 = tpu.memref_squeeze %dma_wait3A_116 : memref<1x128xi32, #tpu.memory_space<vmem>> -> memref<128xi32, #tpu.memory_space<vmem>>
    %dma_wait3A_118 = arith.constant 0 : i32
    %dma_wait3A_119 = arith.constant 0 : i32
    %dma_wait3A_120 = tpu.memref_slice %arg11[%dma_wait3A_118, %dma_wait3A_119] : memref<10240x128xf32, #tpu.memory_space<vmem_shared>> -> memref<10240x128xf32, #tpu.memory_space<vmem_shared>>
    tpu.wait_indirect_dma semaphore(%arg14 : memref<!tpu.dma_semaphore, #tpu.memory_space<semaphore_mem>>) src(%arg9 : memref<128x128xf32, #tpu.memory_space<vmem>>) dst(%dma_wait3A_120 : memref<10240x128xf32, #tpu.memory_space<vmem_shared>>)
    %dma_wait3A_121 = arith.constant 0 : i32
    %dma_wait3A_122 = arith.constant 0 : i32
    %dma_wait3A_123 = tpu.memref_slice %arg8[%dma_wait3A_121, %dma_wait3A_122] : memref<40x128xi32, #tpu.memory_space<vmem>> -> memref<1x128xi32, #tpu.memory_space<vmem>>
    %dma_wait3A_124 = tpu.memref_squeeze %dma_wait3A_123 : memref<1x128xi32, #tpu.memory_space<vmem>> -> memref<128xi32, #tpu.memory_space<vmem>>
    %dma_wait3A_125 = arith.constant 0 : i32
    %dma_wait3A_126 = arith.constant 0 : i32
    %dma_wait3A_127 = tpu.memref_slice %arg11[%dma_wait3A_125, %dma_wait3A_126] : memref<10240x128xf32, #tpu.memory_space<vmem_shared>> -> memref<10240x128xf32, #tpu.memory_space<vmem_shared>>
    tpu.wait_indirect_dma semaphore(%arg15 : memref<!tpu.dma_semaphore, #tpu.memory_space<semaphore_mem>>) src(%arg10 : memref<128x128xf32, #tpu.memory_space<vmem>>) dst(%dma_wait3A_127 : memref<10240x128xf32, #tpu.memory_space<vmem_shared>>)
    %barrier3A_128 = arith.constant 0 : index
    tpu.barrier barrier_id(%barrier3A_128)
    %scan3A_129 = arith.constant 0 : i32
    %scan3A_130 = arith.constant 0 : i32
    %scan3A_131 = arith.constant 5 : i32
    %scan3A_132 = arith.addi %scan3A_130, %scan3A_131 : i32
    %scan3A_133 = arith.constant 1 : i32
    scf.for %scan3A_135 = %scan3A_130 to %scan3A_132 step %scan3A_133  : i32 {
      %mul3A_136 = arith.constant 640 : i32
      %mul3A_137 = arith.muli %arg1, %mul3A_136 : i32
      %mul3A_138 = arith.constant 128 : i32
      %mul3A_139 = arith.muli %scan3A_135, %mul3A_138 : i32
      %add3A_140 = arith.addi %mul3A_137, %mul3A_139 : i32
      "tpu.region"() ({
        %run_scoped3A = tpu.sem_alloc : memref<!tpu.dma_semaphore, #tpu.memory_space<semaphore_mem>>
        %dma_start3A_141 = arith.constant 0 : i32
        %dma_start3A_142 = tpu.memref_slice %arg6[%arg0, %add3A_140, %dma_start3A_141] : memref<2x10240x128xf32, #tpu.memory_space<hbm>> -> memref<1x128x128xf32, #tpu.memory_space<hbm>>
        %dma_start3A_143 = tpu.memref_squeeze %dma_start3A_142 : memref<1x128x128xf32, #tpu.memory_space<hbm>> -> memref<128x128xf32, #tpu.memory_space<hbm>>
        %dma_start3A_144 = arith.constant 0 : i32
        %dma_start3A_145 = tpu.memref_slice %arg11[%add3A_140, %dma_start3A_144] : memref<10240x128xf32, #tpu.memory_space<vmem_shared>> -> memref<128x128xf32, #tpu.memory_space<vmem_shared>>
        tpu.enqueue_dma source(%dma_start3A_145 : memref<128x128xf32, #tpu.memory_space<vmem_shared>>) target(%dma_start3A_143 : memref<128x128xf32, #tpu.memory_space<hbm>>) target_semaphore(%run_scoped3A : memref<!tpu.dma_semaphore, #tpu.memory_space<semaphore_mem>>)
        %dma_wait3A_146 = arith.constant 0 : i32
        %dma_wait3A_147 = tpu.memref_slice %arg6[%arg0, %add3A_140, %dma_wait3A_146] : memref<2x10240x128xf32, #tpu.memory_space<hbm>> -> memref<1x128x128xf32, #tpu.memory_space<hbm>>
        %dma_wait3A_148 = tpu.memref_squeeze %dma_wait3A_147 : memref<1x128x128xf32, #tpu.memory_space<hbm>> -> memref<128x128xf32, #tpu.memory_space<hbm>>
        %dma_wait3A_149 = arith.constant 0 : i32
        %dma_wait3A_150 = tpu.memref_slice %arg11[%add3A_140, %dma_wait3A_149] : memref<10240x128xf32, #tpu.memory_space<vmem_shared>> -> memref<128x128xf32, #tpu.memory_space<vmem_shared>>
        tpu.wait_dma2 semaphore(%run_scoped3A : memref<!tpu.dma_semaphore, #tpu.memory_space<semaphore_mem>>) src(%dma_wait3A_150 : memref<128x128xf32, #tpu.memory_space<vmem_shared>>) dst(%dma_wait3A_148 : memref<128x128xf32, #tpu.memory_space<hbm>>)
        tpu.yield
      }) : () -> ()
    }
    %scan3A_134 = arith.constant 5 : i32
    return
  }
}

#map = affine_map<(d0, d1) -> (0, 0)>
#map1 = affine_map<(d0, d1) -> (0, 0, 0)>
module attributes {stable_mosaic.version = 14 : i64} {
  func.func @_agg(%arg0: i32, %arg1: i32, %arg2: memref<10000x128xf32, #tpu.memory_space<hbm>>, %arg3: memref<32x80x128xi32, #tpu.memory_space<hbm>>, %arg4: memref<32x80x128xi32, #tpu.memory_space<hbm>>, %arg5: memref<128x128xf32, #tpu.memory_space<hbm>>, %arg6: memref<2x10240x128xf32, #tpu.memory_space<hbm>>, %arg7: memref<40x128xi32, #tpu.memory_space<vmem>>, %arg8: memref<40x128xi32, #tpu.memory_space<vmem>>, %arg9: memref<128x128xf32, #tpu.memory_space<vmem>>, %arg10: memref<128x128xf32, #tpu.memory_space<vmem>>, %arg11: memref<10240x128xf32, #tpu.memory_space<vmem_shared>>, %arg12: memref<!tpu.dma_semaphore, #tpu.memory_space<semaphore_mem>>, %arg13: memref<!tpu.dma_semaphore, #tpu.memory_space<semaphore_mem>>, %arg14: memref<!tpu.dma_semaphore, #tpu.memory_space<semaphore_mem>>, %arg15: memref<!tpu.dma_semaphore, #tpu.memory_space<semaphore_mem>>) attributes {dimension_semantics = [#tpu.dimension_semantics<core_parallel>, #tpu.dimension_semantics<subcore_parallel>], iteration_bounds = array<i64: 2, 16>, scalar_prefetch = 0 : i64, scratch_operands = 9 : i64, tpu.core_type = #tpu.core_type<sc_vector_subcore>, window_params = [{transform_indices = #map}, {transform_indices = #map1}, {transform_indices = #map1}, {transform_indices = #map}, {transform_indices = #map1}]} {
    %mul3A = arith.constant 2 : i32
    %mul3A_0 = arith.muli %arg1, %mul3A : i32
    %add3A = arith.addi %mul3A_0, %arg0 : i32
    %scan3A = arith.constant 0 : i32
    %scan3A_1 = arith.constant 0 : i32
    %scan3A_2 = arith.constant 5 : i32
    %scan3A_3 = arith.addi %scan3A_1, %scan3A_2 : i32
    %scan3A_4 = arith.constant 1 : i32
    scf.for %scan3A_135 = %scan3A_1 to %scan3A_3 step %scan3A_4  : i32 {
      %mul3A_136 = arith.constant 640 : i32
      %mul3A_137 = arith.muli %arg1, %mul3A_136 : i32
      %mul3A_138 = arith.constant 128 : i32
      %mul3A_139 = arith.muli %scan3A_135, %mul3A_138 : i32
      %add3A_140 = arith.addi %mul3A_137, %mul3A_139 : i32
      "tpu.region"() ({
        %run_scoped3A = tpu.sem_alloc : memref<!tpu.dma_semaphore, #tpu.memory_space<semaphore_mem>>
        %dma_start3A_141 = arith.constant 0 : i32
        %dma_start3A_142 = tpu.memref_slice %arg11[%add3A_140, %dma_start3A_141] : memref<10240x128xf32, #tpu.memory_space<vmem_shared>> -> memref<128x128xf32, #tpu.memory_space<vmem_shared>>
        tpu.enqueue_dma source(%arg5 : memref<128x128xf32, #tpu.memory_space<hbm>>) target(%dma_start3A_142 : memref<128x128xf32, #tpu.memory_space<vmem_shared>>) target_semaphore(%run_scoped3A : memref<!tpu.dma_semaphore, #tpu.memory_space<semaphore_mem>>)
        %dma_wait3A_143 = arith.constant 0 : i32
        %dma_wait3A_144 = tpu.memref_slice %arg11[%add3A_140, %dma_wait3A_143] : memref<10240x128xf32, #tpu.memory_space<vmem_shared>> -> memref<128x128xf32, #tpu.memory_space<vmem_shared>>
        tpu.wait_dma2 semaphore(%run_scoped3A : memref<!tpu.dma_semaphore, #tpu.memory_space<semaphore_mem>>) src(%arg5 : memref<128x128xf32, #tpu.memory_space<hbm>>) dst(%dma_wait3A_144 : memref<128x128xf32, #tpu.memory_space<vmem_shared>>)
        tpu.yield
      }) : () -> ()
    }
    %scan3A_5 = arith.constant 5 : i32
    %barrier3A = arith.constant 0 : index
    tpu.barrier barrier_id(%barrier3A)
    "tpu.region"() ({
      %run_scoped3A = tpu.sem_alloc : memref<!tpu.dma_semaphore, #tpu.memory_space<semaphore_mem>>
      %dma_start3A_135 = arith.constant 0 : i32
      %dma_start3A_136 = arith.constant 0 : i32
      %dma_start3A_137 = tpu.memref_slice %arg3[%add3A, %dma_start3A_135, %dma_start3A_136] : memref<32x80x128xi32, #tpu.memory_space<hbm>> -> memref<1x40x128xi32, #tpu.memory_space<hbm>>
      %dma_start3A_138 = tpu.memref_squeeze %dma_start3A_137 : memref<1x40x128xi32, #tpu.memory_space<hbm>> -> memref<40x128xi32, #tpu.memory_space<hbm>>
      %dma_start3A_139 = arith.constant 0 : i32
      %dma_start3A_140 = arith.constant 0 : i32
      %dma_start3A_141 = tpu.memref_slice %arg3[%add3A, %dma_start3A_139, %dma_start3A_140] : memref<32x80x128xi32, #tpu.memory_space<hbm>> -> memref<1x40x128xi32, #tpu.memory_space<hbm>>
      %dma_start3A_142 = tpu.memref_squeeze %dma_start3A_141 : memref<1x40x128xi32, #tpu.memory_space<hbm>> -> memref<40x128xi32, #tpu.memory_space<hbm>>
      tpu.enqueue_dma source(%dma_start3A_142 : memref<40x128xi32, #tpu.memory_space<hbm>>) target(%arg7 : memref<40x128xi32, #tpu.memory_space<vmem>>) target_semaphore(%run_scoped3A : memref<!tpu.dma_semaphore, #tpu.memory_space<semaphore_mem>>)
      %dma_wait3A_143 = arith.constant 0 : i32
      %dma_wait3A_144 = arith.constant 0 : i32
      %dma_wait3A_145 = tpu.memref_slice %arg3[%add3A, %dma_wait3A_143, %dma_wait3A_144] : memref<32x80x128xi32, #tpu.memory_space<hbm>> -> memref<1x40x128xi32, #tpu.memory_space<hbm>>
      %dma_wait3A_146 = tpu.memref_squeeze %dma_wait3A_145 : memref<1x40x128xi32, #tpu.memory_space<hbm>> -> memref<40x128xi32, #tpu.memory_space<hbm>>
      %dma_wait3A_147 = arith.constant 0 : i32
      %dma_wait3A_148 = arith.constant 0 : i32
      %dma_wait3A_149 = tpu.memref_slice %arg3[%add3A, %dma_wait3A_147, %dma_wait3A_148] : memref<32x80x128xi32, #tpu.memory_space<hbm>> -> memref<1x40x128xi32, #tpu.memory_space<hbm>>
      %dma_wait3A_150 = tpu.memref_squeeze %dma_wait3A_149 : memref<1x40x128xi32, #tpu.memory_space<hbm>> -> memref<40x128xi32, #tpu.memory_space<hbm>>
      tpu.wait_dma2 semaphore(%run_scoped3A : memref<!tpu.dma_semaphore, #tpu.memory_space<semaphore_mem>>) src(%dma_wait3A_150 : memref<40x128xi32, #tpu.memory_space<hbm>>) dst(%arg7 : memref<40x128xi32, #tpu.memory_space<vmem>>)
      tpu.yield
    }) : () -> ()
    "tpu.region"() ({
      %run_scoped3A = tpu.sem_alloc : memref<!tpu.dma_semaphore, #tpu.memory_space<semaphore_mem>>
      %dma_start3A_135 = arith.constant 0 : i32
      %dma_start3A_136 = arith.constant 0 : i32
      %dma_start3A_137 = tpu.memref_slice %arg4[%add3A, %dma_start3A_135, %dma_start3A_136] : memref<32x80x128xi32, #tpu.memory_space<hbm>> -> memref<1x40x128xi32, #tpu.memory_space<hbm>>
      %dma_start3A_138 = tpu.memref_squeeze %dma_start3A_137 : memref<1x40x128xi32, #tpu.memory_space<hbm>> -> memref<40x128xi32, #tpu.memory_space<hbm>>
      %dma_start3A_139 = arith.constant 0 : i32
      %dma_start3A_140 = arith.constant 0 : i32
      %dma_start3A_141 = tpu.memref_slice %arg4[%add3A, %dma_start3A_139, %dma_start3A_140] : memref<32x80x128xi32, #tpu.memory_space<hbm>> -> memref<1x40x128xi32, #tpu.memory_space<hbm>>
      %dma_start3A_142 = tpu.memref_squeeze %dma_start3A_141 : memref<1x40x128xi32, #tpu.memory_space<hbm>> -> memref<40x128xi32, #tpu.memory_space<hbm>>
      tpu.enqueue_dma source(%dma_start3A_142 : memref<40x128xi32, #tpu.memory_space<hbm>>) target(%arg8 : memref<40x128xi32, #tpu.memory_space<vmem>>) target_semaphore(%run_scoped3A : memref<!tpu.dma_semaphore, #tpu.memory_space<semaphore_mem>>)
      %dma_wait3A_143 = arith.constant 0 : i32
      %dma_wait3A_144 = arith.constant 0 : i32
      %dma_wait3A_145 = tpu.memref_slice %arg4[%add3A, %dma_wait3A_143, %dma_wait3A_144] : memref<32x80x128xi32, #tpu.memory_space<hbm>> -> memref<1x40x128xi32, #tpu.memory_space<hbm>>
      %dma_wait3A_146 = tpu.memref_squeeze %dma_wait3A_145 : memref<1x40x128xi32, #tpu.memory_space<hbm>> -> memref<40x128xi32, #tpu.memory_space<hbm>>
      %dma_wait3A_147 = arith.constant 0 : i32
      %dma_wait3A_148 = arith.constant 0 : i32
      %dma_wait3A_149 = tpu.memref_slice %arg4[%add3A, %dma_wait3A_147, %dma_wait3A_148] : memref<32x80x128xi32, #tpu.memory_space<hbm>> -> memref<1x40x128xi32, #tpu.memory_space<hbm>>
      %dma_wait3A_150 = tpu.memref_squeeze %dma_wait3A_149 : memref<1x40x128xi32, #tpu.memory_space<hbm>> -> memref<40x128xi32, #tpu.memory_space<hbm>>
      tpu.wait_dma2 semaphore(%run_scoped3A : memref<!tpu.dma_semaphore, #tpu.memory_space<semaphore_mem>>) src(%dma_wait3A_150 : memref<40x128xi32, #tpu.memory_space<hbm>>) dst(%arg8 : memref<40x128xi32, #tpu.memory_space<vmem>>)
      tpu.yield
    }) : () -> ()
    %dma_start3A = arith.constant 0 : i32
    %dma_start3A_6 = arith.constant 0 : i32
    %dma_start3A_7 = tpu.memref_slice %arg7[%dma_start3A, %dma_start3A_6] : memref<40x128xi32, #tpu.memory_space<vmem>> -> memref<1x128xi32, #tpu.memory_space<vmem>>
    %dma_start3A_8 = tpu.memref_squeeze %dma_start3A_7 : memref<1x128xi32, #tpu.memory_space<vmem>> -> memref<128xi32, #tpu.memory_space<vmem>>
    %dma_start3A_9 = arith.constant 0 : i32
    %dma_start3A_10 = arith.constant 0 : i32
    %dma_start3A_11 = tpu.memref_slice %arg2[%dma_start3A_9, %dma_start3A_10] : memref<10000x128xf32, #tpu.memory_space<hbm>> -> memref<10000x128xf32, #tpu.memory_space<hbm>>
    tpu.enqueue_indirect_dma source(%dma_start3A_11 : memref<10000x128xf32, #tpu.memory_space<hbm>>) target(%arg9 : memref<128x128xf32, #tpu.memory_space<vmem>>) offsets(%dma_start3A_8 : memref<128xi32, #tpu.memory_space<vmem>>) semaphore(%arg12 : memref<!tpu.dma_semaphore, #tpu.memory_space<semaphore_mem>>)
    %dma_start3A_12 = arith.constant 1 : i32
    %dma_start3A_13 = arith.constant 0 : i32
    %dma_start3A_14 = tpu.memref_slice %arg7[%dma_start3A_12, %dma_start3A_13] : memref<40x128xi32, #tpu.memory_space<vmem>> -> memref<1x128xi32, #tpu.memory_space<vmem>>
    %dma_start3A_15 = tpu.memref_squeeze %dma_start3A_14 : memref<1x128xi32, #tpu.memory_space<vmem>> -> memref<128xi32, #tpu.memory_space<vmem>>
    %dma_start3A_16 = arith.constant 0 : i32
    %dma_start3A_17 = arith.constant 0 : i32
    %dma_start3A_18 = tpu.memref_slice %arg2[%dma_start3A_16, %dma_start3A_17] : memref<10000x128xf32, #tpu.memory_space<hbm>> -> memref<10000x128xf32, #tpu.memory_space<hbm>>
    tpu.enqueue_indirect_dma source(%dma_start3A_18 : memref<10000x128xf32, #tpu.memory_space<hbm>>) target(%arg10 : memref<128x128xf32, #tpu.memory_space<vmem>>) offsets(%dma_start3A_15 : memref<128xi32, #tpu.memory_space<vmem>>) semaphore(%arg13 : memref<!tpu.dma_semaphore, #tpu.memory_space<semaphore_mem>>)
    %dma_wait3A = arith.constant 0 : i32
    %dma_wait3A_19 = arith.constant 0 : i32
    %dma_wait3A_20 = tpu.memref_slice %arg7[%dma_wait3A, %dma_wait3A_19] : memref<40x128xi32, #tpu.memory_space<vmem>> -> memref<1x128xi32, #tpu.memory_space<vmem>>
    %dma_wait3A_21 = tpu.memref_squeeze %dma_wait3A_20 : memref<1x128xi32, #tpu.memory_space<vmem>> -> memref<128xi32, #tpu.memory_space<vmem>>
    %dma_wait3A_22 = arith.constant 0 : i32
    %dma_wait3A_23 = arith.constant 0 : i32
    %dma_wait3A_24 = tpu.memref_slice %arg2[%dma_wait3A_22, %dma_wait3A_23] : memref<10000x128xf32, #tpu.memory_space<hbm>> -> memref<10000x128xf32, #tpu.memory_space<hbm>>
    tpu.wait_indirect_dma semaphore(%arg12 : memref<!tpu.dma_semaphore, #tpu.memory_space<semaphore_mem>>) src(%dma_wait3A_24 : memref<10000x128xf32, #tpu.memory_space<hbm>>) dst(%arg9 : memref<128x128xf32, #tpu.memory_space<vmem>>)
    %dma_start3A_25 = arith.constant 0 : i32
    %dma_start3A_26 = arith.constant 0 : i32
    %dma_start3A_27 = tpu.memref_slice %arg8[%dma_start3A_25, %dma_start3A_26] : memref<40x128xi32, #tpu.memory_space<vmem>> -> memref<1x128xi32, #tpu.memory_space<vmem>>
    %dma_start3A_28 = tpu.memref_squeeze %dma_start3A_27 : memref<1x128xi32, #tpu.memory_space<vmem>> -> memref<128xi32, #tpu.memory_space<vmem>>
    %dma_start3A_29 = arith.constant 0 : i32
    %dma_start3A_30 = arith.constant 0 : i32
    %dma_start3A_31 = tpu.memref_slice %arg11[%dma_start3A_29, %dma_start3A_30] : memref<10240x128xf32, #tpu.memory_space<vmem_shared>> -> memref<10240x128xf32, #tpu.memory_space<vmem_shared>>
    tpu.enqueue_indirect_dma source(%arg9 : memref<128x128xf32, #tpu.memory_space<vmem>>) target(%dma_start3A_31 : memref<10240x128xf32, #tpu.memory_space<vmem_shared>>) offsets(%dma_start3A_28 : memref<128xi32, #tpu.memory_space<vmem>>) semaphore(%arg14 : memref<!tpu.dma_semaphore, #tpu.memory_space<semaphore_mem>>) {add = true}
    %dma_wait3A_32 = arith.constant 1 : i32
    %dma_wait3A_33 = arith.constant 0 : i32
    %dma_wait3A_34 = tpu.memref_slice %arg7[%dma_wait3A_32, %dma_wait3A_33] : memref<40x128xi32, #tpu.memory_space<vmem>> -> memref<1x128xi32, #tpu.memory_space<vmem>>
    %dma_wait3A_35 = tpu.memref_squeeze %dma_wait3A_34 : memref<1x128xi32, #tpu.memory_space<vmem>> -> memref<128xi32, #tpu.memory_space<vmem>>
    %dma_wait3A_36 = arith.constant 0 : i32
    %dma_wait3A_37 = arith.constant 0 : i32
    %dma_wait3A_38 = tpu.memref_slice %arg2[%dma_wait3A_36, %dma_wait3A_37] : memref<10000x128xf32, #tpu.memory_space<hbm>> -> memref<10000x128xf32, #tpu.memory_space<hbm>>
    tpu.wait_indirect_dma semaphore(%arg13 : memref<!tpu.dma_semaphore, #tpu.memory_space<semaphore_mem>>) src(%dma_wait3A_38 : memref<10000x128xf32, #tpu.memory_space<hbm>>) dst(%arg10 : memref<128x128xf32, #tpu.memory_space<vmem>>)
    %dma_start3A_39 = arith.constant 1 : i32
    %dma_start3A_40 = arith.constant 0 : i32
    %dma_start3A_41 = tpu.memref_slice %arg8[%dma_start3A_39, %dma_start3A_40] : memref<40x128xi32, #tpu.memory_space<vmem>> -> memref<1x128xi32, #tpu.memory_space<vmem>>
    %dma_start3A_42 = tpu.memref_squeeze %dma_start3A_41 : memref<1x128xi32, #tpu.memory_space<vmem>> -> memref<128xi32, #tpu.memory_space<vmem>>
    %dma_start3A_43 = arith.constant 0 : i32
    %dma_start3A_44 = arith.constant 0 : i32
    %dma_start3A_45 = tpu.memref_slice %arg11[%dma_start3A_43, %dma_start3A_44] : memref<10240x128xf32, #tpu.memory_space<vmem_shared>> -> memref<10240x128xf32, #tpu.memory_space<vmem_shared>>
    tpu.enqueue_indirect_dma source(%arg10 : memref<128x128xf32, #tpu.memory_space<vmem>>) target(%dma_start3A_45 : memref<10240x128xf32, #tpu.memory_space<vmem_shared>>) offsets(%dma_start3A_42 : memref<128xi32, #tpu.memory_space<vmem>>) semaphore(%arg15 : memref<!tpu.dma_semaphore, #tpu.memory_space<semaphore_mem>>) {add = true}
    %scan3A_46 = arith.constant 0 : i32
    %scan3A_47 = arith.constant 1 : i32
    %scan3A_48 = arith.constant 19 : i32
    %scan3A_49 = arith.addi %scan3A_47, %scan3A_48 : i32
    %scan3A_50 = arith.constant 1 : i32
    scf.for %scan3A_135 = %scan3A_47 to %scan3A_49 step %scan3A_50  : i32 {
      %mul3A_136 = arith.constant 2 : i32
      %mul3A_137 = arith.muli %mul3A_136, %scan3A_135 : i32
      %add3A_138 = arith.constant 1 : i32
      %add3A_139 = arith.addi %mul3A_137, %add3A_138 : i32
      %dma_wait3A_140 = arith.constant 0 : i32
      %dma_wait3A_141 = arith.constant 0 : i32
      %dma_wait3A_142 = tpu.memref_slice %arg8[%dma_wait3A_140, %dma_wait3A_141] : memref<40x128xi32, #tpu.memory_space<vmem>> -> memref<1x128xi32, #tpu.memory_space<vmem>>
      %dma_wait3A_143 = tpu.memref_squeeze %dma_wait3A_142 : memref<1x128xi32, #tpu.memory_space<vmem>> -> memref<128xi32, #tpu.memory_space<vmem>>
      %dma_wait3A_144 = arith.constant 0 : i32
      %dma_wait3A_145 = arith.constant 0 : i32
      %dma_wait3A_146 = tpu.memref_slice %arg11[%dma_wait3A_144, %dma_wait3A_145] : memref<10240x128xf32, #tpu.memory_space<vmem_shared>> -> memref<10240x128xf32, #tpu.memory_space<vmem_shared>>
      tpu.wait_indirect_dma semaphore(%arg14 : memref<!tpu.dma_semaphore, #tpu.memory_space<semaphore_mem>>) src(%arg9 : memref<128x128xf32, #tpu.memory_space<vmem>>) dst(%dma_wait3A_146 : memref<10240x128xf32, #tpu.memory_space<vmem_shared>>)
      %dma_start3A_147 = arith.constant 0 : i32
      %dma_start3A_148 = tpu.memref_slice %arg7[%mul3A_137, %dma_start3A_147] : memref<40x128xi32, #tpu.memory_space<vmem>> -> memref<1x128xi32, #tpu.memory_space<vmem>>
      %dma_start3A_149 = tpu.memref_squeeze %dma_start3A_148 : memref<1x128xi32, #tpu.memory_space<vmem>> -> memref<128xi32, #tpu.memory_space<vmem>>
      %dma_start3A_150 = arith.constant 0 : i32
      %dma_start3A_151 = arith.constant 0 : i32
      %dma_start3A_152 = tpu.memref_slice %arg2[%dma_start3A_150, %dma_start3A_151] : memref<10000x128xf32, #tpu.memory_space<hbm>> -> memref<10000x128xf32, #tpu.memory_space<hbm>>
      tpu.enqueue_indirect_dma source(%dma_start3A_152 : memref<10000x128xf32, #tpu.memory_space<hbm>>) target(%arg9 : memref<128x128xf32, #tpu.memory_space<vmem>>) offsets(%dma_start3A_149 : memref<128xi32, #tpu.memory_space<vmem>>) semaphore(%arg12 : memref<!tpu.dma_semaphore, #tpu.memory_space<semaphore_mem>>)
      %dma_wait3A_153 = arith.constant 0 : i32
      %dma_wait3A_154 = arith.constant 0 : i32
      %dma_wait3A_155 = tpu.memref_slice %arg8[%dma_wait3A_153, %dma_wait3A_154] : memref<40x128xi32, #tpu.memory_space<vmem>> -> memref<1x128xi32, #tpu.memory_space<vmem>>
      %dma_wait3A_156 = tpu.memref_squeeze %dma_wait3A_155 : memref<1x128xi32, #tpu.memory_space<vmem>> -> memref<128xi32, #tpu.memory_space<vmem>>
      %dma_wait3A_157 = arith.constant 0 : i32
      %dma_wait3A_158 = arith.constant 0 : i32
      %dma_wait3A_159 = tpu.memref_slice %arg11[%dma_wait3A_157, %dma_wait3A_158] : memref<10240x128xf32, #tpu.memory_space<vmem_shared>> -> memref<10240x128xf32, #tpu.memory_space<vmem_shared>>
      tpu.wait_indirect_dma semaphore(%arg15 : memref<!tpu.dma_semaphore, #tpu.memory_space<semaphore_mem>>) src(%arg10 : memref<128x128xf32, #tpu.memory_space<vmem>>) dst(%dma_wait3A_159 : memref<10240x128xf32, #tpu.memory_space<vmem_shared>>)
      %dma_start3A_160 = arith.constant 0 : i32
      %dma_start3A_161 = tpu.memref_slice %arg7[%add3A_139, %dma_start3A_160] : memref<40x128xi32, #tpu.memory_space<vmem>> -> memref<1x128xi32, #tpu.memory_space<vmem>>
      %dma_start3A_162 = tpu.memref_squeeze %dma_start3A_161 : memref<1x128xi32, #tpu.memory_space<vmem>> -> memref<128xi32, #tpu.memory_space<vmem>>
      %dma_start3A_163 = arith.constant 0 : i32
      %dma_start3A_164 = arith.constant 0 : i32
      %dma_start3A_165 = tpu.memref_slice %arg2[%dma_start3A_163, %dma_start3A_164] : memref<10000x128xf32, #tpu.memory_space<hbm>> -> memref<10000x128xf32, #tpu.memory_space<hbm>>
      tpu.enqueue_indirect_dma source(%dma_start3A_165 : memref<10000x128xf32, #tpu.memory_space<hbm>>) target(%arg10 : memref<128x128xf32, #tpu.memory_space<vmem>>) offsets(%dma_start3A_162 : memref<128xi32, #tpu.memory_space<vmem>>) semaphore(%arg13 : memref<!tpu.dma_semaphore, #tpu.memory_space<semaphore_mem>>)
      %dma_wait3A_166 = arith.constant 0 : i32
      %dma_wait3A_167 = tpu.memref_slice %arg7[%mul3A_137, %dma_wait3A_166] : memref<40x128xi32, #tpu.memory_space<vmem>> -> memref<1x128xi32, #tpu.memory_space<vmem>>
      %dma_wait3A_168 = tpu.memref_squeeze %dma_wait3A_167 : memref<1x128xi32, #tpu.memory_space<vmem>> -> memref<128xi32, #tpu.memory_space<vmem>>
      %dma_wait3A_169 = arith.constant 0 : i32
      %dma_wait3A_170 = arith.constant 0 : i32
      %dma_wait3A_171 = tpu.memref_slice %arg2[%dma_wait3A_169, %dma_wait3A_170] : memref<10000x128xf32, #tpu.memory_space<hbm>> -> memref<10000x128xf32, #tpu.memory_space<hbm>>
      tpu.wait_indirect_dma semaphore(%arg12 : memref<!tpu.dma_semaphore, #tpu.memory_space<semaphore_mem>>) src(%dma_wait3A_171 : memref<10000x128xf32, #tpu.memory_space<hbm>>) dst(%arg9 : memref<128x128xf32, #tpu.memory_space<vmem>>)
      %dma_start3A_172 = arith.constant 0 : i32
      %dma_start3A_173 = tpu.memref_slice %arg8[%mul3A_137, %dma_start3A_172] : memref<40x128xi32, #tpu.memory_space<vmem>> -> memref<1x128xi32, #tpu.memory_space<vmem>>
      %dma_start3A_174 = tpu.memref_squeeze %dma_start3A_173 : memref<1x128xi32, #tpu.memory_space<vmem>> -> memref<128xi32, #tpu.memory_space<vmem>>
      %dma_start3A_175 = arith.constant 0 : i32
      %dma_start3A_176 = arith.constant 0 : i32
      %dma_start3A_177 = tpu.memref_slice %arg11[%dma_start3A_175, %dma_start3A_176] : memref<10240x128xf32, #tpu.memory_space<vmem_shared>> -> memref<10240x128xf32, #tpu.memory_space<vmem_shared>>
      tpu.enqueue_indirect_dma source(%arg9 : memref<128x128xf32, #tpu.memory_space<vmem>>) target(%dma_start3A_177 : memref<10240x128xf32, #tpu.memory_space<vmem_shared>>) offsets(%dma_start3A_174 : memref<128xi32, #tpu.memory_space<vmem>>) semaphore(%arg14 : memref<!tpu.dma_semaphore, #tpu.memory_space<semaphore_mem>>) {add = true}
      %dma_wait3A_178 = arith.constant 0 : i32
      %dma_wait3A_179 = tpu.memref_slice %arg7[%add3A_139, %dma_wait3A_178] : memref<40x128xi32, #tpu.memory_space<vmem>> -> memref<1x128xi32, #tpu.memory_space<vmem>>
      %dma_wait3A_180 = tpu.memref_squeeze %dma_wait3A_179 : memref<1x128xi32, #tpu.memory_space<vmem>> -> memref<128xi32, #tpu.memory_space<vmem>>
      %dma_wait3A_181 = arith.constant 0 : i32
      %dma_wait3A_182 = arith.constant 0 : i32
      %dma_wait3A_183 = tpu.memref_slice %arg2[%dma_wait3A_181, %dma_wait3A_182] : memref<10000x128xf32, #tpu.memory_space<hbm>> -> memref<10000x128xf32, #tpu.memory_space<hbm>>
      tpu.wait_indirect_dma semaphore(%arg13 : memref<!tpu.dma_semaphore, #tpu.memory_space<semaphore_mem>>) src(%dma_wait3A_183 : memref<10000x128xf32, #tpu.memory_space<hbm>>) dst(%arg10 : memref<128x128xf32, #tpu.memory_space<vmem>>)
      %dma_start3A_184 = arith.constant 0 : i32
      %dma_start3A_185 = tpu.memref_slice %arg8[%add3A_139, %dma_start3A_184] : memref<40x128xi32, #tpu.memory_space<vmem>> -> memref<1x128xi32, #tpu.memory_space<vmem>>
      %dma_start3A_186 = tpu.memref_squeeze %dma_start3A_185 : memref<1x128xi32, #tpu.memory_space<vmem>> -> memref<128xi32, #tpu.memory_space<vmem>>
      %dma_start3A_187 = arith.constant 0 : i32
      %dma_start3A_188 = arith.constant 0 : i32
      %dma_start3A_189 = tpu.memref_slice %arg11[%dma_start3A_187, %dma_start3A_188] : memref<10240x128xf32, #tpu.memory_space<vmem_shared>> -> memref<10240x128xf32, #tpu.memory_space<vmem_shared>>
      tpu.enqueue_indirect_dma source(%arg10 : memref<128x128xf32, #tpu.memory_space<vmem>>) target(%dma_start3A_189 : memref<10240x128xf32, #tpu.memory_space<vmem_shared>>) offsets(%dma_start3A_186 : memref<128xi32, #tpu.memory_space<vmem>>) semaphore(%arg15 : memref<!tpu.dma_semaphore, #tpu.memory_space<semaphore_mem>>) {add = true}
    }
    %scan3A_51 = arith.constant 19 : i32
    %dma_wait3A_52 = arith.constant 0 : i32
    %dma_wait3A_53 = arith.constant 0 : i32
    %dma_wait3A_54 = tpu.memref_slice %arg8[%dma_wait3A_52, %dma_wait3A_53] : memref<40x128xi32, #tpu.memory_space<vmem>> -> memref<1x128xi32, #tpu.memory_space<vmem>>
    %dma_wait3A_55 = tpu.memref_squeeze %dma_wait3A_54 : memref<1x128xi32, #tpu.memory_space<vmem>> -> memref<128xi32, #tpu.memory_space<vmem>>
    %dma_wait3A_56 = arith.constant 0 : i32
    %dma_wait3A_57 = arith.constant 0 : i32
    %dma_wait3A_58 = tpu.memref_slice %arg11[%dma_wait3A_56, %dma_wait3A_57] : memref<10240x128xf32, #tpu.memory_space<vmem_shared>> -> memref<10240x128xf32, #tpu.memory_space<vmem_shared>>
    tpu.wait_indirect_dma semaphore(%arg14 : memref<!tpu.dma_semaphore, #tpu.memory_space<semaphore_mem>>) src(%arg9 : memref<128x128xf32, #tpu.memory_space<vmem>>) dst(%dma_wait3A_58 : memref<10240x128xf32, #tpu.memory_space<vmem_shared>>)
    %dma_wait3A_59 = arith.constant 0 : i32
    %dma_wait3A_60 = arith.constant 0 : i32
    %dma_wait3A_61 = tpu.memref_slice %arg8[%dma_wait3A_59, %dma_wait3A_60] : memref<40x128xi32, #tpu.memory_space<vmem>> -> memref<1x128xi32, #tpu.memory_space<vmem>>
    %dma_wait3A_62 = tpu.memref_squeeze %dma_wait3A_61 : memref<1x128xi32, #tpu.memory_space<vmem>> -> memref<128xi32, #tpu.memory_space<vmem>>
    %dma_wait3A_63 = arith.constant 0 : i32
    %dma_wait3A_64 = arith.constant 0 : i32
    %dma_wait3A_65 = tpu.memref_slice %arg11[%dma_wait3A_63, %dma_wait3A_64] : memref<10240x128xf32, #tpu.memory_space<vmem_shared>> -> memref<10240x128xf32, #tpu.memory_space<vmem_shared>>
    tpu.wait_indirect_dma semaphore(%arg15 : memref<!tpu.dma_semaphore, #tpu.memory_space<semaphore_mem>>) src(%arg10 : memref<128x128xf32, #tpu.memory_space<vmem>>) dst(%dma_wait3A_65 : memref<10240x128xf32, #tpu.memory_space<vmem_shared>>)
    "tpu.region"() ({
      %run_scoped3A = tpu.sem_alloc : memref<!tpu.dma_semaphore, #tpu.memory_space<semaphore_mem>>
      %dma_start3A_135 = arith.constant 40 : i32
      %dma_start3A_136 = arith.constant 0 : i32
      %dma_start3A_137 = tpu.memref_slice %arg3[%add3A, %dma_start3A_135, %dma_start3A_136] : memref<32x80x128xi32, #tpu.memory_space<hbm>> -> memref<1x40x128xi32, #tpu.memory_space<hbm>>
      %dma_start3A_138 = tpu.memref_squeeze %dma_start3A_137 : memref<1x40x128xi32, #tpu.memory_space<hbm>> -> memref<40x128xi32, #tpu.memory_space<hbm>>
      %dma_start3A_139 = arith.constant 40 : i32
      %dma_start3A_140 = arith.constant 0 : i32
      %dma_start3A_141 = tpu.memref_slice %arg3[%add3A, %dma_start3A_139, %dma_start3A_140] : memref<32x80x128xi32, #tpu.memory_space<hbm>> -> memref<1x40x128xi32, #tpu.memory_space<hbm>>
      %dma_start3A_142 = tpu.memref_squeeze %dma_start3A_141 : memref<1x40x128xi32, #tpu.memory_space<hbm>> -> memref<40x128xi32, #tpu.memory_space<hbm>>
      tpu.enqueue_dma source(%dma_start3A_142 : memref<40x128xi32, #tpu.memory_space<hbm>>) target(%arg7 : memref<40x128xi32, #tpu.memory_space<vmem>>) target_semaphore(%run_scoped3A : memref<!tpu.dma_semaphore, #tpu.memory_space<semaphore_mem>>)
      %dma_wait3A_143 = arith.constant 40 : i32
      %dma_wait3A_144 = arith.constant 0 : i32
      %dma_wait3A_145 = tpu.memref_slice %arg3[%add3A, %dma_wait3A_143, %dma_wait3A_144] : memref<32x80x128xi32, #tpu.memory_space<hbm>> -> memref<1x40x128xi32, #tpu.memory_space<hbm>>
      %dma_wait3A_146 = tpu.memref_squeeze %dma_wait3A_145 : memref<1x40x128xi32, #tpu.memory_space<hbm>> -> memref<40x128xi32, #tpu.memory_space<hbm>>
      %dma_wait3A_147 = arith.constant 40 : i32
      %dma_wait3A_148 = arith.constant 0 : i32
      %dma_wait3A_149 = tpu.memref_slice %arg3[%add3A, %dma_wait3A_147, %dma_wait3A_148] : memref<32x80x128xi32, #tpu.memory_space<hbm>> -> memref<1x40x128xi32, #tpu.memory_space<hbm>>
      %dma_wait3A_150 = tpu.memref_squeeze %dma_wait3A_149 : memref<1x40x128xi32, #tpu.memory_space<hbm>> -> memref<40x128xi32, #tpu.memory_space<hbm>>
      tpu.wait_dma2 semaphore(%run_scoped3A : memref<!tpu.dma_semaphore, #tpu.memory_space<semaphore_mem>>) src(%dma_wait3A_150 : memref<40x128xi32, #tpu.memory_space<hbm>>) dst(%arg7 : memref<40x128xi32, #tpu.memory_space<vmem>>)
      tpu.yield
    }) : () -> ()
    "tpu.region"() ({
      %run_scoped3A = tpu.sem_alloc : memref<!tpu.dma_semaphore, #tpu.memory_space<semaphore_mem>>
      %dma_start3A_135 = arith.constant 40 : i32
      %dma_start3A_136 = arith.constant 0 : i32
      %dma_start3A_137 = tpu.memref_slice %arg4[%add3A, %dma_start3A_135, %dma_start3A_136] : memref<32x80x128xi32, #tpu.memory_space<hbm>> -> memref<1x40x128xi32, #tpu.memory_space<hbm>>
      %dma_start3A_138 = tpu.memref_squeeze %dma_start3A_137 : memref<1x40x128xi32, #tpu.memory_space<hbm>> -> memref<40x128xi32, #tpu.memory_space<hbm>>
      %dma_start3A_139 = arith.constant 40 : i32
      %dma_start3A_140 = arith.constant 0 : i32
      %dma_start3A_141 = tpu.memref_slice %arg4[%add3A, %dma_start3A_139, %dma_start3A_140] : memref<32x80x128xi32, #tpu.memory_space<hbm>> -> memref<1x40x128xi32, #tpu.memory_space<hbm>>
      %dma_start3A_142 = tpu.memref_squeeze %dma_start3A_141 : memref<1x40x128xi32, #tpu.memory_space<hbm>> -> memref<40x128xi32, #tpu.memory_space<hbm>>
      tpu.enqueue_dma source(%dma_start3A_142 : memref<40x128xi32, #tpu.memory_space<hbm>>) target(%arg8 : memref<40x128xi32, #tpu.memory_space<vmem>>) target_semaphore(%run_scoped3A : memref<!tpu.dma_semaphore, #tpu.memory_space<semaphore_mem>>)
      %dma_wait3A_143 = arith.constant 40 : i32
      %dma_wait3A_144 = arith.constant 0 : i32
      %dma_wait3A_145 = tpu.memref_slice %arg4[%add3A, %dma_wait3A_143, %dma_wait3A_144] : memref<32x80x128xi32, #tpu.memory_space<hbm>> -> memref<1x40x128xi32, #tpu.memory_space<hbm>>
      %dma_wait3A_146 = tpu.memref_squeeze %dma_wait3A_145 : memref<1x40x128xi32, #tpu.memory_space<hbm>> -> memref<40x128xi32, #tpu.memory_space<hbm>>
      %dma_wait3A_147 = arith.constant 40 : i32
      %dma_wait3A_148 = arith.constant 0 : i32
      %dma_wait3A_149 = tpu.memref_slice %arg4[%add3A, %dma_wait3A_147, %dma_wait3A_148] : memref<32x80x128xi32, #tpu.memory_space<hbm>> -> memref<1x40x128xi32, #tpu.memory_space<hbm>>
      %dma_wait3A_150 = tpu.memref_squeeze %dma_wait3A_149 : memref<1x40x128xi32, #tpu.memory_space<hbm>> -> memref<40x128xi32, #tpu.memory_space<hbm>>
      tpu.wait_dma2 semaphore(%run_scoped3A : memref<!tpu.dma_semaphore, #tpu.memory_space<semaphore_mem>>) src(%dma_wait3A_150 : memref<40x128xi32, #tpu.memory_space<hbm>>) dst(%arg8 : memref<40x128xi32, #tpu.memory_space<vmem>>)
      tpu.yield
    }) : () -> ()
    %dma_start3A_66 = arith.constant 0 : i32
    %dma_start3A_67 = arith.constant 0 : i32
    %dma_start3A_68 = tpu.memref_slice %arg7[%dma_start3A_66, %dma_start3A_67] : memref<40x128xi32, #tpu.memory_space<vmem>> -> memref<1x128xi32, #tpu.memory_space<vmem>>
    %dma_start3A_69 = tpu.memref_squeeze %dma_start3A_68 : memref<1x128xi32, #tpu.memory_space<vmem>> -> memref<128xi32, #tpu.memory_space<vmem>>
    %dma_start3A_70 = arith.constant 0 : i32
    %dma_start3A_71 = arith.constant 0 : i32
    %dma_start3A_72 = tpu.memref_slice %arg2[%dma_start3A_70, %dma_start3A_71] : memref<10000x128xf32, #tpu.memory_space<hbm>> -> memref<10000x128xf32, #tpu.memory_space<hbm>>
    tpu.enqueue_indirect_dma source(%dma_start3A_72 : memref<10000x128xf32, #tpu.memory_space<hbm>>) target(%arg9 : memref<128x128xf32, #tpu.memory_space<vmem>>) offsets(%dma_start3A_69 : memref<128xi32, #tpu.memory_space<vmem>>) semaphore(%arg12 : memref<!tpu.dma_semaphore, #tpu.memory_space<semaphore_mem>>)
    %dma_start3A_73 = arith.constant 1 : i32
    %dma_start3A_74 = arith.constant 0 : i32
    %dma_start3A_75 = tpu.memref_slice %arg7[%dma_start3A_73, %dma_start3A_74] : memref<40x128xi32, #tpu.memory_space<vmem>> -> memref<1x128xi32, #tpu.memory_space<vmem>>
    %dma_start3A_76 = tpu.memref_squeeze %dma_start3A_75 : memref<1x128xi32, #tpu.memory_space<vmem>> -> memref<128xi32, #tpu.memory_space<vmem>>
    %dma_start3A_77 = arith.constant 0 : i32
    %dma_start3A_78 = arith.constant 0 : i32
    %dma_start3A_79 = tpu.memref_slice %arg2[%dma_start3A_77, %dma_start3A_78] : memref<10000x128xf32, #tpu.memory_space<hbm>> -> memref<10000x128xf32, #tpu.memory_space<hbm>>
    tpu.enqueue_indirect_dma source(%dma_start3A_79 : memref<10000x128xf32, #tpu.memory_space<hbm>>) target(%arg10 : memref<128x128xf32, #tpu.memory_space<vmem>>) offsets(%dma_start3A_76 : memref<128xi32, #tpu.memory_space<vmem>>) semaphore(%arg13 : memref<!tpu.dma_semaphore, #tpu.memory_space<semaphore_mem>>)
    %dma_wait3A_80 = arith.constant 0 : i32
    %dma_wait3A_81 = arith.constant 0 : i32
    %dma_wait3A_82 = tpu.memref_slice %arg7[%dma_wait3A_80, %dma_wait3A_81] : memref<40x128xi32, #tpu.memory_space<vmem>> -> memref<1x128xi32, #tpu.memory_space<vmem>>
    %dma_wait3A_83 = tpu.memref_squeeze %dma_wait3A_82 : memref<1x128xi32, #tpu.memory_space<vmem>> -> memref<128xi32, #tpu.memory_space<vmem>>
    %dma_wait3A_84 = arith.constant 0 : i32
    %dma_wait3A_85 = arith.constant 0 : i32
    %dma_wait3A_86 = tpu.memref_slice %arg2[%dma_wait3A_84, %dma_wait3A_85] : memref<10000x128xf32, #tpu.memory_space<hbm>> -> memref<10000x128xf32, #tpu.memory_space<hbm>>
    tpu.wait_indirect_dma semaphore(%arg12 : memref<!tpu.dma_semaphore, #tpu.memory_space<semaphore_mem>>) src(%dma_wait3A_86 : memref<10000x128xf32, #tpu.memory_space<hbm>>) dst(%arg9 : memref<128x128xf32, #tpu.memory_space<vmem>>)
    %dma_start3A_87 = arith.constant 0 : i32
    %dma_start3A_88 = arith.constant 0 : i32
    %dma_start3A_89 = tpu.memref_slice %arg8[%dma_start3A_87, %dma_start3A_88] : memref<40x128xi32, #tpu.memory_space<vmem>> -> memref<1x128xi32, #tpu.memory_space<vmem>>
    %dma_start3A_90 = tpu.memref_squeeze %dma_start3A_89 : memref<1x128xi32, #tpu.memory_space<vmem>> -> memref<128xi32, #tpu.memory_space<vmem>>
    %dma_start3A_91 = arith.constant 0 : i32
    %dma_start3A_92 = arith.constant 0 : i32
    %dma_start3A_93 = tpu.memref_slice %arg11[%dma_start3A_91, %dma_start3A_92] : memref<10240x128xf32, #tpu.memory_space<vmem_shared>> -> memref<10240x128xf32, #tpu.memory_space<vmem_shared>>
    tpu.enqueue_indirect_dma source(%arg9 : memref<128x128xf32, #tpu.memory_space<vmem>>) target(%dma_start3A_93 : memref<10240x128xf32, #tpu.memory_space<vmem_shared>>) offsets(%dma_start3A_90 : memref<128xi32, #tpu.memory_space<vmem>>) semaphore(%arg14 : memref<!tpu.dma_semaphore, #tpu.memory_space<semaphore_mem>>) {add = true}
    %dma_wait3A_94 = arith.constant 1 : i32
    %dma_wait3A_95 = arith.constant 0 : i32
    %dma_wait3A_96 = tpu.memref_slice %arg7[%dma_wait3A_94, %dma_wait3A_95] : memref<40x128xi32, #tpu.memory_space<vmem>> -> memref<1x128xi32, #tpu.memory_space<vmem>>
    %dma_wait3A_97 = tpu.memref_squeeze %dma_wait3A_96 : memref<1x128xi32, #tpu.memory_space<vmem>> -> memref<128xi32, #tpu.memory_space<vmem>>
    %dma_wait3A_98 = arith.constant 0 : i32
    %dma_wait3A_99 = arith.constant 0 : i32
    %dma_wait3A_100 = tpu.memref_slice %arg2[%dma_wait3A_98, %dma_wait3A_99] : memref<10000x128xf32, #tpu.memory_space<hbm>> -> memref<10000x128xf32, #tpu.memory_space<hbm>>
    tpu.wait_indirect_dma semaphore(%arg13 : memref<!tpu.dma_semaphore, #tpu.memory_space<semaphore_mem>>) src(%dma_wait3A_100 : memref<10000x128xf32, #tpu.memory_space<hbm>>) dst(%arg10 : memref<128x128xf32, #tpu.memory_space<vmem>>)
    %dma_start3A_101 = arith.constant 1 : i32
    %dma_start3A_102 = arith.constant 0 : i32
    %dma_start3A_103 = tpu.memref_slice %arg8[%dma_start3A_101, %dma_start3A_102] : memref<40x128xi32, #tpu.memory_space<vmem>> -> memref<1x128xi32, #tpu.memory_space<vmem>>
    %dma_start3A_104 = tpu.memref_squeeze %dma_start3A_103 : memref<1x128xi32, #tpu.memory_space<vmem>> -> memref<128xi32, #tpu.memory_space<vmem>>
    %dma_start3A_105 = arith.constant 0 : i32
    %dma_start3A_106 = arith.constant 0 : i32
    %dma_start3A_107 = tpu.memref_slice %arg11[%dma_start3A_105, %dma_start3A_106] : memref<10240x128xf32, #tpu.memory_space<vmem_shared>> -> memref<10240x128xf32, #tpu.memory_space<vmem_shared>>
    tpu.enqueue_indirect_dma source(%arg10 : memref<128x128xf32, #tpu.memory_space<vmem>>) target(%dma_start3A_107 : memref<10240x128xf32, #tpu.memory_space<vmem_shared>>) offsets(%dma_start3A_104 : memref<128xi32, #tpu.memory_space<vmem>>) semaphore(%arg15 : memref<!tpu.dma_semaphore, #tpu.memory_space<semaphore_mem>>) {add = true}
    %scan3A_108 = arith.constant 0 : i32
    %scan3A_109 = arith.constant 1 : i32
    %scan3A_110 = arith.constant 19 : i32
    %scan3A_111 = arith.addi %scan3A_109, %scan3A_110 : i32
    %scan3A_112 = arith.constant 1 : i32
    scf.for %scan3A_135 = %scan3A_109 to %scan3A_111 step %scan3A_112  : i32 {
      %mul3A_136 = arith.constant 2 : i32
      %mul3A_137 = arith.muli %mul3A_136, %scan3A_135 : i32
      %add3A_138 = arith.constant 1 : i32
      %add3A_139 = arith.addi %mul3A_137, %add3A_138 : i32
      %dma_wait3A_140 = arith.constant 0 : i32
      %dma_wait3A_141 = arith.constant 0 : i32
      %dma_wait3A_142 = tpu.memref_slice %arg8[%dma_wait3A_140, %dma_wait3A_141] : memref<40x128xi32, #tpu.memory_space<vmem>> -> memref<1x128xi32, #tpu.memory_space<vmem>>
      %dma_wait3A_143 = tpu.memref_squeeze %dma_wait3A_142 : memref<1x128xi32, #tpu.memory_space<vmem>> -> memref<128xi32, #tpu.memory_space<vmem>>
      %dma_wait3A_144 = arith.constant 0 : i32
      %dma_wait3A_145 = arith.constant 0 : i32
      %dma_wait3A_146 = tpu.memref_slice %arg11[%dma_wait3A_144, %dma_wait3A_145] : memref<10240x128xf32, #tpu.memory_space<vmem_shared>> -> memref<10240x128xf32, #tpu.memory_space<vmem_shared>>
      tpu.wait_indirect_dma semaphore(%arg14 : memref<!tpu.dma_semaphore, #tpu.memory_space<semaphore_mem>>) src(%arg9 : memref<128x128xf32, #tpu.memory_space<vmem>>) dst(%dma_wait3A_146 : memref<10240x128xf32, #tpu.memory_space<vmem_shared>>)
      %dma_start3A_147 = arith.constant 0 : i32
      %dma_start3A_148 = tpu.memref_slice %arg7[%mul3A_137, %dma_start3A_147] : memref<40x128xi32, #tpu.memory_space<vmem>> -> memref<1x128xi32, #tpu.memory_space<vmem>>
      %dma_start3A_149 = tpu.memref_squeeze %dma_start3A_148 : memref<1x128xi32, #tpu.memory_space<vmem>> -> memref<128xi32, #tpu.memory_space<vmem>>
      %dma_start3A_150 = arith.constant 0 : i32
      %dma_start3A_151 = arith.constant 0 : i32
      %dma_start3A_152 = tpu.memref_slice %arg2[%dma_start3A_150, %dma_start3A_151] : memref<10000x128xf32, #tpu.memory_space<hbm>> -> memref<10000x128xf32, #tpu.memory_space<hbm>>
      tpu.enqueue_indirect_dma source(%dma_start3A_152 : memref<10000x128xf32, #tpu.memory_space<hbm>>) target(%arg9 : memref<128x128xf32, #tpu.memory_space<vmem>>) offsets(%dma_start3A_149 : memref<128xi32, #tpu.memory_space<vmem>>) semaphore(%arg12 : memref<!tpu.dma_semaphore, #tpu.memory_space<semaphore_mem>>)
      %dma_wait3A_153 = arith.constant 0 : i32
      %dma_wait3A_154 = arith.constant 0 : i32
      %dma_wait3A_155 = tpu.memref_slice %arg8[%dma_wait3A_153, %dma_wait3A_154] : memref<40x128xi32, #tpu.memory_space<vmem>> -> memref<1x128xi32, #tpu.memory_space<vmem>>
      %dma_wait3A_156 = tpu.memref_squeeze %dma_wait3A_155 : memref<1x128xi32, #tpu.memory_space<vmem>> -> memref<128xi32, #tpu.memory_space<vmem>>
      %dma_wait3A_157 = arith.constant 0 : i32
      %dma_wait3A_158 = arith.constant 0 : i32
      %dma_wait3A_159 = tpu.memref_slice %arg11[%dma_wait3A_157, %dma_wait3A_158] : memref<10240x128xf32, #tpu.memory_space<vmem_shared>> -> memref<10240x128xf32, #tpu.memory_space<vmem_shared>>
      tpu.wait_indirect_dma semaphore(%arg15 : memref<!tpu.dma_semaphore, #tpu.memory_space<semaphore_mem>>) src(%arg10 : memref<128x128xf32, #tpu.memory_space<vmem>>) dst(%dma_wait3A_159 : memref<10240x128xf32, #tpu.memory_space<vmem_shared>>)
      %dma_start3A_160 = arith.constant 0 : i32
      %dma_start3A_161 = tpu.memref_slice %arg7[%add3A_139, %dma_start3A_160] : memref<40x128xi32, #tpu.memory_space<vmem>> -> memref<1x128xi32, #tpu.memory_space<vmem>>
      %dma_start3A_162 = tpu.memref_squeeze %dma_start3A_161 : memref<1x128xi32, #tpu.memory_space<vmem>> -> memref<128xi32, #tpu.memory_space<vmem>>
      %dma_start3A_163 = arith.constant 0 : i32
      %dma_start3A_164 = arith.constant 0 : i32
      %dma_start3A_165 = tpu.memref_slice %arg2[%dma_start3A_163, %dma_start3A_164] : memref<10000x128xf32, #tpu.memory_space<hbm>> -> memref<10000x128xf32, #tpu.memory_space<hbm>>
      tpu.enqueue_indirect_dma source(%dma_start3A_165 : memref<10000x128xf32, #tpu.memory_space<hbm>>) target(%arg10 : memref<128x128xf32, #tpu.memory_space<vmem>>) offsets(%dma_start3A_162 : memref<128xi32, #tpu.memory_space<vmem>>) semaphore(%arg13 : memref<!tpu.dma_semaphore, #tpu.memory_space<semaphore_mem>>)
      %dma_wait3A_166 = arith.constant 0 : i32
      %dma_wait3A_167 = tpu.memref_slice %arg7[%mul3A_137, %dma_wait3A_166] : memref<40x128xi32, #tpu.memory_space<vmem>> -> memref<1x128xi32, #tpu.memory_space<vmem>>
      %dma_wait3A_168 = tpu.memref_squeeze %dma_wait3A_167 : memref<1x128xi32, #tpu.memory_space<vmem>> -> memref<128xi32, #tpu.memory_space<vmem>>
      %dma_wait3A_169 = arith.constant 0 : i32
      %dma_wait3A_170 = arith.constant 0 : i32
      %dma_wait3A_171 = tpu.memref_slice %arg2[%dma_wait3A_169, %dma_wait3A_170] : memref<10000x128xf32, #tpu.memory_space<hbm>> -> memref<10000x128xf32, #tpu.memory_space<hbm>>
      tpu.wait_indirect_dma semaphore(%arg12 : memref<!tpu.dma_semaphore, #tpu.memory_space<semaphore_mem>>) src(%dma_wait3A_171 : memref<10000x128xf32, #tpu.memory_space<hbm>>) dst(%arg9 : memref<128x128xf32, #tpu.memory_space<vmem>>)
      %dma_start3A_172 = arith.constant 0 : i32
      %dma_start3A_173 = tpu.memref_slice %arg8[%mul3A_137, %dma_start3A_172] : memref<40x128xi32, #tpu.memory_space<vmem>> -> memref<1x128xi32, #tpu.memory_space<vmem>>
      %dma_start3A_174 = tpu.memref_squeeze %dma_start3A_173 : memref<1x128xi32, #tpu.memory_space<vmem>> -> memref<128xi32, #tpu.memory_space<vmem>>
      %dma_start3A_175 = arith.constant 0 : i32
      %dma_start3A_176 = arith.constant 0 : i32
      %dma_start3A_177 = tpu.memref_slice %arg11[%dma_start3A_175, %dma_start3A_176] : memref<10240x128xf32, #tpu.memory_space<vmem_shared>> -> memref<10240x128xf32, #tpu.memory_space<vmem_shared>>
      tpu.enqueue_indirect_dma source(%arg9 : memref<128x128xf32, #tpu.memory_space<vmem>>) target(%dma_start3A_177 : memref<10240x128xf32, #tpu.memory_space<vmem_shared>>) offsets(%dma_start3A_174 : memref<128xi32, #tpu.memory_space<vmem>>) semaphore(%arg14 : memref<!tpu.dma_semaphore, #tpu.memory_space<semaphore_mem>>) {add = true}
      %dma_wait3A_178 = arith.constant 0 : i32
      %dma_wait3A_179 = tpu.memref_slice %arg7[%add3A_139, %dma_wait3A_178] : memref<40x128xi32, #tpu.memory_space<vmem>> -> memref<1x128xi32, #tpu.memory_space<vmem>>
      %dma_wait3A_180 = tpu.memref_squeeze %dma_wait3A_179 : memref<1x128xi32, #tpu.memory_space<vmem>> -> memref<128xi32, #tpu.memory_space<vmem>>
      %dma_wait3A_181 = arith.constant 0 : i32
      %dma_wait3A_182 = arith.constant 0 : i32
      %dma_wait3A_183 = tpu.memref_slice %arg2[%dma_wait3A_181, %dma_wait3A_182] : memref<10000x128xf32, #tpu.memory_space<hbm>> -> memref<10000x128xf32, #tpu.memory_space<hbm>>
      tpu.wait_indirect_dma semaphore(%arg13 : memref<!tpu.dma_semaphore, #tpu.memory_space<semaphore_mem>>) src(%dma_wait3A_183 : memref<10000x128xf32, #tpu.memory_space<hbm>>) dst(%arg10 : memref<128x128xf32, #tpu.memory_space<vmem>>)
      %dma_start3A_184 = arith.constant 0 : i32
      %dma_start3A_185 = tpu.memref_slice %arg8[%add3A_139, %dma_start3A_184] : memref<40x128xi32, #tpu.memory_space<vmem>> -> memref<1x128xi32, #tpu.memory_space<vmem>>
      %dma_start3A_186 = tpu.memref_squeeze %dma_start3A_185 : memref<1x128xi32, #tpu.memory_space<vmem>> -> memref<128xi32, #tpu.memory_space<vmem>>
      %dma_start3A_187 = arith.constant 0 : i32
      %dma_start3A_188 = arith.constant 0 : i32
      %dma_start3A_189 = tpu.memref_slice %arg11[%dma_start3A_187, %dma_start3A_188] : memref<10240x128xf32, #tpu.memory_space<vmem_shared>> -> memref<10240x128xf32, #tpu.memory_space<vmem_shared>>
      tpu.enqueue_indirect_dma source(%arg10 : memref<128x128xf32, #tpu.memory_space<vmem>>) target(%dma_start3A_189 : memref<10240x128xf32, #tpu.memory_space<vmem_shared>>) offsets(%dma_start3A_186 : memref<128xi32, #tpu.memory_space<vmem>>) semaphore(%arg15 : memref<!tpu.dma_semaphore, #tpu.memory_space<semaphore_mem>>) {add = true}
    }
    %scan3A_113 = arith.constant 19 : i32
    %dma_wait3A_114 = arith.constant 0 : i32
    %dma_wait3A_115 = arith.constant 0 : i32
    %dma_wait3A_116 = tpu.memref_slice %arg8[%dma_wait3A_114, %dma_wait3A_115] : memref<40x128xi32, #tpu.memory_space<vmem>> -> memref<1x128xi32, #tpu.memory_space<vmem>>
    %dma_wait3A_117 = tpu.memref_squeeze %dma_wait3A_116 : memref<1x128xi32, #tpu.memory_space<vmem>> -> memref<128xi32, #tpu.memory_space<vmem>>
    %dma_wait3A_118 = arith.constant 0 : i32
    %dma_wait3A_119 = arith.constant 0 : i32
    %dma_wait3A_120 = tpu.memref_slice %arg11[%dma_wait3A_118, %dma_wait3A_119] : memref<10240x128xf32, #tpu.memory_space<vmem_shared>> -> memref<10240x128xf32, #tpu.memory_space<vmem_shared>>
    tpu.wait_indirect_dma semaphore(%arg14 : memref<!tpu.dma_semaphore, #tpu.memory_space<semaphore_mem>>) src(%arg9 : memref<128x128xf32, #tpu.memory_space<vmem>>) dst(%dma_wait3A_120 : memref<10240x128xf32, #tpu.memory_space<vmem_shared>>)
    %dma_wait3A_121 = arith.constant 0 : i32
    %dma_wait3A_122 = arith.constant 0 : i32
    %dma_wait3A_123 = tpu.memref_slice %arg8[%dma_wait3A_121, %dma_wait3A_122] : memref<40x128xi32, #tpu.memory_space<vmem>> -> memref<1x128xi32, #tpu.memory_space<vmem>>
    %dma_wait3A_124 = tpu.memref_squeeze %dma_wait3A_123 : memref<1x128xi32, #tpu.memory_space<vmem>> -> memref<128xi32, #tpu.memory_space<vmem>>
    %dma_wait3A_125 = arith.constant 0 : i32
    %dma_wait3A_126 = arith.constant 0 : i32
    %dma_wait3A_127 = tpu.memref_slice %arg11[%dma_wait3A_125, %dma_wait3A_126] : memref<10240x128xf32, #tpu.memory_space<vmem_shared>> -> memref<10240x128xf32, #tpu.memory_space<vmem_shared>>
    tpu.wait_indirect_dma semaphore(%arg15 : memref<!tpu.dma_semaphore, #tpu.memory_space<semaphore_mem>>) src(%arg10 : memref<128x128xf32, #tpu.memory_space<vmem>>) dst(%dma_wait3A_127 : memref<10240x128xf32, #tpu.memory_space<vmem_shared>>)
    %barrier3A_128 = arith.constant 0 : index
    tpu.barrier barrier_id(%barrier3A_128)
    %scan3A_129 = arith.constant 0 : i32
    %scan3A_130 = arith.constant 0 : i32
    %scan3A_131 = arith.constant 5 : i32
    %scan3A_132 = arith.addi %scan3A_130, %scan3A_131 : i32
    %scan3A_133 = arith.constant 1 : i32
    scf.for %scan3A_135 = %scan3A_130 to %scan3A_132 step %scan3A_133  : i32 {
      %mul3A_136 = arith.constant 640 : i32
      %mul3A_137 = arith.muli %arg1, %mul3A_136 : i32
      %mul3A_138 = arith.constant 128 : i32
      %mul3A_139 = arith.muli %scan3A_135, %mul3A_138 : i32
      %add3A_140 = arith.addi %mul3A_137, %mul3A_139 : i32
      "tpu.region"() ({
        %run_scoped3A = tpu.sem_alloc : memref<!tpu.dma_semaphore, #tpu.memory_space<semaphore_mem>>
        %dma_start3A_141 = arith.constant 0 : i32
        %dma_start3A_142 = tpu.memref_slice %arg6[%arg0, %add3A_140, %dma_start3A_141] : memref<2x10240x128xf32, #tpu.memory_space<hbm>> -> memref<1x128x128xf32, #tpu.memory_space<hbm>>
        %dma_start3A_143 = tpu.memref_squeeze %dma_start3A_142 : memref<1x128x128xf32, #tpu.memory_space<hbm>> -> memref<128x128xf32, #tpu.memory_space<hbm>>
        %dma_start3A_144 = arith.constant 0 : i32
        %dma_start3A_145 = tpu.memref_slice %arg11[%add3A_140, %dma_start3A_144] : memref<10240x128xf32, #tpu.memory_space<vmem_shared>> -> memref<128x128xf32, #tpu.memory_space<vmem_shared>>
        tpu.enqueue_dma source(%dma_start3A_145 : memref<128x128xf32, #tpu.memory_space<vmem_shared>>) target(%dma_start3A_143 : memref<128x128xf32, #tpu.memory_space<hbm>>) target_semaphore(%run_scoped3A : memref<!tpu.dma_semaphore, #tpu.memory_space<semaphore_mem>>)
        %dma_wait3A_146 = arith.constant 0 : i32
        %dma_wait3A_147 = tpu.memref_slice %arg6[%arg0, %add3A_140, %dma_wait3A_146] : memref<2x10240x128xf32, #tpu.memory_space<hbm>> -> memref<1x128x128xf32, #tpu.memory_space<hbm>>
        %dma_wait3A_148 = tpu.memref_squeeze %dma_wait3A_147 : memref<1x128x128xf32, #tpu.memory_space<hbm>> -> memref<128x128xf32, #tpu.memory_space<hbm>>
        %dma_wait3A_149 = arith.constant 0 : i32
        %dma_wait3A_150 = tpu.memref_slice %arg11[%add3A_140, %dma_wait3A_149] : memref<10240x128xf32, #tpu.memory_space<vmem_shared>> -> memref<128x128xf32, #tpu.memory_space<vmem_shared>>
        tpu.wait_dma2 semaphore(%run_scoped3A : memref<!tpu.dma_semaphore, #tpu.memory_space<semaphore_mem>>) src(%dma_wait3A_150 : memref<128x128xf32, #tpu.memory_space<vmem_shared>>) dst(%dma_wait3A_148 : memref<128x128xf32, #tpu.memory_space<hbm>>)
        tpu.yield
      }) : () -> ()
    }
    %scan3A_134 = arith.constant 5 : i32
    return
  }
}

module attributes {stable_mosaic.version = 14 : i64} {
  func.func @_tcmm_body(%arg0: memref<10000x128xf32, #tpu.memory_space<vmem>>, %arg1: memref<128x128xf32, #tpu.memory_space<vmem>>, %arg2: memref<10000x128xf32, #tpu.memory_space<vmem>>) attributes {dimension_semantics = [], scalar_prefetch = 0 : i64, scratch_operands = 0 : i64, tpu.core_type = #tpu.core_type<tc>} {
    %get3A = arith.constant 0 : index
    %get3A_0 = arith.constant 0 : index
    %get3A_1 = vector.load %arg0[%get3A, %get3A_0] : memref<10000x128xf32, #tpu.memory_space<vmem>>, vector<10000x128xf32>
    %get3A_2 = arith.constant 0 : index
    %get3A_3 = arith.constant 0 : index
    %get3A_4 = vector.load %arg1[%get3A_2, %get3A_3] : memref<128x128xf32, #tpu.memory_space<vmem>>, vector<128x128xf32>
    %dot_general3A = arith.constant dense<0.000000e+00> : vector<10000x128xf32>
    %dot_general3A_5 = tpu.matmul %get3A_1, %get3A_4, %dot_general3A {dimension_numbers = #tpu.dot_dimension_numbers<[1], [0], [0], [1], [0, 0, 1, 1], [], []>, transpose_lhs_hint = false} : vector<10000x128xf32>, vector<128x128xf32>, vector<10000x128xf32> -> vector<10000x128xf32>
    %swap3A = arith.constant 0 : index
    %swap3A_6 = arith.constant 0 : index
    %swap3A_7 = vector.load %arg2[%swap3A, %swap3A_6] : memref<10000x128xf32, #tpu.memory_space<vmem>>, vector<10000x128xf32>
    tpu.vector_store %arg2[%swap3A, %swap3A_6], %dot_general3A_5 {strides = array<i32>} : memref<10000x128xf32, #tpu.memory_space<vmem>>, vector<10000x128xf32>,
    return
  }
}

module attributes {stable_mosaic.version = 14 : i64} {
  func.func @_tcscale_body(%arg0: memref<10000x128xf32, #tpu.memory_space<vmem>>, %arg1: memref<2x10000x1xf32, #tpu.memory_space<vmem>>, %arg2: memref<10000x128xf32, #tpu.memory_space<vmem>>, %arg3: memref<10000x1xf32, #tpu.memory_space<vmem>>) attributes {dimension_semantics = [], scalar_prefetch = 0 : i64, scratch_operands = 0 : i64, tpu.core_type = #tpu.core_type<tc>} {
    %get3A = arith.constant 0 : index
    %get3A_0 = arith.constant 0 : index
    %get3A_1 = arith.constant 0 : index
    %get3A_2 = vector.load %arg1[%get3A, %get3A_0, %get3A_1] : memref<2x10000x1xf32, #tpu.memory_space<vmem>>, vector<1x10000x1xf32>
    %get3A_3 = vector.shape_cast %get3A_2 : vector<1x10000x1xf32> to vector<10000x1xf32>
    %get3A_4 = arith.constant 1 : index
    %get3A_5 = arith.constant 0 : index
    %get3A_6 = arith.constant 0 : index
    %get3A_7 = vector.load %arg1[%get3A_4, %get3A_5, %get3A_6] : memref<2x10000x1xf32, #tpu.memory_space<vmem>>, vector<1x10000x1xf32>
    %get3A_8 = vector.shape_cast %get3A_7 : vector<1x10000x1xf32> to vector<10000x1xf32>
    %add3A = arith.addf %get3A_3, %get3A_8 : vector<10000x1xf32>
    %add3A_9 = arith.constant 1.000000e+00 : f32
    %add3A_10 = vector.broadcast %add3A_9 : f32 to vector<10000x1xf32>
    %add3A_11 = arith.addf %add3A, %add3A_10 : vector<10000x1xf32>
    %rsqrt3A = math.rsqrt %add3A_11 : vector<10000x1xf32>
    %get3A_12 = arith.constant 0 : index
    %get3A_13 = arith.constant 0 : index
    %get3A_14 = vector.load %arg0[%get3A_12, %get3A_13] : memref<10000x128xf32, #tpu.memory_space<vmem>>, vector<10000x128xf32>
    %mul3A = vector.broadcast %rsqrt3A : vector<10000x1xf32> to vector<10000x128xf32>
    %mul3A_15 = arith.mulf %get3A_14, %mul3A : vector<10000x128xf32>
    %swap3A = arith.constant 0 : index
    %swap3A_16 = arith.constant 0 : index
    %swap3A_17 = vector.load %arg2[%swap3A, %swap3A_16] : memref<10000x128xf32, #tpu.memory_space<vmem>>, vector<10000x128xf32>
    tpu.vector_store %arg2[%swap3A, %swap3A_16], %mul3A_15 {strides = array<i32>} : memref<10000x128xf32, #tpu.memory_space<vmem>>, vector<10000x128xf32>,
    %swap3A_18 = arith.constant 0 : index
    %swap3A_19 = arith.constant 0 : index
    %swap3A_20 = vector.load %arg3[%swap3A_18, %swap3A_19] : memref<10000x1xf32, #tpu.memory_space<vmem>>, vector<10000x1xf32>
    tpu.vector_store %arg3[%swap3A_18, %swap3A_19], %rsqrt3A {strides = array<i32>} : memref<10000x1xf32, #tpu.memory_space<vmem>>, vector<10000x1xf32>,
    return
  }
}

module attributes {stable_mosaic.version = 14 : i64} {
  func.func @_tcmid_body(%arg0: memref<2x10240x128xf32, #tpu.memory_space<vmem>>, %arg1: memref<10000x128xf32, #tpu.memory_space<vmem>>, %arg2: memref<10000x1xf32, #tpu.memory_space<vmem>>, %arg3: memref<1x128xf32, #tpu.memory_space<vmem>>, %arg4: memref<1x128xf32, #tpu.memory_space<vmem>>, %arg5: memref<1x128xf32, #tpu.memory_space<vmem>>, %arg6: memref<128x128xf32, #tpu.memory_space<vmem>>, %arg7: memref<10000x128xf32, #tpu.memory_space<vmem>>) attributes {dimension_semantics = [], scalar_prefetch = 0 : i64, scratch_operands = 0 : i64, tpu.core_type = #tpu.core_type<tc>} {
    %get3A = arith.constant 0 : index
    %get3A_0 = arith.constant 0 : index
    %get3A_1 = arith.constant 0 : index
    %get3A_2 = vector.load %arg0[%get3A, %get3A_0, %get3A_1] : memref<2x10240x128xf32, #tpu.memory_space<vmem>>, vector<1x10000x128xf32>
    %get3A_3 = vector.shape_cast %get3A_2 : vector<1x10000x128xf32> to vector<10000x128xf32>
    %get3A_4 = arith.constant 1 : index
    %get3A_5 = arith.constant 0 : index
    %get3A_6 = arith.constant 0 : index
    %get3A_7 = vector.load %arg0[%get3A_4, %get3A_5, %get3A_6] : memref<2x10240x128xf32, #tpu.memory_space<vmem>>, vector<1x10000x128xf32>
    %get3A_8 = vector.shape_cast %get3A_7 : vector<1x10000x128xf32> to vector<10000x128xf32>
    %add3A = arith.addf %get3A_3, %get3A_8 : vector<10000x128xf32>
    %get3A_9 = arith.constant 0 : index
    %get3A_10 = arith.constant 0 : index
    %get3A_11 = vector.load %arg2[%get3A_9, %get3A_10] : memref<10000x1xf32, #tpu.memory_space<vmem>>, vector<10000x1xf32>
    %get3A_12 = arith.constant 0 : index
    %get3A_13 = arith.constant 0 : index
    %get3A_14 = vector.load %arg1[%get3A_12, %get3A_13] : memref<10000x128xf32, #tpu.memory_space<vmem>>, vector<10000x128xf32>
    %add3A_15 = arith.addf %add3A, %get3A_14 : vector<10000x128xf32>
    %mul3A = vector.broadcast %get3A_11 : vector<10000x1xf32> to vector<10000x128xf32>
    %mul3A_16 = arith.mulf %add3A_15, %mul3A : vector<10000x128xf32>
    %get3A_17 = arith.constant 0 : index
    %get3A_18 = arith.constant 0 : index
    %get3A_19 = vector.load %arg3[%get3A_17, %get3A_18] : memref<1x128xf32, #tpu.memory_space<vmem>>, vector<1x128xf32>
    %add3A_20 = vector.broadcast %get3A_19 : vector<1x128xf32> to vector<10000x128xf32>
    %add3A_21 = arith.addf %mul3A_16, %add3A_20 : vector<10000x128xf32>
    %get3A_22 = arith.constant 0 : index
    %get3A_23 = arith.constant 0 : index
    %get3A_24 = vector.load %arg4[%get3A_22, %get3A_23] : memref<1x128xf32, #tpu.memory_space<vmem>>, vector<1x128xf32>
    %get3A_25 = arith.constant 0 : index
    %get3A_26 = arith.constant 0 : index
    %get3A_27 = vector.load %arg5[%get3A_25, %get3A_26] : memref<1x128xf32, #tpu.memory_space<vmem>>, vector<1x128xf32>
    %reduce_sum3A = arith.constant dense<0.000000e+00> : vector<128xf32>
    %reduce_sum3A_28 = vector.multi_reduction <add>, %add3A_21, %reduce_sum3A [0] : vector<10000x128xf32> to vector<128xf32>
    %broadcast_in_dim3A = vector.shape_cast %reduce_sum3A_28 : vector<128xf32> to vector<1x128xf32>
    %div3A = arith.constant 1.000000e+04 : f32
    %div3A_29 = vector.broadcast %div3A : f32 to vector<1x128xf32>
    %div3A_30 = arith.divf %broadcast_in_dim3A, %div3A_29 : vector<1x128xf32>
    %sub3A = vector.broadcast %div3A_30 : vector<1x128xf32> to vector<10000x128xf32>
    %sub3A_31 = arith.subf %add3A_21, %sub3A : vector<10000x128xf32>
    %integer_pow3A = arith.mulf %sub3A_31, %sub3A_31 : vector<10000x128xf32>
    %reduce_sum3A_32 = arith.constant dense<0.000000e+00> : vector<128xf32>
    %reduce_sum3A_33 = vector.multi_reduction <add>, %integer_pow3A, %reduce_sum3A_32 [0] : vector<10000x128xf32> to vector<128xf32>
    %broadcast_in_dim3A_34 = vector.shape_cast %reduce_sum3A_33 : vector<128xf32> to vector<1x128xf32>
    %div3A_35 = arith.constant 1.000000e+04 : f32
    %div3A_36 = vector.broadcast %div3A_35 : f32 to vector<1x128xf32>
    %div3A_37 = arith.divf %broadcast_in_dim3A_34, %div3A_36 : vector<1x128xf32>
    %sub3A_38 = vector.broadcast %div3A_30 : vector<1x128xf32> to vector<10000x128xf32>
    %sub3A_39 = arith.subf %add3A_21, %sub3A_38 : vector<10000x128xf32>
    %add3A_40 = arith.constant 9.99999974E-6 : f32
    %add3A_41 = vector.broadcast %add3A_40 : f32 to vector<1x128xf32>
    %add3A_42 = arith.addf %div3A_37, %add3A_41 : vector<1x128xf32>
    %rsqrt3A = math.rsqrt %add3A_42 : vector<1x128xf32>
    %mul3A_43 = vector.broadcast %rsqrt3A : vector<1x128xf32> to vector<10000x128xf32>
    %mul3A_44 = arith.mulf %sub3A_39, %mul3A_43 : vector<10000x128xf32>
    %mul3A_45 = vector.broadcast %get3A_24 : vector<1x128xf32> to vector<10000x128xf32>
    %mul3A_46 = arith.mulf %mul3A_44, %mul3A_45 : vector<10000x128xf32>
    %add3A_47 = vector.broadcast %get3A_27 : vector<1x128xf32> to vector<10000x128xf32>
    %add3A_48 = arith.addf %mul3A_46, %add3A_47 : vector<10000x128xf32>
    %max3A = arith.constant 0.000000e+00 : f32
    %max3A_49 = vector.broadcast %max3A : f32 to vector<10000x128xf32>
    %max3A_50 = arith.maximumf %add3A_48, %max3A_49 : vector<10000x128xf32>
    %get3A_51 = arith.constant 0 : index
    %get3A_52 = arith.constant 0 : index
    %get3A_53 = vector.load %arg6[%get3A_51, %get3A_52] : memref<128x128xf32, #tpu.memory_space<vmem>>, vector<128x128xf32>
    %dot_general3A = arith.constant dense<0.000000e+00> : vector<10000x128xf32>
    %dot_general3A_54 = tpu.matmul %max3A_50, %get3A_53, %dot_general3A {dimension_numbers = #tpu.dot_dimension_numbers<[1], [0], [0], [1], [0, 0, 1, 1], [], []>, transpose_lhs_hint = false} : vector<10000x128xf32>, vector<128x128xf32>, vector<10000x128xf32> -> vector<10000x128xf32>
    %mul3A_55 = vector.broadcast %get3A_11 : vector<10000x1xf32> to vector<10000x128xf32>
    %mul3A_56 = arith.mulf %dot_general3A_54, %mul3A_55 : vector<10000x128xf32>
    %swap3A = arith.constant 0 : index
    %swap3A_57 = arith.constant 0 : index
    %swap3A_58 = vector.load %arg7[%swap3A, %swap3A_57] : memref<10000x128xf32, #tpu.memory_space<vmem>>, vector<10000x128xf32>
    tpu.vector_store %arg7[%swap3A, %swap3A_57], %mul3A_56 {strides = array<i32>} : memref<10000x128xf32, #tpu.memory_space<vmem>>, vector<10000x128xf32>,
    return
  }
}

module attributes {stable_mosaic.version = 14 : i64} {
  func.func @_tcfin_body(%arg0: memref<2x10240x128xf32, #tpu.memory_space<vmem>>, %arg1: memref<10000x128xf32, #tpu.memory_space<vmem>>, %arg2: memref<10000x1xf32, #tpu.memory_space<vmem>>, %arg3: memref<1x128xf32, #tpu.memory_space<vmem>>, %arg4: memref<1x128xf32, #tpu.memory_space<vmem>>, %arg5: memref<1x128xf32, #tpu.memory_space<vmem>>, %arg6: memref<10000x1xi32, #tpu.memory_space<vmem>>, %arg7: memref<128x256xf32, #tpu.memory_space<vmem>>, %arg8: memref<1x256xf32, #tpu.memory_space<vmem>>, %arg9: memref<1x256xf32, #tpu.memory_space<vmem>>, %arg10: memref<1x256xf32, #tpu.memory_space<vmem>>, %arg11: memref<256x10xf32, #tpu.memory_space<vmem>>, %arg12: memref<1x10xf32, #tpu.memory_space<vmem>>, %arg13: memref<64x10xf32, #tpu.memory_space<vmem>>) attributes {dimension_semantics = [], scalar_prefetch = 0 : i64, scratch_operands = 0 : i64, tpu.core_type = #tpu.core_type<tc>} {
    %get3A = arith.constant 0 : index
    %get3A_0 = arith.constant 0 : index
    %get3A_1 = arith.constant 0 : index
    %get3A_2 = vector.load %arg0[%get3A, %get3A_0, %get3A_1] : memref<2x10240x128xf32, #tpu.memory_space<vmem>>, vector<1x10000x128xf32>
    %get3A_3 = vector.shape_cast %get3A_2 : vector<1x10000x128xf32> to vector<10000x128xf32>
    %get3A_4 = arith.constant 1 : index
    %get3A_5 = arith.constant 0 : index
    %get3A_6 = arith.constant 0 : index
    %get3A_7 = vector.load %arg0[%get3A_4, %get3A_5, %get3A_6] : memref<2x10240x128xf32, #tpu.memory_space<vmem>>, vector<1x10000x128xf32>
    %get3A_8 = vector.shape_cast %get3A_7 : vector<1x10000x128xf32> to vector<10000x128xf32>
    %add3A = arith.addf %get3A_3, %get3A_8 : vector<10000x128xf32>
    %get3A_9 = arith.constant 0 : index
    %get3A_10 = arith.constant 0 : index
    %get3A_11 = vector.load %arg1[%get3A_9, %get3A_10] : memref<10000x128xf32, #tpu.memory_space<vmem>>, vector<10000x128xf32>
    %add3A_12 = arith.addf %add3A, %get3A_11 : vector<10000x128xf32>
    %get3A_13 = arith.constant 0 : index
    %get3A_14 = arith.constant 0 : index
    %get3A_15 = vector.load %arg2[%get3A_13, %get3A_14] : memref<10000x1xf32, #tpu.memory_space<vmem>>, vector<10000x1xf32>
    %mul3A = vector.broadcast %get3A_15 : vector<10000x1xf32> to vector<10000x128xf32>
    %mul3A_16 = arith.mulf %add3A_12, %mul3A : vector<10000x128xf32>
    %get3A_17 = arith.constant 0 : index
    %get3A_18 = arith.constant 0 : index
    %get3A_19 = vector.load %arg3[%get3A_17, %get3A_18] : memref<1x128xf32, #tpu.memory_space<vmem>>, vector<1x128xf32>
    %add3A_20 = vector.broadcast %get3A_19 : vector<1x128xf32> to vector<10000x128xf32>
    %add3A_21 = arith.addf %mul3A_16, %add3A_20 : vector<10000x128xf32>
    %get3A_22 = arith.constant 0 : index
    %get3A_23 = arith.constant 0 : index
    %get3A_24 = vector.load %arg4[%get3A_22, %get3A_23] : memref<1x128xf32, #tpu.memory_space<vmem>>, vector<1x128xf32>
    %get3A_25 = arith.constant 0 : index
    %get3A_26 = arith.constant 0 : index
    %get3A_27 = vector.load %arg5[%get3A_25, %get3A_26] : memref<1x128xf32, #tpu.memory_space<vmem>>, vector<1x128xf32>
    %reduce_sum3A = arith.constant dense<0.000000e+00> : vector<128xf32>
    %reduce_sum3A_28 = vector.multi_reduction <add>, %add3A_21, %reduce_sum3A [0] : vector<10000x128xf32> to vector<128xf32>
    %broadcast_in_dim3A = vector.shape_cast %reduce_sum3A_28 : vector<128xf32> to vector<1x128xf32>
    %div3A = arith.constant 1.000000e+04 : f32
    %div3A_29 = vector.broadcast %div3A : f32 to vector<1x128xf32>
    %div3A_30 = arith.divf %broadcast_in_dim3A, %div3A_29 : vector<1x128xf32>
    %sub3A = vector.broadcast %div3A_30 : vector<1x128xf32> to vector<10000x128xf32>
    %sub3A_31 = arith.subf %add3A_21, %sub3A : vector<10000x128xf32>
    %integer_pow3A = arith.mulf %sub3A_31, %sub3A_31 : vector<10000x128xf32>
    %reduce_sum3A_32 = arith.constant dense<0.000000e+00> : vector<128xf32>
    %reduce_sum3A_33 = vector.multi_reduction <add>, %integer_pow3A, %reduce_sum3A_32 [0] : vector<10000x128xf32> to vector<128xf32>
    %broadcast_in_dim3A_34 = vector.shape_cast %reduce_sum3A_33 : vector<128xf32> to vector<1x128xf32>
    %div3A_35 = arith.constant 1.000000e+04 : f32
    %div3A_36 = vector.broadcast %div3A_35 : f32 to vector<1x128xf32>
    %div3A_37 = arith.divf %broadcast_in_dim3A_34, %div3A_36 : vector<1x128xf32>
    %sub3A_38 = vector.broadcast %div3A_30 : vector<1x128xf32> to vector<10000x128xf32>
    %sub3A_39 = arith.subf %add3A_21, %sub3A_38 : vector<10000x128xf32>
    %add3A_40 = arith.constant 9.99999974E-6 : f32
    %add3A_41 = vector.broadcast %add3A_40 : f32 to vector<1x128xf32>
    %add3A_42 = arith.addf %div3A_37, %add3A_41 : vector<1x128xf32>
    %rsqrt3A = math.rsqrt %add3A_42 : vector<1x128xf32>
    %mul3A_43 = vector.broadcast %rsqrt3A : vector<1x128xf32> to vector<10000x128xf32>
    %mul3A_44 = arith.mulf %sub3A_39, %mul3A_43 : vector<10000x128xf32>
    %mul3A_45 = vector.broadcast %get3A_24 : vector<1x128xf32> to vector<10000x128xf32>
    %mul3A_46 = arith.mulf %mul3A_44, %mul3A_45 : vector<10000x128xf32>
    %add3A_47 = vector.broadcast %get3A_27 : vector<1x128xf32> to vector<10000x128xf32>
    %add3A_48 = arith.addf %mul3A_46, %add3A_47 : vector<10000x128xf32>
    %max3A = arith.constant 0.000000e+00 : f32
    %max3A_49 = vector.broadcast %max3A : f32 to vector<10000x128xf32>
    %max3A_50 = arith.maximumf %add3A_48, %max3A_49 : vector<10000x128xf32>
    %get3A_51 = arith.constant 0 : index
    %get3A_52 = arith.constant 0 : index
    %get3A_53 = vector.load %arg6[%get3A_51, %get3A_52] : memref<10000x1xi32, #tpu.memory_space<vmem>>, vector<10000x1xi32>
    %iota3A = tpu.iota {dimensions = array<i32: 1>} : vector<10000x64xi32>
    %eq3A = vector.broadcast %get3A_53 : vector<10000x1xi32> to vector<10000x64xi32>
    %eq3A_54 = arith.cmpi eq, %eq3A, %iota3A : vector<10000x64xi32>
    %convert_element_type3A = arith.extui %eq3A_54 : vector<10000x64xi1> to vector<10000x64xi32>
    %convert_element_type3A_55 = arith.sitofp %convert_element_type3A : vector<10000x64xi32> to vector<10000x64xf32>
    %dot_general3A = arith.constant dense<0.000000e+00> : vector<64x128xf32>
    %dot_general3A_56 = tpu.matmul %convert_element_type3A_55, %max3A_50, %dot_general3A {dimension_numbers = #tpu.dot_dimension_numbers<[0], [0], [1], [1], [0, 1, 1, 1], [], []>, precision = #tpu.contract_precision<fp32>, transpose_lhs_hint = false} : vector<10000x64xf32>, vector<10000x128xf32>, vector<64x128xf32> -> vector<64x128xf32>
    %reduce_sum3A_57 = arith.constant dense<0.000000e+00> : vector<64xf32>
    %reduce_sum3A_58 = vector.multi_reduction <add>, %convert_element_type3A_55, %reduce_sum3A_57 [0] : vector<10000x64xf32> to vector<64xf32>
    %broadcast_in_dim3A_59 = vector.shape_cast %reduce_sum3A_58 : vector<64xf32> to vector<64x1xf32>
    %max3A_60 = arith.constant 1.000000e+00 : f32
    %max3A_61 = vector.broadcast %max3A_60 : f32 to vector<64x1xf32>
    %max3A_62 = arith.maximumf %broadcast_in_dim3A_59, %max3A_61 : vector<64x1xf32>
    %div3A_63 = vector.broadcast %max3A_62 : vector<64x1xf32> to vector<64x128xf32>
    %div3A_64 = arith.divf %dot_general3A_56, %div3A_63 : vector<64x128xf32>
    %get3A_65 = arith.constant 0 : index
    %get3A_66 = arith.constant 0 : index
    %get3A_67 = vector.load %arg7[%get3A_65, %get3A_66] : memref<128x256xf32, #tpu.memory_space<vmem>>, vector<128x256xf32>
    %dot_general3A_68 = arith.constant dense<0.000000e+00> : vector<64x256xf32>
    %dot_general3A_69 = tpu.matmul %div3A_64, %get3A_67, %dot_general3A_68 {dimension_numbers = #tpu.dot_dimension_numbers<[1], [0], [0], [1], [0, 0, 1, 1], [], []>, transpose_lhs_hint = false} : vector<64x128xf32>, vector<128x256xf32>, vector<64x256xf32> -> vector<64x256xf32>
    %get3A_70 = arith.constant 0 : index
    %get3A_71 = arith.constant 0 : index
    %get3A_72 = vector.load %arg8[%get3A_70, %get3A_71] : memref<1x256xf32, #tpu.memory_space<vmem>>, vector<1x256xf32>
    %add3A_73 = vector.broadcast %get3A_72 : vector<1x256xf32> to vector<64x256xf32>
    %add3A_74 = arith.addf %dot_general3A_69, %add3A_73 : vector<64x256xf32>
    %get3A_75 = arith.constant 0 : index
    %get3A_76 = arith.constant 0 : index
    %get3A_77 = vector.load %arg9[%get3A_75, %get3A_76] : memref<1x256xf32, #tpu.memory_space<vmem>>, vector<1x256xf32>
    %get3A_78 = arith.constant 0 : index
    %get3A_79 = arith.constant 0 : index
    %get3A_80 = vector.load %arg10[%get3A_78, %get3A_79] : memref<1x256xf32, #tpu.memory_space<vmem>>, vector<1x256xf32>
    %reduce_sum3A_81 = arith.constant dense<0.000000e+00> : vector<256xf32>
    %reduce_sum3A_82 = vector.multi_reduction <add>, %add3A_74, %reduce_sum3A_81 [0] : vector<64x256xf32> to vector<256xf32>
    %broadcast_in_dim3A_83 = vector.shape_cast %reduce_sum3A_82 : vector<256xf32> to vector<1x256xf32>
    %div3A_84 = arith.constant 6.400000e+01 : f32
    %div3A_85 = vector.broadcast %div3A_84 : f32 to vector<1x256xf32>
    %div3A_86 = arith.divf %broadcast_in_dim3A_83, %div3A_85 : vector<1x256xf32>
    %sub3A_87 = vector.broadcast %div3A_86 : vector<1x256xf32> to vector<64x256xf32>
    %sub3A_88 = arith.subf %add3A_74, %sub3A_87 : vector<64x256xf32>
    %integer_pow3A_89 = arith.mulf %sub3A_88, %sub3A_88 : vector<64x256xf32>
    %reduce_sum3A_90 = arith.constant dense<0.000000e+00> : vector<256xf32>
    %reduce_sum3A_91 = vector.multi_reduction <add>, %integer_pow3A_89, %reduce_sum3A_90 [0] : vector<64x256xf32> to vector<256xf32>
    %broadcast_in_dim3A_92 = vector.shape_cast %reduce_sum3A_91 : vector<256xf32> to vector<1x256xf32>
    %div3A_93 = arith.constant 6.400000e+01 : f32
    %div3A_94 = vector.broadcast %div3A_93 : f32 to vector<1x256xf32>
    %div3A_95 = arith.divf %broadcast_in_dim3A_92, %div3A_94 : vector<1x256xf32>
    %sub3A_96 = vector.broadcast %div3A_86 : vector<1x256xf32> to vector<64x256xf32>
    %sub3A_97 = arith.subf %add3A_74, %sub3A_96 : vector<64x256xf32>
    %add3A_98 = arith.constant 9.99999974E-6 : f32
    %add3A_99 = vector.broadcast %add3A_98 : f32 to vector<1x256xf32>
    %add3A_100 = arith.addf %div3A_95, %add3A_99 : vector<1x256xf32>
    %rsqrt3A_101 = math.rsqrt %add3A_100 : vector<1x256xf32>
    %mul3A_102 = vector.broadcast %rsqrt3A_101 : vector<1x256xf32> to vector<64x256xf32>
    %mul3A_103 = arith.mulf %sub3A_97, %mul3A_102 : vector<64x256xf32>
    %mul3A_104 = vector.broadcast %get3A_77 : vector<1x256xf32> to vector<64x256xf32>
    %mul3A_105 = arith.mulf %mul3A_103, %mul3A_104 : vector<64x256xf32>
    %add3A_106 = vector.broadcast %get3A_80 : vector<1x256xf32> to vector<64x256xf32>
    %add3A_107 = arith.addf %mul3A_105, %add3A_106 : vector<64x256xf32>
    %max3A_108 = arith.constant 0.000000e+00 : f32
    %max3A_109 = vector.broadcast %max3A_108 : f32 to vector<64x256xf32>
    %max3A_110 = arith.maximumf %add3A_107, %max3A_109 : vector<64x256xf32>
    %get3A_111 = arith.constant 0 : index
    %get3A_112 = arith.constant 0 : index
    %get3A_113 = vector.load %arg11[%get3A_111, %get3A_112] : memref<256x10xf32, #tpu.memory_space<vmem>>, vector<256x10xf32>
    %dot_general3A_114 = arith.constant dense<0.000000e+00> : vector<64x10xf32>
    %dot_general3A_115 = tpu.matmul %max3A_110, %get3A_113, %dot_general3A_114 {dimension_numbers = #tpu.dot_dimension_numbers<[1], [0], [0], [1], [0, 0, 1, 1], [], []>, transpose_lhs_hint = false} : vector<64x256xf32>, vector<256x10xf32>, vector<64x10xf32> -> vector<64x10xf32>
    %get3A_116 = arith.constant 0 : index
    %get3A_117 = arith.constant 0 : index
    %get3A_118 = vector.load %arg12[%get3A_116, %get3A_117] : memref<1x10xf32, #tpu.memory_space<vmem>>, vector<1x10xf32>
    %add3A_119 = vector.broadcast %get3A_118 : vector<1x10xf32> to vector<64x10xf32>
    %add3A_120 = arith.addf %dot_general3A_115, %add3A_119 : vector<64x10xf32>
    %swap3A = arith.constant 0 : index
    %swap3A_121 = arith.constant 0 : index
    %swap3A_122 = vector.load %arg13[%swap3A, %swap3A_121] : memref<64x10xf32, #tpu.memory_space<vmem>>, vector<64x10xf32>
    tpu.vector_store %arg13[%swap3A, %swap3A_121], %add3A_120 {strides = array<i32>} : memref<64x10xf32, #tpu.memory_space<vmem>>, vector<64x10xf32>,
    return
  }
}

</mosaic_0001>

<sc_bundles>
// kernel: kernel.12.cloned.1.call-start
scs
__scs_entry_jumppad:
0x0: {  	(pc) =	sbr.rel $0x88, $3  }
0x1: {  	(tag) =	ssettag $0x0;
	lr =	simm.s32 $0x1  }
0x2: {  	[smem:$0x3F90] =	sst lr;
	_ =	strace $0xD0000000  }
0x3: {  	_ = 	snop  }
0x4: {  	_ = 	snop  }
0x5: {  	_ = 	snop  }
0x6: {  	_ = 	snop  }
0x7: {  	_ = 	snop  }
__scs_overlays_trampoline_lowered:
0x8: {  	[smem:$0x3F9F] =	sst s0  }
0x9: {  	[smem:$0x3FA0] =	sst s1  }
0xa: {  	[smem:$0x3FA1] =	sst s2  }
0xb: {  	[smem:$0x3FA2] =	sst s3  }
0xc: {  	[smem:$0x3FA3] =	sst s4  }
0xd: {  	[smem:$0x3FA4] =	sst s5  }
0xe: {  	[smem:$0x3FA5] =	sst s6  }
0xf: {  	[smem:$0x3FA6] =	sst s7  }
0x10: {  	[smem:$0x3FA7] =	sst s8  }
0x11: {  	[smem:$0x3FA8] =	sst s9;
	s0 =	simm.s32 @!p0 $0x0  }
0x12: {  	s1 =	sld [smem:$0x3F8E];
	s0 =	simm.s32 @p0 $0x1  }
0x13: {  	[smem:$0x3FA9] =	sst s0;
	s0 =	simm.s32 @!p1 $0x0  }
0x14: {  	s2 =	sld [smem:$0x3F8D];
	s0 =	simm.s32 @p1 $0x1  }
0x15: {  	[smem:$0x3FAA] =	sst s0;
	s0 =	simm.s32 @!p2 $0x0  }
0x16: {  	s3 =	sld [smem:$0x3FDB];
	s0 =	simm.s32 @p2 $0x1  }
0x17: {  	s4 =	simm.s32 $0x1BF5;
	[smem:$0x3FAC] =	sst s0  }
0x18: {  	s0 =	sld [smem:$0x3F8F];
	_ =	swait.ge [sflag:s4], $0x0  }
0x19: {  	s7 =	sld [smem:$0x3F90]  }
0x1a: {  	s8 =	sadd.s32 $0xFFFFE003, lr  }
0x1b: {  	s9 =	sadd.s32 $0xFFFFFEF7, lr;
	s5 =	simm.s32 $0xFFFFFFFF;
	p2 =	slt.u32 s8, $0xFFFFF086  }
0x1c: {  	p1 =	slt.u32 s9, $0xF7A;
	s5 =	simm.s32 @!p2 $0x0  }
0x1d: {  	s5 =	simm.s32 @p1 $0x1;
	p0 =	seq.s32 s7, s2  }
0x1e: {  	s7 =	smul.u32 @!p0 $0xF7A, s2;
	p2 =	seq.s32 @!p0 s5, $0x0  }
0x1f: {  	s9 =	smul.u32 $0xF7A, s1;
	s8 =	simm.s32 @!p0 $0x1BF5;
	p2 =	por !p2, p0  }
0x20: {  	[sflag:s8] =	ssyncset.s32 @!p0 $0xFFFFF086;
	s6 =	sadd.s32 @!p0 s3, s7;
	s7 =	simm.s32 @!p0 $0x108  }
0x21: {  	s3 =	sadd.s32 s3, s9;
	s6 =	sadd.s32 @!p0 $0x88, s6;
	s7 =	simm.s32 @p2 $0x1082  }
0x22: {  	[simem:s7], [sflag:s8] =	dma.local @!p0 [hbm:s6], $0xF7A  }
0x23: {  	s9 =	sor.u32 $0xD0000000, s2;
	s6 =	simm.s32 $0x108;
	_ =	swait.ge @!p0 [sflag:s8], $0x0  }
0x24: {  	s3 =	sadd.s32 $0x88, s3;
	s6 =	simm.s32 @!p1 $0x1082;
	[sflag:s4] =	ssyncset.s32 $0xFFFFF086  }
0x25: {  	[simem:s6], [sflag:s4] =	dma.local [hbm:s3], $0xF7A  }
0x26: {  	[smem:$0x3F90] =	sst s1;
	(tag) =	ssettag s2;
	_ =	strace s9  }
0x27: {  	s1 =	sld [smem:$0x3FA0]  }
0x28: {  	s2 =	sld [smem:$0x3FA1]  }
0x29: {  	s4 =	sld [smem:$0x3FA3]  }
0x2a: {  	p0 =	seq.s32 s5, $0x0;
	s5 =	sld [smem:$0x3FA4]  }
0x2b: {  	s6 =	sld [smem:$0x3FA5]  }
0x2c: {  	s7 =	sld [smem:$0x3FA6]  }
0x2d: {  	s3 =	simm.s32 $0x108;
	s8 =	sld [smem:$0x3FA7]  }
0x2e: {  	s3 =	simm.s32 @!p0 $0x1082;
	s9 =	sld [smem:$0x3FA8]  }
0x2f: {  	lr =	sadd.s32 s0, s3;
	s0 =	sld [smem:$0x3F9F]  }
0x30: {  	s3 =	sld [smem:$0x3FA2]  }
0x31: {  	[smem:$0x3FAB] =	sst s10  }
0x32: {  	s10 =	sld [smem:$0x3FA9];
	_ =	sdelay $0x3  }
0x33: {  	p0 =	seq.s32 s10, $0x1;
	s10 =	sld [smem:$0x3FAB];
	_ =	sdelay $0x3  }
0x34: {  	[smem:$0x3FAB] =	sst s10  }
0x35: {  	s10 =	sld [smem:$0x3FAA];
	_ =	sdelay $0x3  }
0x36: {  	p1 =	seq.s32 s10, $0x1;
	s10 =	sld [smem:$0x3FAB];
	_ =	sdelay $0x3  }
0x37: {  	[smem:$0x3FAB] =	sst s10  }
0x38: {  	s10 =	sld [smem:$0x3FAC]  }
0x39: {  	_ = 	snop;
	(pc) =	sbr.ind lr, $3  }
0x3a: {  	_ = 	snop  }
0x3b: {  	_ = 	snop  }
0x3c: {  	p2 =	seq.s32 s10, $0x1;
	s10 =	sld [smem:$0x3FAB]  }
0x3d: {  	_ =	shalt  }
0x3e: {  	_ =	shalt  }
0x3f: {  	_ =	shalt  }
0x40: {  	_ =	shalt  }
0x41: {  	_ =	shalt  }
0x42: {  	_ =	shalt  }
0x43: {  	_ =	shalt  }
0x44: {  	_ =	shalt  }
0x45: {  	_ =	shalt  }
0x46: {  	_ =	shalt  }
0x47: {  	_ =	shalt  }
0x48: {  	_ =	shalt  }
0x49: {  	_ =	shalt  }
0x4a: {  	_ =	shalt  }
0x4b: {  	_ =	shalt  }
0x4c: {  	_ =	shalt  }
0x4d: {  	_ =	shalt  }
0x4e: {  	_ =	shalt  }
0x4f: {  	_ =	shalt  }
0x50: {  	_ =	shalt  }
0x51: {  	_ =	shalt  }
0x52: {  	_ =	shalt  }
0x53: {  	_ =	shalt  }
0x54: {  	_ =	shalt  }
0x55: {  	_ =	shalt  }
0x56: {  	_ =	shalt  }
0x57: {  	_ =	shalt  }
0x58: {  	_ =	shalt  }
0x59: {  	_ =	shalt  }
0x5a: {  	_ =	shalt  }
0x5b: {  	_ =	shalt  }
0x5c: {  	_ =	shalt  }
0x5d: {  	_ =	shalt  }
0x5e: {  	_ =	shalt  }
0x5f: {  	_ =	shalt  }
0x60: {  	_ =	shalt  }
0x61: {  	_ =	shalt  }
0x62: {  	_ =	shalt  }
0x63: {  	_ =	shalt  }
0x64: {  	_ =	shalt  }
0x65: {  	_ =	shalt  }
0x66: {  	_ =	shalt  }
0x67: {  	_ =	shalt  }
0x68: {  	_ =	shalt  }
0x69: {  	_ =	shalt  }
0x6a: {  	_ =	shalt  }
0x6b: {  	_ =	shalt  }
0x6c: {  	_ =	shalt  }
0x6d: {  	_ =	shalt  }
0x6e: {  	_ =	shalt  }
0x6f: {  	_ =	shalt  }
0x70: {  	_ =	shalt  }
0x71: {  	_ =	shalt  }
0x72: {  	_ =	shalt  }
0x73: {  	_ =	shalt  }
0x74: {  	_ =	shalt  }
0x75: {  	_ =	shalt  }
0x76: {  	_ =	shalt  }
0x77: {  	_ =	shalt  }
0x78: {  	_ =	shalt  }
0x79: {  	_ =	shalt  }
0x7a: {  	_ =	shalt  }
0x7b: {  	_ =	shalt  }
0x7c: {  	_ =	shalt  }
0x7d: {  	_ =	shalt  }
0x7e: {  	_ =	shalt  }
0x7f: {  	_ =	shalt  }
0x80: {  	_ =	shalt  }
0x81: {  	_ =	shalt  }
0x82: {  	_ =	shalt  }
0x83: {  	_ =	shalt  }
0x84: {  	_ =	shalt  }
0x85: {  	_ =	shalt  }
0x86: {  	_ =	shalt  }
0x87: {  	_ =	shalt  }
.Lfunc_end0:
.L_simem_size_0:
called_computation.1_lowered:
.L_overlay_start_0:
0x88: {  	s2 =	sld [smem:$0x3FD9]  }
0x89: {  	s3 =	sld [smem:$0x3FFE];
	_ =	sdelay $0x1  }
0x8a: {  	s1 =	srdreg.scid  }
0x8b: {  	s0 =	sand.u32 $0x1, s1  }
0x8c: {  	s16 =	sshll.u32 s0, $0xA;
	s2 =	sadd.s32 s3, s2  }
0x8d: {  	s2 =	sadd.s32 s2, s16  }
0x8e: {  	[smem:$0x3FB7] =	sst s2  }
0x8f: {  	_ = 	snop  }
0x90: {  	(tm) =	ssettm $0x1  }
0x91: {  	s17 =	sld [smem:$0x3FFB];
	_ =	sdelay $0x3  }
0x92: {  	_ =	strace s17  }
0x93: {  	s2 =	sld [smem:$0x3FFC];
	_ =	sdelay $0x3  }
0x94: {  	_ =	strace s2  }
0x95: {  	s2 =	sld [smem:$0x3FFD];
	_ =	sdelay $0x3  }
0x96: {  	_ =	strace s2  }
0x97: {  	_ =	strace $0x8FFFFFFF  }
0x98: {  	s18 =	sld [smem:$0x3FDB];
	_ =	sdelay $0x1  }
0x99: {  	s19 =	simm.s32 $_scs_section_size  }
0x9a: {  	s4 =	simm.s32 $_size__tile_overlayer_lowered;
	s5 =	simm.s32 $_tile_overlayer_lowered  }
0x9b: {  	s22 =	simm.s32 $0x1BFF;
	s21 =	sshll.u32 s5, $0x1;
	s2 =	sadd.s32 s19, s18  }
0x9c: {  	s6 =	simm.s32 $0x0;
	s20 =	sshll.u32 s4, $0x1;
	s4 =	sadd.s32 s21, s2  }
0x9d: {  	[timem:s6], [sflag:s22] =	dma.local [hbm:s4], s20  }
0x9e: {  	_ =	swait.ge [sflag:s22], s20  }
0x9f: {  	s3 =	ssub.s32 $0x0, s20;
	[sflag:s22] =	ssyncset.done $0x0  }
0xa0: {  	[sflag:s22] =	ssyncadd.s32 s3;
	_ =	sdelay $0x1  }
0xa1: {  	s23 =	simm.s32 $0x1B8B  }
0xa2: {  	_ =	swait.ge [sflag:s23], $0x1  }
0xa3: {  	[sflag:s23] =	ssyncset.done $0x0  }
0xa4: {  	s25 =	simm.s32 $0x1B8E;
	s24 =	sld [smem:$0x3FFE];
	[sflag:s23] =	ssyncadd.s32 $0xFFFFFFFF  }
0xa5: {  	s26 =	simm.s32 $execute0_lowered;
	[smem:$0x3FD2] =	sst s25  }
0xa6: {  	s4 =	sshll.u32 s26, $0x1;
	_ =	strace $0x80000049;
	[dreg:$0x1] =	wrdreg $0xFFFFFFFF  }
0xa7: {  	s28 =	simm.s32 $_size_execute0_lowered;
	s2 =	sadd.s32 s2, s4;
	[dreg:$0x0] =	wrdreg $0x0  }
0xa8: {  	s4 =	sshll.u32 s28, $0x1;
	[dreg:$0x2] =	wrdreg s2  }
0xa9: {  	[dreg:$0x3] =	wrdreg s4  }
0xaa: {  	[dreg:$0x4] =	wrdreg $0xC0  }
0xab: {  	_ =	task [dreg:s6], $0x5FFFF  }
0xac: {  	[dreg:$0x1] =	wrdreg $0xFFFFFFFF  }
0xad: {  	[dreg:$0x0] =	wrdreg $0x60  }
0xae: {  	[dreg:$0x2] =	wrdreg s24  }
0xaf: {  	[dreg:$0x3] =	wrdreg $0xA8000  }
0xb0: {  	[dreg:$0x4] =	wrdreg $0x9  }
0xb1: {  	_ =	task.clear_ibuf [dreg:s6], $0x5FFFF;
	_ =	strace $0x90000049  }
0xb2: {  	s29 =	simm.s32 $0x9;
	_ =	strace $0x8000004B  }
0xb3: {  	_ =	swait.ge [sflag:s29], $0x1  }
0xb4: {  	[sflag:s29] =	ssyncadd.s32 $0xFFFFFFFF  }
0xb5: {  	_ =	strace $0x9000004B  }
0xb6: {  	_ =	sfence  }
0xb7: {  	s30 =	sld [smem:$0x0];
	_ =	sdelay $0x2  }
0xb8: {  	s31 =	sshll.u32 s1, $0xD;
	s1 =	sshrl.u32 s1, $0x2  }
0xb9: {  	s3 =	sand.u32 $0x4000, s31;
	s1 =	sadd.s32 s1, s30  }
0xba: {  	s0 =	sor.u32 s3, s0;
	s1 =	sshll.u32 s1, $0x11  }
0xbb: {  	s0 =	sor.u32 s1, s0  }
0xbc: {  	s0 =	sadd.s32 $0x8F2B, s0  }
0xbd: {  	[sflag:s0] =	ssyncadd.remote.s32 $0x1  }
0xbe: {  	_ =	sfence.sel $0xFFFF  }
0xbf: {  	[dreg:$0x0] =	wrdreg $0xFFFFFFFF;
	(pc) =	sbr.abs _section_cstart, $3  }
0xc0: {  	[dreg:$0x1] =	wrdreg $0xFFFFFFFF  }
0xc1: {  	_ =	task.clear_ibuf [dreg:s6], $0x2FFFF;
	_ =	strace $0x9FFFFFFF  }
0xc2: {  	(tm) =	ssettm $0x7FFFFFFF  }
0xc3: {  	_ =	shalt  }
tec
execute0_lowered:
.L_overlay_start_1:
0x0: {  	(tag) =	ssettag $0x1  }
0x1: {  	s0 =	rddreg [dreg:$0x0]  }
0x2: {  	s1 =	rddreg [dreg:$0x1];
	s2 =	simm.s32 $0x0  }
0x3: {  	s6 =	srdreg.scid;
	s14 =	stileid.u32;
	s28 =	simm.s32 $0x1400  }
0x4: {  	s29 =	simm.s32 $0x80;
	s30 =	simm.s32 $0x2800;
	s31 =	simm.s32 $0x6800  }
0x5: {  	[smem:$0x7FF] =	sst s2;
	s4 =	sadd.s32 $0x18400, s0;
	s3 =	sadd.s32 $0xDC00, s0  }
0x6: {  	s8 =	sadd.s32 $0x3C00, s0;
	s5 =	sadd.s32 $0x17C00, s0;
	s6 =	sand.u32 $0x1, s6  }
0x7: {  	s7 =	sshll.u32 s14, $0x1;
	s10 =	smul.u32 $0x50000, s14;
	s0 =	sadd.s32 $0x3F600, s0  }
0x8: {  	s12 =	sshll.u32 s14, $0x6;
	s14 =	smul.u32 $0x14000, s14;
	s9 =	ssub.s32 $0x2, s6  }
0x9: {  	_ =	strace $0x8000004A;
	s7 =	sor.u32 s6, s7;
	s11 =	sshrl.u32 s9, $0x1  }
0xa: {  	s7 =	smul.u32 $0x2800, s7;
	s10 =	sshrl.u32 s10, $0x2;
	s21 =	sadd.s32 $0x8000, s14  }
0xb: {  	s22 =	sadd.s32 $0xC000, s14;
	s9 =	ssub.s32 s9, s11;
	s11 =	smul.u32 $0x140000, s6  }
0xc: {  	s6 =	sadd.s32 s10, s1;
	s10 =	simm.s32 $0x4;
	s13 =	sshrl.u32 s7, $0x3  }
0xd: {  	s7 =	sor.u32 $0x1C05, s12;
	s17 =	smax.u32 s9, $0x1;
	s18 =	sadd.s32 $0x4000, s6  }
0xe: {  	s19 =	sadd.s32 $0x8000, s6;
	s20 =	sadd.s32 $0xC000, s6;
	s9 =	simm.s32 $0x3  }
0xf: {  	s23 =	sadd.s32 s3, s13;
	s24 =	sadd.s32 s8, s13;
	s25 =	sadd.s32 $0x280, s13  }
0x10: {  	s26 =	sadd.s32 s11, s14;
	s13 =	sadd.s32 $0x4000, s14;
	[dreg:$0x8] =	wrdreg s17  }
0x11: {  	s14 =	sadd.s32 $0x10000, s14;
	s15 =	sadd.s32 s11, s21;
	s18 =	sshrl.u32 s18, $0x3  }
0x12: {  	s19 =	sshrl.u32 s19, $0x3;
	s20 =	sshrl.u32 s20, $0x3;
	[dreg:$0x3] =	wrdreg s23  }
0x13: {  	[dreg:$0x4] =	wrdreg s24;
	s3 =	sadd.s32 s3, s25;
	s12 =	sshrl.u32 s26, $0x3  }
0x14: {  	s8 =	sadd.s32 s8, s25;
	s16 =	sadd.s32 s11, s13;
	s15 =	sshrl.u32 s15, $0x3  }
0x15: {  	s23 =	sadd.s32 $0x10000, s6;
	s24 =	sadd.s32 s13, s1;
	[dreg:$0x5] =	wrdreg s3  }
0x16: {  	s25 =	sadd.s32 s22, s1;
	s26 =	sadd.s32 s14, s1;
	[dreg:$0x6] =	wrdreg s8  }
0x17: {  	s3 =	sadd.s32 s0, s12;
	s15 =	sadd.s32 s0, s15;
	s8 =	simm.s32 $0x1480  }
0x18: {  	[dreg:$0x7] =	wrdreg s3;
	s3 =	sshrl.u32 s16, $0x3;
	s16 =	sadd.s32 s11, s22  }
0x19: {  	s11 =	sadd.s32 s11, s14;
	[dreg:$0xa] =	wrdreg s15;
	s22 =	sshrl.u32 s24, $0x3  }
0x1a: {  	s24 =	sshrl.u32 s25, $0x3;
	s25 =	sshrl.u32 s26, $0x3;
	s26 =	simm.s32 $0x5  }
0x1b: {  	s3 =	sadd.s32 s0, s3;
	s16 =	sshrl.u32 s16, $0x3;
	s11 =	sshrl.u32 s11, $0x3  }
0x1c: {  	[dreg:$0x9] =	wrdreg s3;
	s16 =	sadd.s32 s0, s16;
	s17 =	sadd.s32 s0, s11  }
0x1d: {  	s3 =	sadd.s32 s21, s1;
	s21 =	sshrl.u32 s23, $0x3;
	s0 =	simm.s32 $0x1  }
0x1e: {  	s11 =	simm.s32 $0x0;
	s23 =	sshrl.u32 s3, $0x3;
	s3 =	simm.s32 $0x2  }
.LBB2_1:
0x1f: {  	s12 =	sshrl.u32 s6, $0x3  }
0x20: {  	[spmem:s12], [sflag:s7] =	dma.local [hbm:s5], $0x800  }
0x21: {  	_ =	swait.ge [sflag:s26], $0x800  }
0x22: {  	[sflag:s26] =	ssyncset.done $0x0  }
0x23: {  	[sflag:s26] =	ssyncadd.s32 $0xFFFFF800  }
0x24: {  	[spmem:s18], [sflag:s7] =	dma.local [hbm:s5], $0x800  }
0x25: {  	_ =	swait.ge [sflag:s26], $0x800  }
0x26: {  	[sflag:s26] =	ssyncset.done $0x0  }
0x27: {  	[sflag:s26] =	ssyncadd.s32 $0xFFFFF800  }
0x28: {  	[spmem:s19], [sflag:s7] =	dma.local [hbm:s5], $0x800  }
0x29: {  	_ =	swait.ge [sflag:s26], $0x800  }
0x2a: {  	[sflag:s26] =	ssyncset.done $0x0  }
0x2b: {  	[sflag:s26] =	ssyncadd.s32 $0xFFFFF800  }
0x2c: {  	[spmem:s20], [sflag:s7] =	dma.local [hbm:s5], $0x800  }
0x2d: {  	_ =	swait.ge [sflag:s26], $0x800  }
0x2e: {  	[sflag:s26] =	ssyncset.done $0x0  }
0x2f: {  	[sflag:s26] =	ssyncadd.s32 $0xFFFFF800  }
0x30: {  	[spmem:s21], [sflag:s7] =	dma.local [hbm:s5], $0x800  }
0x31: {  	_ =	swait.ge [sflag:s26], $0x800  }
0x32: {  	[sflag:s26] =	ssyncset.done $0x0  }
0x33: {  	[sflag:s26] =	ssyncadd.s32 $0xFFFFF800  }
0x34: {  	[bflag:$0x0] =	sbarrier.arrive $0xFFFF  }
0x35: {  	s13 =	rddreg [dreg:$0x3]  }
0x36: {  	[tilespmem:s2], [sflag:$0x5] =	stream.linear.gather [hbm4b:s13+s2], $0x1400, $0x38;
	[tilespmem:$0x1E800] =	vst v63  }
0x37: {  	_ =	swait.ge [sflag:s26], $0x1400  }
0x38: {  	[sflag:s26] =	ssyncset.done $0x0  }
0x39: {  	s14 =	rddreg [dreg:$0x4];
	[sflag:s26] =	ssyncadd.s32 $0xFFFFEC00  }
0x3a: {  	[tilespmem:s28], [sflag:$0x5] =	stream.linear.gather [hbm4b:s14+s2], $0x1400, $0x38;
	[tilespmem:$0x1E800] =	vst v63  }
0x3b: {  	_ =	swait.ge [sflag:s26], $0x1400  }
0x3c: {  	[sflag:s26] =	ssyncset.done $0x0  }
0x3d: {  	[sflag:s26] =	ssyncadd.s32 $0xFFFFEC00  }
0x3e: {  	[tilespmem:s30], [sflag:$0x1] =	stream.indirect.gather [hbm4b:s4+s29], $0x80, s2, s29, $0xb8;
	[tilespmem:$0x1E800] =	vst v63  }
0x3f: {  	_ = 	snop  }
0x40: {  	[tilespmem:s31], [sflag:$0x2] =	stream.indirect.gather [hbm4b:s4+s29], $0x80, s29, s29, $0xb8;
	[tilespmem:$0x1E800] =	vst v63  }
0x41: {  	_ =	swait.ge [sflag:s0], $0x4000  }
0x42: {  	[sflag:s0] =	ssyncset.done $0x0  }
0x43: {  	[sflag:s0] =	ssyncadd.s32 $0xFFFFC000  }
0x44: {  	[spmem:s1] =	stream.indirect.scatter.add.f32 [tilespmem:s30], [sflag:$0x3], $0x80, s28, s29, $0xb8;
	[tilespmem:$0x1E800] =	vst v63  }
0x45: {  	_ =	swait.ge [sflag:s3], $0x4000  }
0x46: {  	[sflag:s3] =	ssyncset.done $0x0  }
0x47: {  	[sflag:s3] =	ssyncadd.s32 $0xFFFFC000  }
0x48: {  	[spmem:s1] =	stream.indirect.scatter.add.f32 [tilespmem:s31], [sflag:$0x4], $0x80, s8, s29, $0xb8;
	[tilespmem:$0x1E800] =	vst v63  }
0x49: {  	_ =	swait.ge [sflag:s9], $0x4000  }
0x4a: {  	[sflag:s9] =	ssyncset.done $0x0  }
0x4b: {  	s15 =	simm.s32 $0x100;
	[sflag:s9] =	ssyncadd.s32 $0xFFFFC000  }
0x4c: {  	[tilespmem:s30], [sflag:$0x1] =	stream.indirect.gather [hbm4b:s4+s29], $0x80, s15, s29, $0xb8;
	[tilespmem:$0x1E800] =	vst v63  }
0x4d: {  	_ =	swait.ge [sflag:s10], $0x4000  }
0x4e: {  	[sflag:s10] =	ssyncset.done $0x0  }
0x4f: {  	s14 =	simm.s32 $0x180;
	[sflag:s10] =	ssyncadd.s32 $0xFFFFC000  }
0x50: {  	[tilespmem:s31], [sflag:$0x2] =	stream.indirect.gather [hbm4b:s4+s29], $0x80, s14, s29, $0xb8;
	[tilespmem:$0x1E800] =	vst v63  }
0x51: {  	_ =	swait.ge [sflag:s0], $0x4000  }
0x52: {  	[sflag:s0] =	ssyncset.done $0x0  }
0x53: {  	s15 =	simm.s32 $0x1500;
	[sflag:s0] =	ssyncadd.s32 $0xFFFFC000  }
0x54: {  	[spmem:s1] =	stream.indirect.scatter.add.f32 [tilespmem:s30], [sflag:$0x3], $0x80, s15, s29, $0xb8;
	[tilespmem:$0x1E800] =	vst v63  }
0x55: {  	_ =	swait.ge [sflag:s3], $0x4000  }
0x56: {  	[sflag:s3] =	ssyncset.done $0x0  }
0x57: {  	s13 =	simm.s32 $0xFFFFB800;
	s14 =	simm.s32 $0x1580;
	[sflag:s3] =	ssyncadd.s32 $0xFFFFC000  }
.LBB2_2:
0x58: {  	[spmem:s1] =	stream.indirect.scatter.add.f32 [tilespmem:s31], [sflag:$0x4], $0x80, s14, s29, $0xb8;
	[tilespmem:$0x1E800] =	vst v63  }
0x59: {  	s14 =	smov.u32 s13  }
0x5a: {  	p0 =	sne.s32 s13, $0xFFFFFC00;
	s13 =	sadd.s32 $0x400, s13;
	_ =	swait.ge [sflag:s9], $0x4000  }
0x5b: {  	s14 =	sshra.s32 s14, $0x2;
	[sflag:s9] =	ssyncset.done $0x0  }
0x5c: {  	s15 =	sadd.s32 $0x1400, s14;
	[sflag:s9] =	ssyncadd.s32 $0xFFFFC000  }
0x5d: {  	[tilespmem:s30], [sflag:$0x1] =	stream.indirect.gather [hbm4b:s4+s29], $0x80, s15, s29, $0xb8;
	[tilespmem:$0x1E800] =	vst v63  }
0x5e: {  	_ =	swait.ge [sflag:s10], $0x4000  }
0x5f: {  	[sflag:s10] =	ssyncset.done $0x0  }
0x60: {  	s15 =	sadd.s32 $0x1480, s14;
	[sflag:s10] =	ssyncadd.s32 $0xFFFFC000  }
0x61: {  	[tilespmem:s31], [sflag:$0x2] =	stream.indirect.gather [hbm4b:s4+s29], $0x80, s15, s29, $0xb8;
	[tilespmem:$0x1E800] =	vst v63  }
0x62: {  	_ =	swait.ge [sflag:s0], $0x4000  }
0x63: {  	[sflag:s0] =	ssyncset.done $0x0  }
.Ltmp0:
0x64: {  	s15 =	sadd.s32 $0x2800, s14;
	[sflag:s0] =	ssyncadd.s32 $0xFFFFC000;
	(pc) =	sbr.rel @p0 .LBB2_2-.Ltmp0, $4  }
0x65: {  	[spmem:s1] =	stream.indirect.scatter.add.f32 [tilespmem:s30], [sflag:$0x3], $0x80, s15, s29, $0xb8;
	[tilespmem:$0x1E800] =	vst v63  }
0x66: {  	_ =	swait.ge [sflag:s3], $0x4000  }
0x67: {  	[sflag:s3] =	ssyncset.done $0x0  }
0x68: {  	s14 =	sadd.s32 $0x2880, s14;
	[sflag:s3] =	ssyncadd.s32 $0xFFFFC000  }
0x69: {  	[spmem:s1] =	stream.indirect.scatter.add.f32 [tilespmem:s31], [sflag:$0x4], $0x80, s14, s29, $0xb8;
	[tilespmem:$0x1E800] =	vst v63  }
0x6a: {  	_ =	swait.ge [sflag:s9], $0x4000  }
0x6b: {  	[sflag:s9] =	ssyncset.done $0x0  }
0x6c: {  	[sflag:s9] =	ssyncadd.s32 $0xFFFFC000  }
0x6d: {  	_ =	swait.ge [sflag:s10], $0x4000  }
0x6e: {  	[sflag:s10] =	ssyncset.done $0x0  }
0x6f: {  	s13 =	rddreg [dreg:$0x5];
	[sflag:s10] =	ssyncadd.s32 $0xFFFFC000  }
0x70: {  	[tilespmem:s2], [sflag:$0x5] =	stream.linear.gather [hbm4b:s13+s2], $0x1400, $0x38;
	[tilespmem:$0x1E800] =	vst v63  }
0x71: {  	_ =	swait.ge [sflag:s26], $0x1400  }
0x72: {  	[sflag:s26] =	ssyncset.done $0x0  }
0x73: {  	s14 =	rddreg [dreg:$0x6];
	[sflag:s26] =	ssyncadd.s32 $0xFFFFEC00  }
0x74: {  	[tilespmem:s28], [sflag:$0x5] =	stream.linear.gather [hbm4b:s14+s2], $0x1400, $0x38;
	[tilespmem:$0x1E800] =	vst v63  }
0x75: {  	_ =	swait.ge [sflag:s26], $0x1400  }
0x76: {  	[sflag:s26] =	ssyncset.done $0x0  }
0x77: {  	[sflag:s26] =	ssyncadd.s32 $0xFFFFEC00  }
0x78: {  	[tilespmem:s30], [sflag:$0x1] =	stream.indirect.gather [hbm4b:s4+s29], $0x80, s2, s29, $0xb8;
	[tilespmem:$0x1E800] =	vst v63  }
0x79: {  	_ = 	snop  }
0x7a: {  	[tilespmem:s31], [sflag:$0x2] =	stream.indirect.gather [hbm4b:s4+s29], $0x80, s29, s29, $0xb8;
	[tilespmem:$0x1E800] =	vst v63  }
0x7b: {  	_ =	swait.ge [sflag:s0], $0x4000  }
0x7c: {  	[sflag:s0] =	ssyncset.done $0x0  }
0x7d: {  	[sflag:s0] =	ssyncadd.s32 $0xFFFFC000  }
0x7e: {  	[spmem:s1] =	stream.indirect.scatter.add.f32 [tilespmem:s30], [sflag:$0x3], $0x80, s28, s29, $0xb8;
	[tilespmem:$0x1E800] =	vst v63  }
0x7f: {  	_ =	swait.ge [sflag:s3], $0x4000  }
0x80: {  	[sflag:s3] =	ssyncset.done $0x0  }
0x81: {  	[sflag:s3] =	ssyncadd.s32 $0xFFFFC000  }
0x82: {  	[spmem:s1] =	stream.indirect.scatter.add.f32 [tilespmem:s31], [sflag:$0x4], $0x80, s8, s29, $0xb8;
	[tilespmem:$0x1E800] =	vst v63  }
0x83: {  	_ =	swait.ge [sflag:s9], $0x4000  }
0x84: {  	[sflag:s9] =	ssyncset.done $0x0  }
0x85: {  	s15 =	simm.s32 $0x100;
	[sflag:s9] =	ssyncadd.s32 $0xFFFFC000  }
0x86: {  	[tilespmem:s30], [sflag:$0x1] =	stream.indirect.gather [hbm4b:s4+s29], $0x80, s15, s29, $0xb8;
	[tilespmem:$0x1E800] =	vst v63  }
0x87: {  	_ =	swait.ge [sflag:s10], $0x4000  }
0x88: {  	[sflag:s10] =	ssyncset.done $0x0  }
0x89: {  	s14 =	simm.s32 $0x180;
	[sflag:s10] =	ssyncadd.s32 $0xFFFFC000  }
0x8a: {  	[tilespmem:s31], [sflag:$0x2] =	stream.indirect.gather [hbm4b:s4+s29], $0x80, s14, s29, $0xb8;
	[tilespmem:$0x1E800] =	vst v63  }
0x8b: {  	_ =	swait.ge [sflag:s0], $0x4000  }
0x8c: {  	[sflag:s0] =	ssyncset.done $0x0  }
0x8d: {  	s15 =	simm.s32 $0x1500;
	[sflag:s0] =	ssyncadd.s32 $0xFFFFC000  }
0x8e: {  	[spmem:s1] =	stream.indirect.scatter.add.f32 [tilespmem:s30], [sflag:$0x3], $0x80, s15, s29, $0xb8;
	[tilespmem:$0x1E800] =	vst v63  }
0x8f: {  	_ =	swait.ge [sflag:s3], $0x4000  }
0x90: {  	[sflag:s3] =	ssyncset.done $0x0  }
0x91: {  	s13 =	simm.s32 $0xFFFFB800;
	s14 =	simm.s32 $0x1580;
	[sflag:s3] =	ssyncadd.s32 $0xFFFFC000  }
.LBB2_4:
0x92: {  	[spmem:s1] =	stream.indirect.scatter.add.f32 [tilespmem:s31], [sflag:$0x4], $0x80, s14, s29, $0xb8;
	[tilespmem:$0x1E800] =	vst v63  }
0x93: {  	s14 =	smov.u32 s13  }
0x94: {  	p0 =	sne.s32 s13, $0xFFFFFC00;
	s13 =	sadd.s32 $0x400, s13;
	_ =	swait.ge [sflag:s9], $0x4000  }
0x95: {  	s14 =	sshra.s32 s14, $0x2;
	[sflag:s9] =	ssyncset.done $0x0  }
0x96: {  	s15 =	sadd.s32 $0x1400, s14;
	[sflag:s9] =	ssyncadd.s32 $0xFFFFC000  }
0x97: {  	[tilespmem:s30], [sflag:$0x1] =	stream.indirect.gather [hbm4b:s4+s29], $0x80, s15, s29, $0xb8;
	[tilespmem:$0x1E800] =	vst v63  }
0x98: {  	_ =	swait.ge [sflag:s10], $0x4000  }
0x99: {  	[sflag:s10] =	ssyncset.done $0x0  }
0x9a: {  	s15 =	sadd.s32 $0x1480, s14;
	[sflag:s10] =	ssyncadd.s32 $0xFFFFC000  }
0x9b: {  	[tilespmem:s31], [sflag:$0x2] =	stream.indirect.gather [hbm4b:s4+s29], $0x80, s15, s29, $0xb8;
	[tilespmem:$0x1E800] =	vst v63  }
0x9c: {  	_ =	swait.ge [sflag:s0], $0x4000  }
0x9d: {  	[sflag:s0] =	ssyncset.done $0x0  }
.Ltmp1:
0x9e: {  	s15 =	sadd.s32 $0x2800, s14;
	[sflag:s0] =	ssyncadd.s32 $0xFFFFC000;
	(pc) =	sbr.rel @p0 .LBB2_4-.Ltmp1, $4  }
0x9f: {  	[spmem:s1] =	stream.indirect.scatter.add.f32 [tilespmem:s30], [sflag:$0x3], $0x80, s15, s29, $0xb8;
	[tilespmem:$0x1E800] =	vst v63  }
0xa0: {  	_ =	swait.ge [sflag:s3], $0x4000  }
0xa1: {  	[sflag:s3] =	ssyncset.done $0x0  }
0xa2: {  	s14 =	sadd.s32 $0x2880, s14;
	[sflag:s3] =	ssyncadd.s32 $0xFFFFC000  }
0xa3: {  	[spmem:s1] =	stream.indirect.scatter.add.f32 [tilespmem:s31], [sflag:$0x4], $0x80, s14, s29, $0xb8;
	[tilespmem:$0x1E800] =	vst v63  }
0xa4: {  	_ =	swait.ge [sflag:s9], $0x4000  }
0xa5: {  	[sflag:s9] =	ssyncset.done $0x0  }
0xa6: {  	[sflag:s9] =	ssyncadd.s32 $0xFFFFC000  }
0xa7: {  	_ =	swait.ge [sflag:s10], $0x4000  }
0xa8: {  	[sflag:s10] =	ssyncset.done $0x0  }
0xa9: {  	[sflag:s10] =	ssyncadd.s32 $0xFFFFC000  }
0xaa: {  	[bflag:$0x0] =	sbarrier.arrive $0xFFFF  }
0xab: {  	s13 =	rddreg [dreg:$0x7]  }
0xac: {  	[hbm:s13], [sflag:s7] =	dma.local [spmem:s12], $0x800  }
0xad: {  	_ =	swait.ge [sflag:s26], $0x800  }
0xae: {  	[sflag:s26] =	ssyncset.done $0x0  }
0xaf: {  	s13 =	rddreg [dreg:$0x9];
	[sflag:s26] =	ssyncadd.s32 $0xFFFFF800  }
0xb0: {  	[hbm:s13], [sflag:s7] =	dma.local [spmem:s22], $0x800  }
0xb1: {  	_ =	swait.ge [sflag:s26], $0x800  }
0xb2: {  	[sflag:s26] =	ssyncset.done $0x0  }
0xb3: {  	s14 =	rddreg [dreg:$0xa];
	[sflag:s26] =	ssyncadd.s32 $0xFFFFF800  }
0xb4: {  	[hbm:s14], [sflag:s7] =	dma.local [spmem:s23], $0x800  }
0xb5: {  	_ =	swait.ge [sflag:s26], $0x800  }
0xb6: {  	[sflag:s26] =	ssyncset.done $0x0  }
0xb7: {  	[sflag:s26] =	ssyncadd.s32 $0xFFFFF800  }
0xb8: {  	[hbm:s16], [sflag:s7] =	dma.local [spmem:s24], $0x800  }
0xb9: {  	_ =	swait.ge [sflag:s26], $0x800  }
0xba: {  	[sflag:s26] =	ssyncset.done $0x0  }
0xbb: {  	[sflag:s26] =	ssyncadd.s32 $0xFFFFF800  }
0xbc: {  	[hbm:s17], [sflag:s7] =	dma.local [spmem:s25], $0x800  }
0xbd: {  	_ =	swait.ge [sflag:s26], $0x800  }
0xbe: {  	s11 =	sadd.s32 $0x1, s11;
	s15 =	rddreg [dreg:$0x8]  }
0xbf: {  	p0 =	sne.s32 s11, s15  }
.Ltmp2:
0xc0: {  	_ = 	snop;
	(pc) =	sbr.rel @p0 .LBB2_1-.Ltmp2, $3  }
0xc1: {  	_ =	sdelay $0x1  }
0xc2: {  	[sflag:s26] =	ssyncset.done $0x0  }
0xc3: {  	[sflag:s26] =	ssyncadd.s32 $0xFFFFF800  }
0xc4: {  	_ =	sfence.sel $0x180000  }
0xc5: {  	[bflag:$0x0] =	sbarrier.arrive $0xFFFF  }
0xc6: {  	_ =	strace $0x9000004A  }
0xc7: {  	s0 =	stileid.u32;
	[bflag:$0x2] =	sbarrier.arrive $0xFFFF  }
0xc8: {  	p0 =	sne.s32 s0, $0x0;
	s0 =	rddreg [dreg:$0x2]  }
0xc9: {  	s0 =	sadd.s32 @!p0 $0x100000, s0  }
0xca: {  	[sflag:s0] =	ssyncadd.tile.s32 @!p0 $0x1;
	_ =	shalt  }
.Lfunc_end2:
_tile_overlayer_lowered:
.L_overlay_start_2:
0xcb: {  	(tag) =	ssettag $0x2  }
0xcc: {  	s0 =	rddreg [dreg:$0x0];
	s2 =	stileid.u32  }
0xcd: {  	s1 =	rddreg [dreg:$0x1];
	p0 =	sne.s32 s2, $0x0  }
0xce: {  	s3 =	rddreg [dreg:$0x2];
	[bflag:$0x3] =	sbarrier.arrive $0xFFFF;
	s2 =	simm.s32 @!p0 $0x1C05  }
0xcf: {  	[timem:s3], [sflag:s2] =	dma.local @!p0 [hbm:s0], s1  }
0xd0: {  	s0 =	simm.s32 @!p0 $0x5  }
0xd1: {  	_ =	swait.ge @!p0 [sflag:s0], s1  }
0xd2: {  	s1 =	ssub.s32 @!p0 $0x0, s1;
	[sflag:s0] =	ssyncset.done @!p0 $0x0  }
0xd3: {  	[sflag:s0] =	ssyncadd.s32 @!p0 s1  }
0xd4: {  	[bflag:$0x3] =	sbarrier.arrive $0xFFFF  }
0xd5: {  	_ =	shalt  }

// kernel: kernel.15.cloned.1.call-start
scs
__scs_entry_jumppad:
0x0: {  	(pc) =	sbr.rel $0x88, $3  }
0x1: {  	(tag) =	ssettag $0x0;
	lr =	simm.s32 $0x1  }
0x2: {  	[smem:$0x3F90] =	sst lr;
	_ =	strace $0xD0000000  }
0x3: {  	_ = 	snop  }
0x4: {  	_ = 	snop  }
0x5: {  	_ = 	snop  }
0x6: {  	_ = 	snop  }
0x7: {  	_ = 	snop  }
__scs_overlays_trampoline_lowered:
0x8: {  	[smem:$0x3F9F] =	sst s0  }
0x9: {  	[smem:$0x3FA0] =	sst s1  }
0xa: {  	[smem:$0x3FA1] =	sst s2  }
0xb: {  	[smem:$0x3FA2] =	sst s3  }
0xc: {  	[smem:$0x3FA3] =	sst s4  }
0xd: {  	[smem:$0x3FA4] =	sst s5  }
0xe: {  	[smem:$0x3FA5] =	sst s6  }
0xf: {  	[smem:$0x3FA6] =	sst s7  }
0x10: {  	[smem:$0x3FA7] =	sst s8  }
0x11: {  	[smem:$0x3FA8] =	sst s9;
	s0 =	simm.s32 @!p0 $0x0  }
0x12: {  	s1 =	sld [smem:$0x3F8E];
	s0 =	simm.s32 @p0 $0x1  }
0x13: {  	[smem:$0x3FA9] =	sst s0;
	s0 =	simm.s32 @!p1 $0x0  }
0x14: {  	s2 =	sld [smem:$0x3F8D];
	s0 =	simm.s32 @p1 $0x1  }
0x15: {  	[smem:$0x3FAA] =	sst s0;
	s0 =	simm.s32 @!p2 $0x0  }
0x16: {  	s3 =	sld [smem:$0x3FDB];
	s0 =	simm.s32 @p2 $0x1  }
0x17: {  	s4 =	simm.s32 $0x1BF5;
	[smem:$0x3FAC] =	sst s0  }
0x18: {  	s0 =	sld [smem:$0x3F8F];
	_ =	swait.ge [sflag:s4], $0x0  }
0x19: {  	s7 =	sld [smem:$0x3F90]  }
0x1a: {  	s8 =	sadd.s32 $0xFFFFE003, lr  }
0x1b: {  	s9 =	sadd.s32 $0xFFFFFEF7, lr;
	s5 =	simm.s32 $0xFFFFFFFF;
	p2 =	slt.u32 s8, $0xFFFFF086  }
0x1c: {  	p1 =	slt.u32 s9, $0xF7A;
	s5 =	simm.s32 @!p2 $0x0  }
0x1d: {  	s5 =	simm.s32 @p1 $0x1;
	p0 =	seq.s32 s7, s2  }
0x1e: {  	s7 =	smul.u32 @!p0 $0xF7A, s2;
	p2 =	seq.s32 @!p0 s5, $0x0  }
0x1f: {  	s9 =	smul.u32 $0xF7A, s1;
	s8 =	simm.s32 @!p0 $0x1BF5;
	p2 =	por !p2, p0  }
0x20: {  	[sflag:s8] =	ssyncset.s32 @!p0 $0xFFFFF086;
	s6 =	sadd.s32 @!p0 s3, s7;
	s7 =	simm.s32 @!p0 $0x108  }
0x21: {  	s3 =	sadd.s32 s3, s9;
	s6 =	sadd.s32 @!p0 $0x88, s6;
	s7 =	simm.s32 @p2 $0x1082  }
0x22: {  	[simem:s7], [sflag:s8] =	dma.local @!p0 [hbm:s6], $0xF7A  }
0x23: {  	s9 =	sor.u32 $0xD0000000, s2;
	s6 =	simm.s32 $0x108;
	_ =	swait.ge @!p0 [sflag:s8], $0x0  }
0x24: {  	s3 =	sadd.s32 $0x88, s3;
	s6 =	simm.s32 @!p1 $0x1082;
	[sflag:s4] =	ssyncset.s32 $0xFFFFF086  }
0x25: {  	[simem:s6], [sflag:s4] =	dma.local [hbm:s3], $0xF7A  }
0x26: {  	[smem:$0x3F90] =	sst s1;
	(tag) =	ssettag s2;
	_ =	strace s9  }
0x27: {  	s1 =	sld [smem:$0x3FA0]  }
0x28: {  	s2 =	sld [smem:$0x3FA1]  }
0x29: {  	s4 =	sld [smem:$0x3FA3]  }
0x2a: {  	p0 =	seq.s32 s5, $0x0;
	s5 =	sld [smem:$0x3FA4]  }
0x2b: {  	s6 =	sld [smem:$0x3FA5]  }
0x2c: {  	s7 =	sld [smem:$0x3FA6]  }
0x2d: {  	s3 =	simm.s32 $0x108;
	s8 =	sld [smem:$0x3FA7]  }
0x2e: {  	s3 =	simm.s32 @!p0 $0x1082;
	s9 =	sld [smem:$0x3FA8]  }
0x2f: {  	lr =	sadd.s32 s0, s3;
	s0 =	sld [smem:$0x3F9F]  }
0x30: {  	s3 =	sld [smem:$0x3FA2]  }
0x31: {  	[smem:$0x3FAB] =	sst s10  }
0x32: {  	s10 =	sld [smem:$0x3FA9];
	_ =	sdelay $0x3  }
0x33: {  	p0 =	seq.s32 s10, $0x1;
	s10 =	sld [smem:$0x3FAB];
	_ =	sdelay $0x3  }
0x34: {  	[smem:$0x3FAB] =	sst s10  }
0x35: {  	s10 =	sld [smem:$0x3FAA];
	_ =	sdelay $0x3  }
0x36: {  	p1 =	seq.s32 s10, $0x1;
	s10 =	sld [smem:$0x3FAB];
	_ =	sdelay $0x3  }
0x37: {  	[smem:$0x3FAB] =	sst s10  }
0x38: {  	s10 =	sld [smem:$0x3FAC]  }
0x39: {  	_ = 	snop;
	(pc) =	sbr.ind lr, $3  }
0x3a: {  	_ = 	snop  }
0x3b: {  	_ = 	snop  }
0x3c: {  	p2 =	seq.s32 s10, $0x1;
	s10 =	sld [smem:$0x3FAB]  }
0x3d: {  	_ =	shalt  }
0x3e: {  	_ =	shalt  }
0x3f: {  	_ =	shalt  }
0x40: {  	_ =	shalt  }
0x41: {  	_ =	shalt  }
0x42: {  	_ =	shalt  }
0x43: {  	_ =	shalt  }
0x44: {  	_ =	shalt  }
0x45: {  	_ =	shalt  }
0x46: {  	_ =	shalt  }
0x47: {  	_ =	shalt  }
0x48: {  	_ =	shalt  }
0x49: {  	_ =	shalt  }
0x4a: {  	_ =	shalt  }
0x4b: {  	_ =	shalt  }
0x4c: {  	_ =	shalt  }
0x4d: {  	_ =	shalt  }
0x4e: {  	_ =	shalt  }
0x4f: {  	_ =	shalt  }
0x50: {  	_ =	shalt  }
0x51: {  	_ =	shalt  }
0x52: {  	_ =	shalt  }
0x53: {  	_ =	shalt  }
0x54: {  	_ =	shalt  }
0x55: {  	_ =	shalt  }
0x56: {  	_ =	shalt  }
0x57: {  	_ =	shalt  }
0x58: {  	_ =	shalt  }
0x59: {  	_ =	shalt  }
0x5a: {  	_ =	shalt  }
0x5b: {  	_ =	shalt  }
0x5c: {  	_ =	shalt  }
0x5d: {  	_ =	shalt  }
0x5e: {  	_ =	shalt  }
0x5f: {  	_ =	shalt  }
0x60: {  	_ =	shalt  }
0x61: {  	_ =	shalt  }
0x62: {  	_ =	shalt  }
0x63: {  	_ =	shalt  }
0x64: {  	_ =	shalt  }
0x65: {  	_ =	shalt  }
0x66: {  	_ =	shalt  }
0x67: {  	_ =	shalt  }
0x68: {  	_ =	shalt  }
0x69: {  	_ =	shalt  }
0x6a: {  	_ =	shalt  }
0x6b: {  	_ =	shalt  }
0x6c: {  	_ =	shalt  }
0x6d: {  	_ =	shalt  }
0x6e: {  	_ =	shalt  }
0x6f: {  	_ =	shalt  }
0x70: {  	_ =	shalt  }
0x71: {  	_ =	shalt  }
0x72: {  	_ =	shalt  }
0x73: {  	_ =	shalt  }
0x74: {  	_ =	shalt  }
0x75: {  	_ =	shalt  }
0x76: {  	_ =	shalt  }
0x77: {  	_ =	shalt  }
0x78: {  	_ =	shalt  }
0x79: {  	_ =	shalt  }
0x7a: {  	_ =	shalt  }
0x7b: {  	_ =	shalt  }
0x7c: {  	_ =	shalt  }
0x7d: {  	_ =	shalt  }
0x7e: {  	_ =	shalt  }
0x7f: {  	_ =	shalt  }
0x80: {  	_ =	shalt  }
0x81: {  	_ =	shalt  }
0x82: {  	_ =	shalt  }
0x83: {  	_ =	shalt  }
0x84: {  	_ =	shalt  }
0x85: {  	_ =	shalt  }
0x86: {  	_ =	shalt  }
0x87: {  	_ =	shalt  }
.Lfunc_end0:
.L_simem_size_0:
called_computation.2_lowered:
.L_overlay_start_0:
0x88: {  	s2 =	sld [smem:$0x3FD9]  }
0x89: {  	s3 =	sld [smem:$0x3FFE];
	_ =	sdelay $0x1  }
0x8a: {  	s1 =	srdreg.scid  }
0x8b: {  	s0 =	sand.u32 $0x1, s1  }
0x8c: {  	s16 =	sshll.u32 s0, $0xA;
	s2 =	sadd.s32 s3, s2  }
0x8d: {  	s2 =	sadd.s32 s2, s16  }
0x8e: {  	[smem:$0x3FB7] =	sst s2  }
0x8f: {  	_ = 	snop  }
0x90: {  	(tm) =	ssettm $0x1  }
0x91: {  	s17 =	sld [smem:$0x3FFB];
	_ =	sdelay $0x3  }
0x92: {  	_ =	strace s17  }
0x93: {  	s2 =	sld [smem:$0x3FFC];
	_ =	sdelay $0x3  }
0x94: {  	_ =	strace s2  }
0x95: {  	s2 =	sld [smem:$0x3FFD];
	_ =	sdelay $0x3  }
0x96: {  	_ =	strace s2  }
0x97: {  	_ =	strace $0x8FFFFFFF  }
0x98: {  	s18 =	sld [smem:$0x3FDB];
	_ =	sdelay $0x1  }
0x99: {  	s19 =	simm.s32 $_scs_section_size  }
0x9a: {  	s4 =	simm.s32 $_size__tile_overlayer_lowered;
	s5 =	simm.s32 $_tile_overlayer_lowered  }
0x9b: {  	s22 =	simm.s32 $0x1BFF;
	s21 =	sshll.u32 s5, $0x1;
	s2 =	sadd.s32 s19, s18  }
0x9c: {  	s6 =	simm.s32 $0x0;
	s20 =	sshll.u32 s4, $0x1;
	s4 =	sadd.s32 s21, s2  }
0x9d: {  	[timem:s6], [sflag:s22] =	dma.local [hbm:s4], s20  }
0x9e: {  	_ =	swait.ge [sflag:s22], s20  }
0x9f: {  	s3 =	ssub.s32 $0x0, s20;
	[sflag:s22] =	ssyncset.done $0x0  }
0xa0: {  	[sflag:s22] =	ssyncadd.s32 s3;
	_ =	sdelay $0x1  }
0xa1: {  	s23 =	simm.s32 $0x1B8B  }
0xa2: {  	_ =	swait.ge [sflag:s23], $0x1  }
0xa3: {  	[sflag:s23] =	ssyncset.done $0x0  }
0xa4: {  	s25 =	simm.s32 $0x1B8E;
	s24 =	sld [smem:$0x3FFE];
	[sflag:s23] =	ssyncadd.s32 $0xFFFFFFFF  }
0xa5: {  	s26 =	simm.s32 $execute0_lowered;
	[smem:$0x3FD2] =	sst s25  }
0xa6: {  	s4 =	sshll.u32 s26, $0x1;
	_ =	strace $0x8000004C;
	[dreg:$0x1] =	wrdreg $0xFFFFFFFF  }
0xa7: {  	s28 =	simm.s32 $_size_execute0_lowered;
	s2 =	sadd.s32 s2, s4;
	[dreg:$0x0] =	wrdreg $0x0  }
0xa8: {  	s4 =	sshll.u32 s28, $0x1;
	[dreg:$0x2] =	wrdreg s2  }
0xa9: {  	[dreg:$0x3] =	wrdreg s4  }
0xaa: {  	[dreg:$0x4] =	wrdreg $0xC0  }
0xab: {  	_ =	task [dreg:s6], $0x5FFFF  }
0xac: {  	[dreg:$0x1] =	wrdreg $0xFFFFFFFF  }
0xad: {  	[dreg:$0x0] =	wrdreg $0x60  }
0xae: {  	[dreg:$0x2] =	wrdreg s24  }
0xaf: {  	[dreg:$0x3] =	wrdreg $0xA8000  }
0xb0: {  	[dreg:$0x4] =	wrdreg $0x9  }
0xb1: {  	_ =	task.clear_ibuf [dreg:s6], $0x5FFFF;
	_ =	strace $0x9000004C  }
0xb2: {  	s29 =	simm.s32 $0x9;
	_ =	strace $0x8000004E  }
0xb3: {  	_ =	swait.ge [sflag:s29], $0x1  }
0xb4: {  	[sflag:s29] =	ssyncadd.s32 $0xFFFFFFFF  }
0xb5: {  	_ =	strace $0x9000004E  }
0xb6: {  	_ =	sfence  }
0xb7: {  	s30 =	sld [smem:$0x0];
	_ =	sdelay $0x2  }
0xb8: {  	s31 =	sshll.u32 s1, $0xD;
	s1 =	sshrl.u32 s1, $0x2  }
0xb9: {  	s3 =	sand.u32 $0x4000, s31;
	s1 =	sadd.s32 s1, s30  }
0xba: {  	s0 =	sor.u32 s3, s0;
	s1 =	sshll.u32 s1, $0x11  }
0xbb: {  	s0 =	sor.u32 s1, s0  }
0xbc: {  	s0 =	sadd.s32 $0x8F2B, s0  }
0xbd: {  	[sflag:s0] =	ssyncadd.remote.s32 $0x1  }
0xbe: {  	_ =	sfence.sel $0xFFFF  }
0xbf: {  	[dreg:$0x0] =	wrdreg $0xFFFFFFFF;
	(pc) =	sbr.abs _section_cstart, $3  }
0xc0: {  	[dreg:$0x1] =	wrdreg $0xFFFFFFFF  }
0xc1: {  	_ =	task.clear_ibuf [dreg:s6], $0x2FFFF;
	_ =	strace $0x9FFFFFFF  }
0xc2: {  	(tm) =	ssettm $0x7FFFFFFF  }
0xc3: {  	_ =	shalt  }
tec
execute0_lowered:
.L_overlay_start_1:
0x0: {  	(tag) =	ssettag $0x1  }
0x1: {  	s0 =	rddreg [dreg:$0x0]  }
0x2: {  	s1 =	rddreg [dreg:$0x1];
	s2 =	simm.s32 $0x0  }
0x3: {  	s6 =	srdreg.scid;
	s14 =	stileid.u32;
	s28 =	simm.s32 $0x1400  }
0x4: {  	s29 =	simm.s32 $0x80;
	s30 =	simm.s32 $0x2800;
	s31 =	simm.s32 $0x6800  }
0x5: {  	[smem:$0x7FF] =	sst s2;
	s4 =	sadd.s32 $0x18400, s0;
	s3 =	sadd.s32 $0xDC00, s0  }
0x6: {  	s8 =	sadd.s32 $0x3C00, s0;
	s5 =	sadd.s32 $0x17C00, s0;
	s6 =	sand.u32 $0x1, s6  }
0x7: {  	s7 =	sshll.u32 s14, $0x1;
	s10 =	smul.u32 $0x50000, s14;
	s0 =	sadd.s32 $0x3F600, s0  }
0x8: {  	s12 =	sshll.u32 s14, $0x6;
	s14 =	smul.u32 $0x14000, s14;
	s9 =	ssub.s32 $0x2, s6  }
0x9: {  	_ =	strace $0x8000004D;
	s7 =	sor.u32 s6, s7;
	s11 =	sshrl.u32 s9, $0x1  }
0xa: {  	s7 =	smul.u32 $0x2800, s7;
	s10 =	sshrl.u32 s10, $0x2;
	s21 =	sadd.s32 $0x8000, s14  }
0xb: {  	s22 =	sadd.s32 $0xC000, s14;
	s9 =	ssub.s32 s9, s11;
	s11 =	smul.u32 $0x140000, s6  }
0xc: {  	s6 =	sadd.s32 s10, s1;
	s10 =	simm.s32 $0x4;
	s13 =	sshrl.u32 s7, $0x3  }
0xd: {  	s7 =	sor.u32 $0x1C05, s12;
	s17 =	smax.u32 s9, $0x1;
	s18 =	sadd.s32 $0x4000, s6  }
0xe: {  	s19 =	sadd.s32 $0x8000, s6;
	s20 =	sadd.s32 $0xC000, s6;
	s9 =	simm.s32 $0x3  }
0xf: {  	s23 =	sadd.s32 s3, s13;
	s24 =	sadd.s32 s8, s13;
	s25 =	sadd.s32 $0x280, s13  }
0x10: {  	s26 =	sadd.s32 s11, s14;
	s13 =	sadd.s32 $0x4000, s14;
	[dreg:$0x8] =	wrdreg s17  }
0x11: {  	s14 =	sadd.s32 $0x10000, s14;
	s15 =	sadd.s32 s11, s21;
	s18 =	sshrl.u32 s18, $0x3  }
0x12: {  	s19 =	sshrl.u32 s19, $0x3;
	s20 =	sshrl.u32 s20, $0x3;
	[dreg:$0x3] =	wrdreg s23  }
0x13: {  	[dreg:$0x4] =	wrdreg s24;
	s3 =	sadd.s32 s3, s25;
	s12 =	sshrl.u32 s26, $0x3  }
0x14: {  	s8 =	sadd.s32 s8, s25;
	s16 =	sadd.s32 s11, s13;
	s15 =	sshrl.u32 s15, $0x3  }
0x15: {  	s23 =	sadd.s32 $0x10000, s6;
	s24 =	sadd.s32 s13, s1;
	[dreg:$0x5] =	wrdreg s3  }
0x16: {  	s25 =	sadd.s32 s22, s1;
	s26 =	sadd.s32 s14, s1;
	[dreg:$0x6] =	wrdreg s8  }
0x17: {  	s3 =	sadd.s32 s0, s12;
	s15 =	sadd.s32 s0, s15;
	s8 =	simm.s32 $0x1480  }
0x18: {  	[dreg:$0x7] =	wrdreg s3;
	s3 =	sshrl.u32 s16, $0x3;
	s16 =	sadd.s32 s11, s22  }
0x19: {  	s11 =	sadd.s32 s11, s14;
	[dreg:$0xa] =	wrdreg s15;
	s22 =	sshrl.u32 s24, $0x3  }
0x1a: {  	s24 =	sshrl.u32 s25, $0x3;
	s25 =	sshrl.u32 s26, $0x3;
	s26 =	simm.s32 $0x5  }
0x1b: {  	s3 =	sadd.s32 s0, s3;
	s16 =	sshrl.u32 s16, $0x3;
	s11 =	sshrl.u32 s11, $0x3  }
0x1c: {  	[dreg:$0x9] =	wrdreg s3;
	s16 =	sadd.s32 s0, s16;
	s17 =	sadd.s32 s0, s11  }
0x1d: {  	s3 =	sadd.s32 s21, s1;
	s21 =	sshrl.u32 s23, $0x3;
	s0 =	simm.s32 $0x1  }
0x1e: {  	s11 =	simm.s32 $0x0;
	s23 =	sshrl.u32 s3, $0x3;
	s3 =	simm.s32 $0x2  }
.LBB2_1:
0x1f: {  	s12 =	sshrl.u32 s6, $0x3  }
0x20: {  	[spmem:s12], [sflag:s7] =	dma.local [hbm:s5], $0x800  }
0x21: {  	_ =	swait.ge [sflag:s26], $0x800  }
0x22: {  	[sflag:s26] =	ssyncset.done $0x0  }
0x23: {  	[sflag:s26] =	ssyncadd.s32 $0xFFFFF800  }
0x24: {  	[spmem:s18], [sflag:s7] =	dma.local [hbm:s5], $0x800  }
0x25: {  	_ =	swait.ge [sflag:s26], $0x800  }
0x26: {  	[sflag:s26] =	ssyncset.done $0x0  }
0x27: {  	[sflag:s26] =	ssyncadd.s32 $0xFFFFF800  }
0x28: {  	[spmem:s19], [sflag:s7] =	dma.local [hbm:s5], $0x800  }
0x29: {  	_ =	swait.ge [sflag:s26], $0x800  }
0x2a: {  	[sflag:s26] =	ssyncset.done $0x0  }
0x2b: {  	[sflag:s26] =	ssyncadd.s32 $0xFFFFF800  }
0x2c: {  	[spmem:s20], [sflag:s7] =	dma.local [hbm:s5], $0x800  }
0x2d: {  	_ =	swait.ge [sflag:s26], $0x800  }
0x2e: {  	[sflag:s26] =	ssyncset.done $0x0  }
0x2f: {  	[sflag:s26] =	ssyncadd.s32 $0xFFFFF800  }
0x30: {  	[spmem:s21], [sflag:s7] =	dma.local [hbm:s5], $0x800  }
0x31: {  	_ =	swait.ge [sflag:s26], $0x800  }
0x32: {  	[sflag:s26] =	ssyncset.done $0x0  }
0x33: {  	[sflag:s26] =	ssyncadd.s32 $0xFFFFF800  }
0x34: {  	[bflag:$0x0] =	sbarrier.arrive $0xFFFF  }
0x35: {  	s13 =	rddreg [dreg:$0x3]  }
0x36: {  	[tilespmem:s2], [sflag:$0x5] =	stream.linear.gather [hbm4b:s13+s2], $0x1400, $0x38;
	[tilespmem:$0x1E800] =	vst v63  }
0x37: {  	_ =	swait.ge [sflag:s26], $0x1400  }
0x38: {  	[sflag:s26] =	ssyncset.done $0x0  }
0x39: {  	s14 =	rddreg [dreg:$0x4];
	[sflag:s26] =	ssyncadd.s32 $0xFFFFEC00  }
0x3a: {  	[tilespmem:s28], [sflag:$0x5] =	stream.linear.gather [hbm4b:s14+s2], $0x1400, $0x38;
	[tilespmem:$0x1E800] =	vst v63  }
0x3b: {  	_ =	swait.ge [sflag:s26], $0x1400  }
0x3c: {  	[sflag:s26] =	ssyncset.done $0x0  }
0x3d: {  	[sflag:s26] =	ssyncadd.s32 $0xFFFFEC00  }
0x3e: {  	[tilespmem:s30], [sflag:$0x1] =	stream.indirect.gather [hbm4b:s4+s29], $0x80, s2, s29, $0xb8;
	[tilespmem:$0x1E800] =	vst v63  }
0x3f: {  	_ = 	snop  }
0x40: {  	[tilespmem:s31], [sflag:$0x2] =	stream.indirect.gather [hbm4b:s4+s29], $0x80, s29, s29, $0xb8;
	[tilespmem:$0x1E800] =	vst v63  }
0x41: {  	_ =	swait.ge [sflag:s0], $0x4000  }
0x42: {  	[sflag:s0] =	ssyncset.done $0x0  }
0x43: {  	[sflag:s0] =	ssyncadd.s32 $0xFFFFC000  }
0x44: {  	[spmem:s1] =	stream.indirect.scatter.add.f32 [tilespmem:s30], [sflag:$0x3], $0x80, s28, s29, $0xb8;
	[tilespmem:$0x1E800] =	vst v63  }
0x45: {  	_ =	swait.ge [sflag:s3], $0x4000  }
0x46: {  	[sflag:s3] =	ssyncset.done $0x0  }
0x47: {  	[sflag:s3] =	ssyncadd.s32 $0xFFFFC000  }
0x48: {  	[spmem:s1] =	stream.indirect.scatter.add.f32 [tilespmem:s31], [sflag:$0x4], $0x80, s8, s29, $0xb8;
	[tilespmem:$0x1E800] =	vst v63  }
0x49: {  	_ =	swait.ge [sflag:s9], $0x4000  }
0x4a: {  	[sflag:s9] =	ssyncset.done $0x0  }
0x4b: {  	s15 =	simm.s32 $0x100;
	[sflag:s9] =	ssyncadd.s32 $0xFFFFC000  }
0x4c: {  	[tilespmem:s30], [sflag:$0x1] =	stream.indirect.gather [hbm4b:s4+s29], $0x80, s15, s29, $0xb8;
	[tilespmem:$0x1E800] =	vst v63  }
0x4d: {  	_ =	swait.ge [sflag:s10], $0x4000  }
0x4e: {  	[sflag:s10] =	ssyncset.done $0x0  }
0x4f: {  	s14 =	simm.s32 $0x180;
	[sflag:s10] =	ssyncadd.s32 $0xFFFFC000  }
0x50: {  	[tilespmem:s31], [sflag:$0x2] =	stream.indirect.gather [hbm4b:s4+s29], $0x80, s14, s29, $0xb8;
	[tilespmem:$0x1E800] =	vst v63  }
0x51: {  	_ =	swait.ge [sflag:s0], $0x4000  }
0x52: {  	[sflag:s0] =	ssyncset.done $0x0  }
0x53: {  	s15 =	simm.s32 $0x1500;
	[sflag:s0] =	ssyncadd.s32 $0xFFFFC000  }
0x54: {  	[spmem:s1] =	stream.indirect.scatter.add.f32 [tilespmem:s30], [sflag:$0x3], $0x80, s15, s29, $0xb8;
	[tilespmem:$0x1E800] =	vst v63  }
0x55: {  	_ =	swait.ge [sflag:s3], $0x4000  }
0x56: {  	[sflag:s3] =	ssyncset.done $0x0  }
0x57: {  	s13 =	simm.s32 $0xFFFFB800;
	s14 =	simm.s32 $0x1580;
	[sflag:s3] =	ssyncadd.s32 $0xFFFFC000  }
.LBB2_2:
0x58: {  	[spmem:s1] =	stream.indirect.scatter.add.f32 [tilespmem:s31], [sflag:$0x4], $0x80, s14, s29, $0xb8;
	[tilespmem:$0x1E800] =	vst v63  }
0x59: {  	s14 =	smov.u32 s13  }
0x5a: {  	p0 =	sne.s32 s13, $0xFFFFFC00;
	s13 =	sadd.s32 $0x400, s13;
	_ =	swait.ge [sflag:s9], $0x4000  }
0x5b: {  	s14 =	sshra.s32 s14, $0x2;
	[sflag:s9] =	ssyncset.done $0x0  }
0x5c: {  	s15 =	sadd.s32 $0x1400, s14;
	[sflag:s9] =	ssyncadd.s32 $0xFFFFC000  }
0x5d: {  	[tilespmem:s30], [sflag:$0x1] =	stream.indirect.gather [hbm4b:s4+s29], $0x80, s15, s29, $0xb8;
	[tilespmem:$0x1E800] =	vst v63  }
0x5e: {  	_ =	swait.ge [sflag:s10], $0x4000  }
0x5f: {  	[sflag:s10] =	ssyncset.done $0x0  }
0x60: {  	s15 =	sadd.s32 $0x1480, s14;
	[sflag:s10] =	ssyncadd.s32 $0xFFFFC000  }
0x61: {  	[tilespmem:s31], [sflag:$0x2] =	stream.indirect.gather [hbm4b:s4+s29], $0x80, s15, s29, $0xb8;
	[tilespmem:$0x1E800] =	vst v63  }
0x62: {  	_ =	swait.ge [sflag:s0], $0x4000  }
0x63: {  	[sflag:s0] =	ssyncset.done $0x0  }
.Ltmp0:
0x64: {  	s15 =	sadd.s32 $0x2800, s14;
	[sflag:s0] =	ssyncadd.s32 $0xFFFFC000;
	(pc) =	sbr.rel @p0 .LBB2_2-.Ltmp0, $4  }
0x65: {  	[spmem:s1] =	stream.indirect.scatter.add.f32 [tilespmem:s30], [sflag:$0x3], $0x80, s15, s29, $0xb8;
	[tilespmem:$0x1E800] =	vst v63  }
0x66: {  	_ =	swait.ge [sflag:s3], $0x4000  }
0x67: {  	[sflag:s3] =	ssyncset.done $0x0  }
0x68: {  	s14 =	sadd.s32 $0x2880, s14;
	[sflag:s3] =	ssyncadd.s32 $0xFFFFC000  }
0x69: {  	[spmem:s1] =	stream.indirect.scatter.add.f32 [tilespmem:s31], [sflag:$0x4], $0x80, s14, s29, $0xb8;
	[tilespmem:$0x1E800] =	vst v63  }
0x6a: {  	_ =	swait.ge [sflag:s9], $0x4000  }
0x6b: {  	[sflag:s9] =	ssyncset.done $0x0  }
0x6c: {  	[sflag:s9] =	ssyncadd.s32 $0xFFFFC000  }
0x6d: {  	_ =	swait.ge [sflag:s10], $0x4000  }
0x6e: {  	[sflag:s10] =	ssyncset.done $0x0  }
0x6f: {  	s13 =	rddreg [dreg:$0x5];
	[sflag:s10] =	ssyncadd.s32 $0xFFFFC000  }
0x70: {  	[tilespmem:s2], [sflag:$0x5] =	stream.linear.gather [hbm4b:s13+s2], $0x1400, $0x38;
	[tilespmem:$0x1E800] =	vst v63  }
0x71: {  	_ =	swait.ge [sflag:s26], $0x1400  }
0x72: {  	[sflag:s26] =	ssyncset.done $0x0  }
0x73: {  	s14 =	rddreg [dreg:$0x6];
	[sflag:s26] =	ssyncadd.s32 $0xFFFFEC00  }
0x74: {  	[tilespmem:s28], [sflag:$0x5] =	stream.linear.gather [hbm4b:s14+s2], $0x1400, $0x38;
	[tilespmem:$0x1E800] =	vst v63  }
0x75: {  	_ =	swait.ge [sflag:s26], $0x1400  }
0x76: {  	[sflag:s26] =	ssyncset.done $0x0  }
0x77: {  	[sflag:s26] =	ssyncadd.s32 $0xFFFFEC00  }
0x78: {  	[tilespmem:s30], [sflag:$0x1] =	stream.indirect.gather [hbm4b:s4+s29], $0x80, s2, s29, $0xb8;
	[tilespmem:$0x1E800] =	vst v63  }
0x79: {  	_ = 	snop  }
0x7a: {  	[tilespmem:s31], [sflag:$0x2] =	stream.indirect.gather [hbm4b:s4+s29], $0x80, s29, s29, $0xb8;
	[tilespmem:$0x1E800] =	vst v63  }
0x7b: {  	_ =	swait.ge [sflag:s0], $0x4000  }
0x7c: {  	[sflag:s0] =	ssyncset.done $0x0  }
0x7d: {  	[sflag:s0] =	ssyncadd.s32 $0xFFFFC000  }
0x7e: {  	[spmem:s1] =	stream.indirect.scatter.add.f32 [tilespmem:s30], [sflag:$0x3], $0x80, s28, s29, $0xb8;
	[tilespmem:$0x1E800] =	vst v63  }
0x7f: {  	_ =	swait.ge [sflag:s3], $0x4000  }
0x80: {  	[sflag:s3] =	ssyncset.done $0x0  }
0x81: {  	[sflag:s3] =	ssyncadd.s32 $0xFFFFC000  }
0x82: {  	[spmem:s1] =	stream.indirect.scatter.add.f32 [tilespmem:s31], [sflag:$0x4], $0x80, s8, s29, $0xb8;
	[tilespmem:$0x1E800] =	vst v63  }
0x83: {  	_ =	swait.ge [sflag:s9], $0x4000  }
0x84: {  	[sflag:s9] =	ssyncset.done $0x0  }
0x85: {  	s15 =	simm.s32 $0x100;
	[sflag:s9] =	ssyncadd.s32 $0xFFFFC000  }
0x86: {  	[tilespmem:s30], [sflag:$0x1] =	stream.indirect.gather [hbm4b:s4+s29], $0x80, s15, s29, $0xb8;
	[tilespmem:$0x1E800] =	vst v63  }
0x87: {  	_ =	swait.ge [sflag:s10], $0x4000  }
0x88: {  	[sflag:s10] =	ssyncset.done $0x0  }
0x89: {  	s14 =	simm.s32 $0x180;
	[sflag:s10] =	ssyncadd.s32 $0xFFFFC000  }
0x8a: {  	[tilespmem:s31], [sflag:$0x2] =	stream.indirect.gather [hbm4b:s4+s29], $0x80, s14, s29, $0xb8;
	[tilespmem:$0x1E800] =	vst v63  }
0x8b: {  	_ =	swait.ge [sflag:s0], $0x4000  }
0x8c: {  	[sflag:s0] =	ssyncset.done $0x0  }
0x8d: {  	s15 =	simm.s32 $0x1500;
	[sflag:s0] =	ssyncadd.s32 $0xFFFFC000  }
0x8e: {  	[spmem:s1] =	stream.indirect.scatter.add.f32 [tilespmem:s30], [sflag:$0x3], $0x80, s15, s29, $0xb8;
	[tilespmem:$0x1E800] =	vst v63  }
0x8f: {  	_ =	swait.ge [sflag:s3], $0x4000  }
0x90: {  	[sflag:s3] =	ssyncset.done $0x0  }
0x91: {  	s13 =	simm.s32 $0xFFFFB800;
	s14 =	simm.s32 $0x1580;
	[sflag:s3] =	ssyncadd.s32 $0xFFFFC000  }
.LBB2_4:
0x92: {  	[spmem:s1] =	stream.indirect.scatter.add.f32 [tilespmem:s31], [sflag:$0x4], $0x80, s14, s29, $0xb8;
	[tilespmem:$0x1E800] =	vst v63  }
0x93: {  	s14 =	smov.u32 s13  }
0x94: {  	p0 =	sne.s32 s13, $0xFFFFFC00;
	s13 =	sadd.s32 $0x400, s13;
	_ =	swait.ge [sflag:s9], $0x4000  }
0x95: {  	s14 =	sshra.s32 s14, $0x2;
	[sflag:s9] =	ssyncset.done $0x0  }
0x96: {  	s15 =	sadd.s32 $0x1400, s14;
	[sflag:s9] =	ssyncadd.s32 $0xFFFFC000  }
0x97: {  	[tilespmem:s30], [sflag:$0x1] =	stream.indirect.gather [hbm4b:s4+s29], $0x80, s15, s29, $0xb8;
	[tilespmem:$0x1E800] =	vst v63  }
0x98: {  	_ =	swait.ge [sflag:s10], $0x4000  }
0x99: {  	[sflag:s10] =	ssyncset.done $0x0  }
0x9a: {  	s15 =	sadd.s32 $0x1480, s14;
	[sflag:s10] =	ssyncadd.s32 $0xFFFFC000  }
0x9b: {  	[tilespmem:s31], [sflag:$0x2] =	stream.indirect.gather [hbm4b:s4+s29], $0x80, s15, s29, $0xb8;
	[tilespmem:$0x1E800] =	vst v63  }
0x9c: {  	_ =	swait.ge [sflag:s0], $0x4000  }
0x9d: {  	[sflag:s0] =	ssyncset.done $0x0  }
.Ltmp1:
0x9e: {  	s15 =	sadd.s32 $0x2800, s14;
	[sflag:s0] =	ssyncadd.s32 $0xFFFFC000;
	(pc) =	sbr.rel @p0 .LBB2_4-.Ltmp1, $4  }
0x9f: {  	[spmem:s1] =	stream.indirect.scatter.add.f32 [tilespmem:s30], [sflag:$0x3], $0x80, s15, s29, $0xb8;
	[tilespmem:$0x1E800] =	vst v63  }
0xa0: {  	_ =	swait.ge [sflag:s3], $0x4000  }
0xa1: {  	[sflag:s3] =	ssyncset.done $0x0  }
0xa2: {  	s14 =	sadd.s32 $0x2880, s14;
	[sflag:s3] =	ssyncadd.s32 $0xFFFFC000  }
0xa3: {  	[spmem:s1] =	stream.indirect.scatter.add.f32 [tilespmem:s31], [sflag:$0x4], $0x80, s14, s29, $0xb8;
	[tilespmem:$0x1E800] =	vst v63  }
0xa4: {  	_ =	swait.ge [sflag:s9], $0x4000  }
0xa5: {  	[sflag:s9] =	ssyncset.done $0x0  }
0xa6: {  	[sflag:s9] =	ssyncadd.s32 $0xFFFFC000  }
0xa7: {  	_ =	swait.ge [sflag:s10], $0x4000  }
0xa8: {  	[sflag:s10] =	ssyncset.done $0x0  }
0xa9: {  	[sflag:s10] =	ssyncadd.s32 $0xFFFFC000  }
0xaa: {  	[bflag:$0x0] =	sbarrier.arrive $0xFFFF  }
0xab: {  	s13 =	rddreg [dreg:$0x7]  }
0xac: {  	[hbm:s13], [sflag:s7] =	dma.local [spmem:s12], $0x800  }
0xad: {  	_ =	swait.ge [sflag:s26], $0x800  }
0xae: {  	[sflag:s26] =	ssyncset.done $0x0  }
0xaf: {  	s13 =	rddreg [dreg:$0x9];
	[sflag:s26] =	ssyncadd.s32 $0xFFFFF800  }
0xb0: {  	[hbm:s13], [sflag:s7] =	dma.local [spmem:s22], $0x800  }
0xb1: {  	_ =	swait.ge [sflag:s26], $0x800  }
0xb2: {  	[sflag:s26] =	ssyncset.done $0x0  }
0xb3: {  	s14 =	rddreg [dreg:$0xa];
	[sflag:s26] =	ssyncadd.s32 $0xFFFFF800  }
0xb4: {  	[hbm:s14], [sflag:s7] =	dma.local [spmem:s23], $0x800  }
0xb5: {  	_ =	swait.ge [sflag:s26], $0x800  }
0xb6: {  	[sflag:s26] =	ssyncset.done $0x0  }
0xb7: {  	[sflag:s26] =	ssyncadd.s32 $0xFFFFF800  }
0xb8: {  	[hbm:s16], [sflag:s7] =	dma.local [spmem:s24], $0x800  }
0xb9: {  	_ =	swait.ge [sflag:s26], $0x800  }
0xba: {  	[sflag:s26] =	ssyncset.done $0x0  }
0xbb: {  	[sflag:s26] =	ssyncadd.s32 $0xFFFFF800  }
0xbc: {  	[hbm:s17], [sflag:s7] =	dma.local [spmem:s25], $0x800  }
0xbd: {  	_ =	swait.ge [sflag:s26], $0x800  }
0xbe: {  	s11 =	sadd.s32 $0x1, s11;
	s15 =	rddreg [dreg:$0x8]  }
0xbf: {  	p0 =	sne.s32 s11, s15  }
.Ltmp2:
0xc0: {  	_ = 	snop;
	(pc) =	sbr.rel @p0 .LBB2_1-.Ltmp2, $3  }
0xc1: {  	_ =	sdelay $0x1  }
0xc2: {  	[sflag:s26] =	ssyncset.done $0x0  }
0xc3: {  	[sflag:s26] =	ssyncadd.s32 $0xFFFFF800  }
0xc4: {  	_ =	sfence.sel $0x180000  }
0xc5: {  	[bflag:$0x0] =	sbarrier.arrive $0xFFFF  }
0xc6: {  	_ =	strace $0x9000004D  }
0xc7: {  	s0 =	stileid.u32;
	[bflag:$0x2] =	sbarrier.arrive $0xFFFF  }
0xc8: {  	p0 =	sne.s32 s0, $0x0;
	s0 =	rddreg [dreg:$0x2]  }
0xc9: {  	s0 =	sadd.s32 @!p0 $0x100000, s0  }
0xca: {  	[sflag:s0] =	ssyncadd.tile.s32 @!p0 $0x1;
	_ =	shalt  }
.Lfunc_end2:
_tile_overlayer_lowered:
.L_overlay_start_2:
0xcb: {  	(tag) =	ssettag $0x2  }
0xcc: {  	s0 =	rddreg [dreg:$0x0];
	s2 =	stileid.u32  }
0xcd: {  	s1 =	rddreg [dreg:$0x1];
	p0 =	sne.s32 s2, $0x0  }
0xce: {  	s3 =	rddreg [dreg:$0x2];
	[bflag:$0x3] =	sbarrier.arrive $0xFFFF;
	s2 =	simm.s32 @!p0 $0x1C05  }
0xcf: {  	[timem:s3], [sflag:s2] =	dma.local @!p0 [hbm:s0], s1  }
0xd0: {  	s0 =	simm.s32 @!p0 $0x5  }
0xd1: {  	_ =	swait.ge @!p0 [sflag:s0], s1  }
0xd2: {  	s1 =	ssub.s32 @!p0 $0x0, s1;
	[sflag:s0] =	ssyncset.done @!p0 $0x0  }
0xd3: {  	[sflag:s0] =	ssyncadd.s32 @!p0 s1  }
0xd4: {  	[bflag:$0x3] =	sbarrier.arrive $0xFFFF  }
0xd5: {  	_ =	shalt  }

// kernel: kernel.9.cloned.1.call-start
scs
__scs_entry_jumppad:
0x0: {  	(pc) =	sbr.rel $0x88, $3  }
0x1: {  	(tag) =	ssettag $0x0;
	lr =	simm.s32 $0x1  }
0x2: {  	[smem:$0x3F90] =	sst lr;
	_ =	strace $0xD0000000  }
0x3: {  	_ = 	snop  }
0x4: {  	_ = 	snop  }
0x5: {  	_ = 	snop  }
0x6: {  	_ = 	snop  }
0x7: {  	_ = 	snop  }
__scs_overlays_trampoline_lowered:
0x8: {  	[smem:$0x3F9F] =	sst s0  }
0x9: {  	[smem:$0x3FA0] =	sst s1  }
0xa: {  	[smem:$0x3FA1] =	sst s2  }
0xb: {  	[smem:$0x3FA2] =	sst s3  }
0xc: {  	[smem:$0x3FA3] =	sst s4  }
0xd: {  	[smem:$0x3FA4] =	sst s5  }
0xe: {  	[smem:$0x3FA5] =	sst s6  }
0xf: {  	[smem:$0x3FA6] =	sst s7  }
0x10: {  	[smem:$0x3FA7] =	sst s8  }
0x11: {  	[smem:$0x3FA8] =	sst s9;
	s0 =	simm.s32 @!p0 $0x0  }
0x12: {  	s1 =	sld [smem:$0x3F8E];
	s0 =	simm.s32 @p0 $0x1  }
0x13: {  	[smem:$0x3FA9] =	sst s0;
	s0 =	simm.s32 @!p1 $0x0  }
0x14: {  	s2 =	sld [smem:$0x3F8D];
	s0 =	simm.s32 @p1 $0x1  }
0x15: {  	[smem:$0x3FAA] =	sst s0;
	s0 =	simm.s32 @!p2 $0x0  }
0x16: {  	s3 =	sld [smem:$0x3FDB];
	s0 =	simm.s32 @p2 $0x1  }
0x17: {  	s4 =	simm.s32 $0x1BF5;
	[smem:$0x3FAC] =	sst s0  }
0x18: {  	s0 =	sld [smem:$0x3F8F];
	_ =	swait.ge [sflag:s4], $0x0  }
0x19: {  	s7 =	sld [smem:$0x3F90]  }
0x1a: {  	s8 =	sadd.s32 $0xFFFFE003, lr  }
0x1b: {  	s9 =	sadd.s32 $0xFFFFFEF7, lr;
	s5 =	simm.s32 $0xFFFFFFFF;
	p2 =	slt.u32 s8, $0xFFFFF086  }
0x1c: {  	p1 =	slt.u32 s9, $0xF7A;
	s5 =	simm.s32 @!p2 $0x0  }
0x1d: {  	s5 =	simm.s32 @p1 $0x1;
	p0 =	seq.s32 s7, s2  }
0x1e: {  	s7 =	smul.u32 @!p0 $0xF7A, s2;
	p2 =	seq.s32 @!p0 s5, $0x0  }
0x1f: {  	s9 =	smul.u32 $0xF7A, s1;
	s8 =	simm.s32 @!p0 $0x1BF5;
	p2 =	por !p2, p0  }
0x20: {  	[sflag:s8] =	ssyncset.s32 @!p0 $0xFFFFF086;
	s6 =	sadd.s32 @!p0 s3, s7;
	s7 =	simm.s32 @!p0 $0x108  }
0x21: {  	s3 =	sadd.s32 s3, s9;
	s6 =	sadd.s32 @!p0 $0x88, s6;
	s7 =	simm.s32 @p2 $0x1082  }
0x22: {  	[simem:s7], [sflag:s8] =	dma.local @!p0 [hbm:s6], $0xF7A  }
0x23: {  	s9 =	sor.u32 $0xD0000000, s2;
	s6 =	simm.s32 $0x108;
	_ =	swait.ge @!p0 [sflag:s8], $0x0  }
0x24: {  	s3 =	sadd.s32 $0x88, s3;
	s6 =	simm.s32 @!p1 $0x1082;
	[sflag:s4] =	ssyncset.s32 $0xFFFFF086  }
0x25: {  	[simem:s6], [sflag:s4] =	dma.local [hbm:s3], $0xF7A  }
0x26: {  	[smem:$0x3F90] =	sst s1;
	(tag) =	ssettag s2;
	_ =	strace s9  }
0x27: {  	s1 =	sld [smem:$0x3FA0]  }
0x28: {  	s2 =	sld [smem:$0x3FA1]  }
0x29: {  	s4 =	sld [smem:$0x3FA3]  }
0x2a: {  	p0 =	seq.s32 s5, $0x0;
	s5 =	sld [smem:$0x3FA4]  }
0x2b: {  	s6 =	sld [smem:$0x3FA5]  }
0x2c: {  	s7 =	sld [smem:$0x3FA6]  }
0x2d: {  	s3 =	simm.s32 $0x108;
	s8 =	sld [smem:$0x3FA7]  }
0x2e: {  	s3 =	simm.s32 @!p0 $0x1082;
	s9 =	sld [smem:$0x3FA8]  }
0x2f: {  	lr =	sadd.s32 s0, s3;
	s0 =	sld [smem:$0x3F9F]  }
0x30: {  	s3 =	sld [smem:$0x3FA2]  }
0x31: {  	[smem:$0x3FAB] =	sst s10  }
0x32: {  	s10 =	sld [smem:$0x3FA9];
	_ =	sdelay $0x3  }
0x33: {  	p0 =	seq.s32 s10, $0x1;
	s10 =	sld [smem:$0x3FAB];
	_ =	sdelay $0x3  }
0x34: {  	[smem:$0x3FAB] =	sst s10  }
0x35: {  	s10 =	sld [smem:$0x3FAA];
	_ =	sdelay $0x3  }
0x36: {  	p1 =	seq.s32 s10, $0x1;
	s10 =	sld [smem:$0x3FAB];
	_ =	sdelay $0x3  }
0x37: {  	[smem:$0x3FAB] =	sst s10  }
0x38: {  	s10 =	sld [smem:$0x3FAC]  }
0x39: {  	_ = 	snop;
	(pc) =	sbr.ind lr, $3  }
0x3a: {  	_ = 	snop  }
0x3b: {  	_ = 	snop  }
0x3c: {  	p2 =	seq.s32 s10, $0x1;
	s10 =	sld [smem:$0x3FAB]  }
0x3d: {  	_ =	shalt  }
0x3e: {  	_ =	shalt  }
0x3f: {  	_ =	shalt  }
0x40: {  	_ =	shalt  }
0x41: {  	_ =	shalt  }
0x42: {  	_ =	shalt  }
0x43: {  	_ =	shalt  }
0x44: {  	_ =	shalt  }
0x45: {  	_ =	shalt  }
0x46: {  	_ =	shalt  }
0x47: {  	_ =	shalt  }
0x48: {  	_ =	shalt  }
0x49: {  	_ =	shalt  }
0x4a: {  	_ =	shalt  }
0x4b: {  	_ =	shalt  }
0x4c: {  	_ =	shalt  }
0x4d: {  	_ =	shalt  }
0x4e: {  	_ =	shalt  }
0x4f: {  	_ =	shalt  }
0x50: {  	_ =	shalt  }
0x51: {  	_ =	shalt  }
0x52: {  	_ =	shalt  }
0x53: {  	_ =	shalt  }
0x54: {  	_ =	shalt  }
0x55: {  	_ =	shalt  }
0x56: {  	_ =	shalt  }
0x57: {  	_ =	shalt  }
0x58: {  	_ =	shalt  }
0x59: {  	_ =	shalt  }
0x5a: {  	_ =	shalt  }
0x5b: {  	_ =	shalt  }
0x5c: {  	_ =	shalt  }
0x5d: {  	_ =	shalt  }
0x5e: {  	_ =	shalt  }
0x5f: {  	_ =	shalt  }
0x60: {  	_ =	shalt  }
0x61: {  	_ =	shalt  }
0x62: {  	_ =	shalt  }
0x63: {  	_ =	shalt  }
0x64: {  	_ =	shalt  }
0x65: {  	_ =	shalt  }
0x66: {  	_ =	shalt  }
0x67: {  	_ =	shalt  }
0x68: {  	_ =	shalt  }
0x69: {  	_ =	shalt  }
0x6a: {  	_ =	shalt  }
0x6b: {  	_ =	shalt  }
0x6c: {  	_ =	shalt  }
0x6d: {  	_ =	shalt  }
0x6e: {  	_ =	shalt  }
0x6f: {  	_ =	shalt  }
0x70: {  	_ =	shalt  }
0x71: {  	_ =	shalt  }
0x72: {  	_ =	shalt  }
0x73: {  	_ =	shalt  }
0x74: {  	_ =	shalt  }
0x75: {  	_ =	shalt  }
0x76: {  	_ =	shalt  }
0x77: {  	_ =	shalt  }
0x78: {  	_ =	shalt  }
0x79: {  	_ =	shalt  }
0x7a: {  	_ =	shalt  }
0x7b: {  	_ =	shalt  }
0x7c: {  	_ =	shalt  }
0x7d: {  	_ =	shalt  }
0x7e: {  	_ =	shalt  }
0x7f: {  	_ =	shalt  }
0x80: {  	_ =	shalt  }
0x81: {  	_ =	shalt  }
0x82: {  	_ =	shalt  }
0x83: {  	_ =	shalt  }
0x84: {  	_ =	shalt  }
0x85: {  	_ =	shalt  }
0x86: {  	_ =	shalt  }
0x87: {  	_ =	shalt  }
.Lfunc_end0:
.L_simem_size_0:
called_computation_lowered:
.L_overlay_start_0:
0x88: {  	s2 =	sld [smem:$0x3FD9]  }
0x89: {  	s3 =	sld [smem:$0x3FFE];
	_ =	sdelay $0x1  }
0x8a: {  	s1 =	srdreg.scid  }
0x8b: {  	s0 =	sand.u32 $0x1, s1  }
0x8c: {  	s16 =	sshll.u32 s0, $0xA;
	s2 =	sadd.s32 s3, s2  }
0x8d: {  	s2 =	sadd.s32 s2, s16  }
0x8e: {  	[smem:$0x3FB7] =	sst s2  }
0x8f: {  	_ = 	snop  }
0x90: {  	(tm) =	ssettm $0x1  }
0x91: {  	s17 =	sld [smem:$0x3FFB];
	_ =	sdelay $0x3  }
0x92: {  	_ =	strace s17  }
0x93: {  	s2 =	sld [smem:$0x3FFC];
	_ =	sdelay $0x3  }
0x94: {  	_ =	strace s2  }
0x95: {  	s2 =	sld [smem:$0x3FFD];
	_ =	sdelay $0x3  }
0x96: {  	_ =	strace s2  }
0x97: {  	_ =	strace $0x8FFFFFFF  }
0x98: {  	s18 =	sld [smem:$0x3FDB];
	_ =	sdelay $0x1  }
0x99: {  	s19 =	simm.s32 $_scs_section_size  }
0x9a: {  	s4 =	simm.s32 $_size__tile_overlayer_lowered;
	s5 =	simm.s32 $_tile_overlayer_lowered  }
0x9b: {  	s22 =	simm.s32 $0x1BFF;
	s21 =	sshll.u32 s5, $0x1;
	s2 =	sadd.s32 s19, s18  }
0x9c: {  	s6 =	simm.s32 $0x0;
	s20 =	sshll.u32 s4, $0x1;
	s4 =	sadd.s32 s21, s2  }
0x9d: {  	[timem:s6], [sflag:s22] =	dma.local [hbm:s4], s20  }
0x9e: {  	_ =	swait.ge [sflag:s22], s20  }
0x9f: {  	s3 =	ssub.s32 $0x0, s20;
	[sflag:s22] =	ssyncset.done $0x0  }
0xa0: {  	[sflag:s22] =	ssyncadd.s32 s3;
	_ =	sdelay $0x1  }
0xa1: {  	s23 =	simm.s32 $0x1B8B  }
0xa2: {  	_ =	swait.ge [sflag:s23], $0x1  }
0xa3: {  	[sflag:s23] =	ssyncset.done $0x0  }
0xa4: {  	s25 =	simm.s32 $0x1B8E;
	s24 =	sld [smem:$0x3FFE];
	[sflag:s23] =	ssyncadd.s32 $0xFFFFFFFF  }
0xa5: {  	s26 =	simm.s32 $execute0_lowered;
	[smem:$0x3FD2] =	sst s25  }
0xa6: {  	s4 =	sshll.u32 s26, $0x1;
	_ =	strace $0x80000046;
	[dreg:$0x1] =	wrdreg $0xFFFFFFFF  }
0xa7: {  	s28 =	simm.s32 $_size_execute0_lowered;
	s2 =	sadd.s32 s2, s4;
	[dreg:$0x0] =	wrdreg $0x0  }
0xa8: {  	s4 =	sshll.u32 s28, $0x1;
	[dreg:$0x2] =	wrdreg s2  }
0xa9: {  	[dreg:$0x3] =	wrdreg s4  }
0xaa: {  	[dreg:$0x4] =	wrdreg $0xC0  }
0xab: {  	_ =	task [dreg:s6], $0x5FFFF  }
0xac: {  	[dreg:$0x1] =	wrdreg $0xFFFFFFFF  }
0xad: {  	[dreg:$0x0] =	wrdreg $0x60  }
0xae: {  	[dreg:$0x2] =	wrdreg s24  }
0xaf: {  	[dreg:$0x3] =	wrdreg $0x68000  }
0xb0: {  	[dreg:$0x4] =	wrdreg $0x9  }
0xb1: {  	_ =	task.clear_ibuf [dreg:s6], $0x5FFFF;
	_ =	strace $0x90000046  }
0xb2: {  	s29 =	simm.s32 $0x9;
	_ =	strace $0x80000048  }
0xb3: {  	_ =	swait.ge [sflag:s29], $0x1  }
0xb4: {  	[sflag:s29] =	ssyncadd.s32 $0xFFFFFFFF  }
0xb5: {  	_ =	strace $0x90000048  }
0xb6: {  	_ =	sfence  }
0xb7: {  	s30 =	sld [smem:$0x0];
	_ =	sdelay $0x2  }
0xb8: {  	s31 =	sshll.u32 s1, $0xD;
	s1 =	sshrl.u32 s1, $0x2  }
0xb9: {  	s3 =	sand.u32 $0x4000, s31;
	s1 =	sadd.s32 s1, s30  }
0xba: {  	s0 =	sor.u32 s3, s0;
	s1 =	sshll.u32 s1, $0x11  }
0xbb: {  	s0 =	sor.u32 s1, s0  }
0xbc: {  	s0 =	sadd.s32 $0x8F2B, s0  }
0xbd: {  	[sflag:s0] =	ssyncadd.remote.s32 $0x1  }
0xbe: {  	_ =	sfence.sel $0xFFFF  }
0xbf: {  	[dreg:$0x0] =	wrdreg $0xFFFFFFFF;
	(pc) =	sbr.abs _section_cstart, $3  }
0xc0: {  	[dreg:$0x1] =	wrdreg $0xFFFFFFFF  }
0xc1: {  	_ =	task.clear_ibuf [dreg:s6], $0x2FFFF;
	_ =	strace $0x9FFFFFFF  }
0xc2: {  	(tm) =	ssettm $0x7FFFFFFF  }
0xc3: {  	_ =	shalt  }
tec
execute0_lowered:
.L_overlay_start_1:
0x0: {  	(tag) =	ssettag $0x1  }
0x1: {  	s1 =	srdreg.scid  }
0x2: {  	s0 =	stileid.u32;
	s6 =	rddreg [dreg:$0x0]  }
0x3: {  	s2 =	rddreg [dreg:$0x1];
	s3 =	simm.s32 $0x0;
	s5 =	sand.u32 $0x1, s1  }
0x4: {  	s22 =	sshll.u32 s0, $0x1;
	s1 =	rddreg [dreg:$0x2];
	s7 =	smul.u32 $0x50000, s0  }
0x5: {  	[smem:$0x7FF] =	sst s3;
	s13 =	smul.u32 $0x14000, s0;
	s14 =	sadd.s32 $0x18C00, s6  }
0x6: {  	s4 =	sor.u32 s5, s22;
	_ =	strace $0x80000047;
	s12 =	smul.u32 $0x140000, s5  }
0x7: {  	s9 =	ssub.s32 $0x2, s5;
	s5 =	sadd.s32 $0x17C00, s6;
	s4 =	smul.u32 $0x500, s4  }
0x8: {  	s23 =	sshrl.u32 s9, $0x1;
	s7 =	sshrl.u32 s7, $0x2;
	s11 =	sadd.s32 $0x4000, s13  }
0x9: {  	s15 =	sadd.s32 $0x8000, s13;
	s28 =	sadd.s32 $0xC000, s13;
	s9 =	ssub.s32 s9, s23  }
0xa: {  	s10 =	sadd.s32 s12, s13;
	s7 =	sadd.s32 s7, s2;
	s25 =	sadd.s32 s12, s11  }
0xb: {  	s20 =	sadd.s32 s12, s15;
	s22 =	sadd.s32 s11, s2;
	s21 =	sadd.s32 s12, s28  }
0xc: {  	s23 =	sadd.s32 $0x10000, s13;
	s8 =	sadd.s32 s4, s6;
	s4 =	sadd.s32 $0x18400, s6  }
0xd: {  	s24 =	sshrl.u32 s10, $0x3;
	s9 =	smax.u32 s9, $0x1;
	s16 =	sadd.s32 $0x4000, s7  }
0xe: {  	s17 =	sadd.s32 $0x8000, s7;
	s18 =	sadd.s32 $0xC000, s7;
	s10 =	sshrl.u32 s25, $0x3  }
0xf: {  	s19 =	sadd.s32 $0x10000, s7;
	s26 =	sshrl.u32 s20, $0x3;
	s29 =	sshrl.u32 s21, $0x3  }
0x10: {  	s30 =	sadd.s32 s12, s23;
	s25 =	sadd.s32 s28, s2;
	s20 =	simm.s32 $0x80  }
0x11: {  	s21 =	simm.s32 $0x1;
	s22 =	sshrl.u32 s22, $0x3;
	s6 =	sadd.s32 $0x3C00, s8  }
0x12: {  	s8 =	sadd.s32 s14, s24;
	s10 =	sadd.s32 s14, s10;
	s11 =	sadd.s32 s14, s26  }
0x13: {  	s24 =	sadd.s32 s15, s2;
	s12 =	sadd.s32 s14, s29;
	s31 =	sshrl.u32 s30, $0x3  }
0x14: {  	s26 =	sadd.s32 s23, s2;
	s15 =	simm.s32 $0x2;
	s16 =	sshrl.u32 s16, $0x3  }
0x15: {  	s17 =	sshrl.u32 s17, $0x3;
	s18 =	sshrl.u32 s18, $0x3;
	s19 =	sshrl.u32 s19, $0x3  }
0x16: {  	s13 =	sadd.s32 s14, s31;
	s14 =	simm.s32 $0x2800;
	s23 =	sshrl.u32 s24, $0x3  }
0x17: {  	s24 =	sshrl.u32 s25, $0x3;
	s25 =	sshrl.u32 s26, $0x3;
	s26 =	simm.s32 $0x0  }
.LBB2_1:
0x18: {  	[tilespmem:s14], [sflag:$0x2] =	stream.linear.gather [hbm4b:s4+s3], $0x4000, $0x38;
	[tilespmem:$0x1A800] =	vst v63  }
0x19: {  	_ =	swait.ge [sflag:s15], $0x4000  }
0x1a: {  	[sflag:s15] =	ssyncset.done $0x0  }
0x1b: {  	[sflag:s15] =	ssyncadd.s32 $0xFFFFC000  }
0x1c: {  	[tilespmem:s3], [sflag:$0x2] =	stream.linear.gather [hbm4b:s6+s3], $0x2800, $0x38;
	[tilespmem:$0x1A800] =	vst v63  }
0x1d: {  	_ =	swait.ge [sflag:s15], $0x2800  }
0x1e: {  	s28 =	sshll.u32 s0, $0x6;
	[sflag:s15] =	ssyncset.done $0x0  }
0x1f: {  	s29 =	sshrl.u32 s7, $0x3;
	s28 =	sor.u32 $0x1C02, s28;
	[sflag:s15] =	ssyncadd.s32 $0xFFFFD800  }
0x20: {  	[spmem:s29], [sflag:s28] =	dma.local [hbm:s5], $0x800  }
0x21: {  	_ =	swait.ge [sflag:s15], $0x800  }
0x22: {  	[sflag:s15] =	ssyncset.done $0x0  }
0x23: {  	[sflag:s15] =	ssyncadd.s32 $0xFFFFF800  }
0x24: {  	[spmem:s16], [sflag:s28] =	dma.local [hbm:s5], $0x800  }
0x25: {  	_ =	swait.ge [sflag:s15], $0x800  }
0x26: {  	[sflag:s15] =	ssyncset.done $0x0  }
0x27: {  	[sflag:s15] =	ssyncadd.s32 $0xFFFFF800  }
0x28: {  	[spmem:s17], [sflag:s28] =	dma.local [hbm:s5], $0x800  }
0x29: {  	_ =	swait.ge [sflag:s15], $0x800  }
0x2a: {  	[sflag:s15] =	ssyncset.done $0x0  }
0x2b: {  	[sflag:s15] =	ssyncadd.s32 $0xFFFFF800  }
0x2c: {  	[spmem:s18], [sflag:s28] =	dma.local [hbm:s5], $0x800  }
0x2d: {  	_ =	swait.ge [sflag:s15], $0x800  }
0x2e: {  	[sflag:s15] =	ssyncset.done $0x0  }
0x2f: {  	[sflag:s15] =	ssyncadd.s32 $0xFFFFF800  }
0x30: {  	[spmem:s19], [sflag:s28] =	dma.local [hbm:s5], $0x800  }
0x31: {  	_ =	swait.ge [sflag:s15], $0x800  }
0x32: {  	[sflag:s15] =	ssyncset.done $0x0  }
0x33: {  	[sflag:s15] =	ssyncadd.s32 $0xFFFFF800  }
0x34: {  	s30 =	simm.s32 $0x0;
	[bflag:$0x0] =	sbarrier.arrive $0xFFFF  }
.LBB2_2:
0x35: {  	p0 =	sne.s32 s30, $0x9E00  }
.Ltmp0:
0x36: {  	_ = 	snop;
	(pc) =	sbr.rel @p0 .LBB2_2-.Ltmp0, $3  }
0x37: {  	_ =	sdelay $0x1  }
0x38: {  	s31 =	sshra.s32 s30, $0x2;
	s30 =	sadd.s32 $0x200, s30  }
0x39: {  	[spmem:s2] =	stream.indirect.scatter.add.f32 [tilespmem:s14], [sflag:$0x1], $0x80, s31, s20, $0xb8;
	[tilespmem:$0x1A800] =	vst v63  }
0x3a: {  	_ =	swait.ge [sflag:s21], $0x4000  }
0x3b: {  	s30 =	simm.s32 $0x4F;
	[sflag:s21] =	ssyncset.done $0x0  }
.LBB2_4:
0x3c: {  	p0 =	sne.s32 s30, $0x1;
	s30 =	sadd.s32 $0xFFFFFFFF, s30;
	[sflag:s21] =	ssyncadd.s32 $0xFFFFC000  }
.Ltmp1:
0x3d: {  	(pc) =	sbr.rel @p0 .LBB2_4-.Ltmp1, $3  }
0x3e: {  	_ =	sdelay $0x1  }
0x3f: {  	_ =	swait.ge [sflag:s21], $0x4000  }
0x40: {  	[sflag:s21] =	ssyncset.done $0x0  }
0x41: {  	[sflag:s21] =	ssyncadd.s32 $0xFFFFC000  }
0x42: {  	[bflag:$0x0] =	sbarrier.arrive $0xFFFF  }
0x43: {  	[hbm:s8], [sflag:s28] =	dma.local [spmem:s29], $0x800  }
0x44: {  	_ =	swait.ge [sflag:s15], $0x800  }
0x45: {  	[sflag:s15] =	ssyncset.done $0x0  }
0x46: {  	[sflag:s15] =	ssyncadd.s32 $0xFFFFF800  }
0x47: {  	[hbm:s10], [sflag:s28] =	dma.local [spmem:s22], $0x800  }
0x48: {  	_ =	swait.ge [sflag:s15], $0x800  }
0x49: {  	[sflag:s15] =	ssyncset.done $0x0  }
0x4a: {  	[sflag:s15] =	ssyncadd.s32 $0xFFFFF800  }
0x4b: {  	[hbm:s11], [sflag:s28] =	dma.local [spmem:s23], $0x800  }
0x4c: {  	_ =	swait.ge [sflag:s15], $0x800  }
0x4d: {  	[sflag:s15] =	ssyncset.done $0x0  }
0x4e: {  	[sflag:s15] =	ssyncadd.s32 $0xFFFFF800  }
0x4f: {  	[hbm:s12], [sflag:s28] =	dma.local [spmem:s24], $0x800  }
0x50: {  	s26 =	sadd.s32 $0x1, s26;
	_ =	swait.ge [sflag:s15], $0x800  }
0x51: {  	p0 =	sne.s32 s26, s9;
	[sflag:s15] =	ssyncset.done $0x0  }
.Ltmp2:
0x52: {  	[sflag:s15] =	ssyncadd.s32 $0xFFFFF800;
	(pc) =	sbr.rel @p0 .LBB2_1-.Ltmp2, $4  }
0x53: {  	[hbm:s13], [sflag:s28] =	dma.local [spmem:s25], $0x800  }
0x54: {  	_ =	swait.ge [sflag:s15], $0x800  }
0x55: {  	[sflag:s15] =	ssyncset.done $0x0  }
0x56: {  	[sflag:s15] =	ssyncadd.s32 $0xFFFFF800  }
0x57: {  	_ =	sfence.sel $0x180000  }
0x58: {  	[bflag:$0x0] =	sbarrier.arrive $0xFFFF  }
0x59: {  	p0 =	sne.s32 s0, $0x0;
	_ =	strace $0x90000047  }
0x5a: {  	s0 =	sadd.s32 @!p0 $0x100000, s1;
	[bflag:$0x2] =	sbarrier.arrive $0xFFFF  }
0x5b: {  	[sflag:s0] =	ssyncadd.tile.s32 @!p0 $0x1;
	_ =	shalt  }
.Lfunc_end2:
_tile_overlayer_lowered:
.L_overlay_start_2:
0x5c: {  	(tag) =	ssettag $0x2  }
0x5d: {  	s0 =	rddreg [dreg:$0x0];
	s2 =	stileid.u32  }
0x5e: {  	s1 =	rddreg [dreg:$0x1];
	p0 =	sne.s32 s2, $0x0  }
0x5f: {  	s3 =	rddreg [dreg:$0x2];
	[bflag:$0x3] =	sbarrier.arrive $0xFFFF;
	s2 =	simm.s32 @!p0 $0x1C02  }
0x60: {  	[timem:s3], [sflag:s2] =	dma.local @!p0 [hbm:s0], s1  }
0x61: {  	s0 =	simm.s32 @!p0 $0x2  }
0x62: {  	_ =	swait.ge @!p0 [sflag:s0], s1  }
0x63: {  	s1 =	ssub.s32 @!p0 $0x0, s1;
	[sflag:s0] =	ssyncset.done @!p0 $0x0  }
0x64: {  	[sflag:s0] =	ssyncadd.s32 @!p0 s1  }
0x65: {  	[bflag:$0x3] =	sbarrier.arrive $0xFFFF  }
0x66: {  	_ =	shalt  }

</sc_bundles>
